<compile_context>
chip_gen: v7x
topology: tpu7x:2x2x1
jax: 0.10.2.dev20260603
libtpu: 0.0.44.dev20260713+nightly
codegen_flags: <defaults>
</compile_context>

<pallas_src>
import functools

import jax
import jax.numpy as jnp
from jax import lax
from jax.experimental import pallas as pl
from jax.experimental.pallas import tpu as pltpu
from jax.experimental.pallas import tpu_sc as plsc

NUM_EMBS = 1000000
EMB_SIZE = 32
BATCH = 16384
HIST = 50

_NC = 2
_NS = 16
_NW = _NC * _NS

_SPW = BATCH // _NW
_G = 16
_NB = 2
_NGRP = _SPW // _G
_IW = 128

_PREP_BLK = 2048

_TBLK = 12800
_TROWS = _TBLK * EMB_SIZE // 128


def _tprep_body(tab_ref, out_ref):
  y = tab_ref[...].T.reshape(_TROWS, 4, EMB_SIZE)
  eye = jnp.eye(128, dtype=jnp.float32)
  acc = jnp.zeros((_TROWS, 128), jnp.float32)
  for a in range(4):
    acc = acc + jax.lax.dot(y[:, a, :],
                            eye[EMB_SIZE * a:EMB_SIZE * (a + 1), :],
                            preferred_element_type=jnp.float32)
  out_ref[...] = acc


_tprep = pl.pallas_call(
    _tprep_body,
    grid=(pl.cdiv(NUM_EMBS, _TBLK),),
    in_specs=[pl.BlockSpec((EMB_SIZE, _TBLK), lambda i: (0, i))],
    out_specs=pl.BlockSpec((_TROWS, 128), lambda i: (i, 0)),
    out_shape=jax.ShapeDtypeStruct((NUM_EMBS * EMB_SIZE // 128, 128),
                                   jnp.float32),
)


def _prep_body(idx_ref, out_ref):
  x = idx_ref[...]
  pad = jnp.broadcast_to(x[:, :1], (_PREP_BLK, _IW - HIST))
  out_ref[...] = jnp.concatenate([x, pad], axis=1)


_prep = pl.pallas_call(
    _prep_body,
    grid=(BATCH // _PREP_BLK,),
    in_specs=[pl.BlockSpec((_PREP_BLK, HIST), lambda i: (i, 0))],
    out_specs=pl.BlockSpec((_PREP_BLK, _IW), lambda i: (i, 0)),
    out_shape=jax.ShapeDtypeStruct((BATCH, _IW), jnp.int32),
)


def _make_gather():
  mesh = plsc.VectorSubcoreMesh(core_axis_name="c", subcore_axis_name="s")

  @functools.partial(
      pl.kernel,
      mesh=mesh,
      compiler_params=pltpu.CompilerParams(use_tc_tiling_on_sc=False),
      out_type=jax.ShapeDtypeStruct((BATCH, HIST, EMB_SIZE), jnp.float32),
      scratch_types=[
          pltpu.VMEM((_SPW, 56), jnp.int32),
          pltpu.VMEM((_NB, _G, 56, EMB_SIZE), jnp.float32),
          pltpu.SemaphoreType.DMA,
          pltpu.SemaphoreType.DMA((_NB,)),
      ],
  )
  def gather_kernel(idx_hbm, tab_hbm, out_hbm, idx_v, rows_v, gsem, wsem):
    wid = lax.axis_index("s") * _NC + lax.axis_index("c")
    base_samp = wid * _SPW
    pltpu.sync_copy(
        idx_hbm.at[pl.ds(base_samp, _SPW), pl.ds(0, 56)], idx_v)

    def group_pair(gp, carry):
      for b in range(_NB):
        g = gp * _NB + b
        buf = rows_v.at[b]
        @pl.when(gp > 0)
        def _():
          pltpu.make_async_copy(
              buf.at[:, pl.ds(0, HIST)],
              out_hbm.at[pl.ds(base_samp, _G)], wsem.at[b]).wait()

        handles = []
        for j in range(_G):
          handles.append(pltpu.async_copy(
              tab_hbm.at[idx_v.at[g * _G + j]], buf.at[j], gsem))
        for h in handles:
          h.wait()
        pltpu.async_copy(buf.at[:, pl.ds(0, HIST)],
                         out_hbm.at[pl.ds(base_samp + g * _G, _G)],
                         wsem.at[b])
      return carry

    lax.fori_loop(0, _NGRP // _NB, group_pair, 0)
    for b in range(_NB):
      pltpu.make_async_copy(
          rows_v.at[b, :, pl.ds(0, HIST)],
          out_hbm.at[pl.ds(base_samp, _G)], wsem.at[b]).wait()

  return gather_kernel


_gather = _make_gather()


def kernel(indices, table):
  idx_padded = _prep(indices.astype(jnp.int32))
  table_flat = _tprep(table.T).reshape(NUM_EMBS, EMB_SIZE)
  return _gather(idx_padded, table_flat)

# --- scband reference (transcript-rebuilt; emitter-appended) ---
"""Pipeline reference for scband-embedding-module-8469675508114 (READ-ONLY COPY).

The authoritative reference and input builder live on the scoring server;
editing this copy changes nothing except your own understanding.
"""

import jax, jax.numpy as jnp
import numpy as np

NUM_EMBS = 1000000
EMB_SIZE = 32
BATCH = 16384
HIST = 50

def setup_inputs(seed: int = 0) -> dict:
    key = jax.random.key(seed)
    k_idx, k_tab = jax.random.split(key)
    indices = jax.random.randint(k_idx, (BATCH, HIST), 0, NUM_EMBS, dtype=jnp.int64)
    # nn.Embedding default init: N(0, 1)
    table = jax.random.normal(k_tab, (NUM_EMBS, EMB_SIZE), dtype=jnp.float32)
    return {"indices": indices, "table": table}

def reference(indices, table):
    # nn.Embedding forward: row gather from the embedding table
    return jnp.take(table, indices, axis=0)

if __name__ == "__main__":
    import jax
    _d = setup_inputs()
    print(jax.jit(kernel)(*tuple(_d.values())))

</pallas_src>

<mosaic_0001>
#map = affine_map<(d0, d1) -> (0, 0)>
#map1 = affine_map<(d0, d1) -> (0, 0, 0)>
module attributes {stable_mosaic.version = 14 : i64} {
  func.func @gather_kernel(%arg0: i32, %arg1: i32, %arg2: memref<16384x128xi32, #tpu.memory_space<hbm>>, %arg3: memref<1000000x32xf32, #tpu.memory_space<hbm>>, %arg4: memref<16384x50x32xf32, #tpu.memory_space<hbm>>, %arg5: memref<512x56xi32, #tpu.memory_space<vmem>>, %arg6: memref<2x16x56x32xf32, #tpu.memory_space<vmem>>, %arg7: memref<!tpu.dma_semaphore, #tpu.memory_space<semaphore_mem>>, %arg8: memref<2x!tpu.dma_semaphore, #tpu.memory_space<semaphore_mem>>) attributes {dimension_semantics = [#tpu.dimension_semantics<core_parallel>, #tpu.dimension_semantics<subcore_parallel>], iteration_bounds = array<i64: 2, 16>, scalar_prefetch = 0 : i64, scratch_operands = 4 : i64, tpu.core_type = #tpu.core_type<sc_vector_subcore>, window_params = [{transform_indices = #map}, {transform_indices = #map}, {transform_indices = #map1}]} {
    %mul3A = arith.constant 2 : i32
    %mul3A_0 = arith.muli %arg1, %mul3A : i32
    %add3A = arith.addi %mul3A_0, %arg0 : i32
    %mul3A_1 = arith.constant 512 : i32
    %mul3A_2 = arith.muli %add3A, %mul3A_1 : i32
    "tpu.region"() ({
      %run_scoped3A = tpu.sem_alloc : memref<!tpu.dma_semaphore, #tpu.memory_space<semaphore_mem>>
      %dma_start3A = arith.constant 0 : i32
      %dma_start3A_47 = tpu.memref_slice %arg2[%mul3A_2, %dma_start3A] : memref<16384x128xi32, #tpu.memory_space<hbm>> -> memref<512x56xi32, #tpu.memory_space<hbm>>
      %dma_start3A_48 = arith.constant 0 : i32
      %dma_start3A_49 = tpu.memref_slice %arg2[%mul3A_2, %dma_start3A_48] : memref<16384x128xi32, #tpu.memory_space<hbm>> -> memref<512x56xi32, #tpu.memory_space<hbm>>
      tpu.enqueue_dma source(%dma_start3A_49 : memref<512x56xi32, #tpu.memory_space<hbm>>) target(%arg5 : memref<512x56xi32, #tpu.memory_space<vmem>>) target_semaphore(%run_scoped3A : memref<!tpu.dma_semaphore, #tpu.memory_space<semaphore_mem>>)
      %dma_wait3A_50 = arith.constant 0 : i32
      %dma_wait3A_51 = tpu.memref_slice %arg2[%mul3A_2, %dma_wait3A_50] : memref<16384x128xi32, #tpu.memory_space<hbm>> -> memref<512x56xi32, #tpu.memory_space<hbm>>
      %dma_wait3A_52 = arith.constant 0 : i32
      %dma_wait3A_53 = tpu.memref_slice %arg2[%mul3A_2, %dma_wait3A_52] : memref<16384x128xi32, #tpu.memory_space<hbm>> -> memref<512x56xi32, #tpu.memory_space<hbm>>
      tpu.wait_dma2 semaphore(%run_scoped3A : memref<!tpu.dma_semaphore, #tpu.memory_space<semaphore_mem>>) src(%dma_wait3A_53 : memref<512x56xi32, #tpu.memory_space<hbm>>) dst(%arg5 : memref<512x56xi32, #tpu.memory_space<vmem>>)
      tpu.yield
    }) : () -> ()
    %scan3A = arith.constant 0 : i32
    %scan3A_3 = arith.constant 0 : i32
    %scan3A_4 = arith.constant 16 : i32
    %scan3A_5 = arith.addi %scan3A_3, %scan3A_4 : i32
    %scan3A_6 = arith.constant 1 : i32
    scf.for %scan3A_47 = %scan3A_3 to %scan3A_5 step %scan3A_6  : i32 {
      %mul3A_48 = arith.constant 2 : i32
      %mul3A_49 = arith.muli %scan3A_47, %mul3A_48 : i32
      %add3A_50 = arith.constant 0 : i32
      %add3A_51 = arith.addi %mul3A_49, %add3A_50 : i32
      %gt3A = arith.constant 0 : i32
      %gt3A_52 = arith.cmpi sgt, %scan3A_47, %gt3A : i32
      %convert_element_type3A = arith.extui %gt3A_52 : i1 to i32
      %cond3A = arith.constant 0 : i32
      %cond3A_53 = arith.constant 0 : i32
      %cond3A_54 = arith.cmpi ne, %convert_element_type3A, %cond3A_53 : i32
      scf.if %cond3A_54 {
        %dma_wait3A_1342 = arith.constant 0 : i32
        %dma_wait3A_1343 = arith.constant 0 : i32
        %dma_wait3A_1344 = arith.constant 0 : i32
        %dma_wait3A_1345 = arith.constant 0 : i32
        %dma_wait3A_1346 = tpu.memref_slice %arg6[%cond3A, %dma_wait3A_1343, %dma_wait3A_1344, %dma_wait3A_1345] : memref<2x16x56x32xf32, #tpu.memory_space<vmem>> -> memref<1x16x56x32xf32, #tpu.memory_space<vmem>>
        %dma_wait3A_1347 = tpu.memref_squeeze %dma_wait3A_1346 : memref<1x16x56x32xf32, #tpu.memory_space<vmem>> -> memref<16x56x32xf32, #tpu.memory_space<vmem>>
        %dma_wait3A_1348 = arith.constant 0 : i32
        %dma_wait3A_1349 = arith.constant 0 : i32
        %dma_wait3A_1350 = arith.constant 0 : i32
        %dma_wait3A_1351 = tpu.memref_slice %dma_wait3A_1347[%dma_wait3A_1348, %dma_wait3A_1349, %dma_wait3A_1350] : memref<16x56x32xf32, #tpu.memory_space<vmem>> -> memref<16x50x32xf32, #tpu.memory_space<vmem>>
        %dma_wait3A_1352 = arith.constant 0 : i32
        %dma_wait3A_1353 = arith.constant 0 : i32
        %dma_wait3A_1354 = tpu.memref_slice %arg4[%mul3A_2, %dma_wait3A_1352, %dma_wait3A_1353] : memref<16384x50x32xf32, #tpu.memory_space<hbm>> -> memref<16x50x32xf32, #tpu.memory_space<hbm>>
        %dma_wait3A_1355 = tpu.memref_slice %arg8[%dma_wait3A_1342] : memref<2x!tpu.dma_semaphore, #tpu.memory_space<semaphore_mem>> -> memref<1x!tpu.dma_semaphore, #tpu.memory_space<semaphore_mem>>
        %dma_wait3A_1356 = tpu.memref_squeeze %dma_wait3A_1355 : memref<1x!tpu.dma_semaphore, #tpu.memory_space<semaphore_mem>> -> memref<!tpu.dma_semaphore, #tpu.memory_space<semaphore_mem>>
        %dma_wait3A_1357 = arith.constant 0 : i32
        %dma_wait3A_1358 = arith.constant 0 : i32
        %dma_wait3A_1359 = tpu.memref_slice %arg4[%mul3A_2, %dma_wait3A_1357, %dma_wait3A_1358] : memref<16384x50x32xf32, #tpu.memory_space<hbm>> -> memref<16x50x32xf32, #tpu.memory_space<hbm>>
        %dma_wait3A_1360 = arith.constant 0 : i32
        %dma_wait3A_1361 = arith.constant 0 : i32
        %dma_wait3A_1362 = arith.constant 0 : i32
        %dma_wait3A_1363 = tpu.memref_slice %arg6[%cond3A, %dma_wait3A_1360, %dma_wait3A_1361, %dma_wait3A_1362] : memref<2x16x56x32xf32, #tpu.memory_space<vmem>> -> memref<1x16x56x32xf32, #tpu.memory_space<vmem>>
        %dma_wait3A_1364 = tpu.memref_squeeze %dma_wait3A_1363 : memref<1x16x56x32xf32, #tpu.memory_space<vmem>> -> memref<16x56x32xf32, #tpu.memory_space<vmem>>
        %dma_wait3A_1365 = arith.constant 0 : i32
        %dma_wait3A_1366 = arith.constant 0 : i32
        %dma_wait3A_1367 = arith.constant 0 : i32
        %dma_wait3A_1368 = tpu.memref_slice %dma_wait3A_1364[%dma_wait3A_1365, %dma_wait3A_1366, %dma_wait3A_1367] : memref<16x56x32xf32, #tpu.memory_space<vmem>> -> memref<16x50x32xf32, #tpu.memory_space<vmem>>
        tpu.wait_dma2 semaphore(%dma_wait3A_1356 : memref<!tpu.dma_semaphore, #tpu.memory_space<semaphore_mem>>) src(%dma_wait3A_1368 : memref<16x50x32xf32, #tpu.memory_space<vmem>>) dst(%dma_wait3A_1359 : memref<16x50x32xf32, #tpu.memory_space<hbm>>)
      } else {
      }
      %mul3A_55 = arith.constant 16 : i32
      %mul3A_56 = arith.muli %add3A_51, %mul3A_55 : i32
      %add3A_57 = arith.constant 0 : i32
      %add3A_58 = arith.addi %mul3A_56, %add3A_57 : i32
      %dma_start3A = arith.constant 0 : i32
      %dma_start3A_59 = arith.constant 0 : i32
      %dma_start3A_60 = arith.constant 0 : i32
      %dma_start3A_61 = arith.constant 0 : i32
      %dma_start3A_62 = arith.constant 0 : i32
      %dma_start3A_63 = tpu.memref_slice %arg6[%dma_start3A, %dma_start3A_60, %dma_start3A_61, %dma_start3A_62] : memref<2x16x56x32xf32, #tpu.memory_space<vmem>> -> memref<1x16x56x32xf32, #tpu.memory_space<vmem>>
      %dma_start3A_64 = tpu.memref_squeeze %dma_start3A_63 : memref<1x16x56x32xf32, #tpu.memory_space<vmem>> -> memref<16x56x32xf32, #tpu.memory_space<vmem>>
      %dma_start3A_65 = arith.constant 0 : i32
      %dma_start3A_66 = arith.constant 0 : i32
      %dma_start3A_67 = tpu.memref_slice %dma_start3A_64[%dma_start3A_59, %dma_start3A_65, %dma_start3A_66] : memref<16x56x32xf32, #tpu.memory_space<vmem>> -> memref<1x56x32xf32, #tpu.memory_space<vmem>>
      %dma_start3A_68 = tpu.memref_squeeze %dma_start3A_67 : memref<1x56x32xf32, #tpu.memory_space<vmem>> -> memref<56x32xf32, #tpu.memory_space<vmem>>
      %dma_start3A_69 = arith.constant 0 : i32
      %dma_start3A_70 = tpu.memref_slice %arg5[%add3A_58, %dma_start3A_69] : memref<512x56xi32, #tpu.memory_space<vmem>> -> memref<1x56xi32, #tpu.memory_space<vmem>>
      %dma_start3A_71 = tpu.memref_squeeze %dma_start3A_70 : memref<1x56xi32, #tpu.memory_space<vmem>> -> memref<56xi32, #tpu.memory_space<vmem>>
      %dma_start3A_72 = arith.constant 0 : i32
      %dma_start3A_73 = arith.constant 0 : i32
      %dma_start3A_74 = tpu.memref_slice %arg3[%dma_start3A_72, %dma_start3A_73] : memref<1000000x32xf32, #tpu.memory_space<hbm>> -> memref<1000000x32xf32, #tpu.memory_space<hbm>>
      tpu.enqueue_indirect_dma source(%dma_start3A_74 : memref<1000000x32xf32, #tpu.memory_space<hbm>>) target(%dma_start3A_68 : memref<56x32xf32, #tpu.memory_space<vmem>>) offsets(%dma_start3A_71 : memref<56xi32, #tpu.memory_space<vmem>>) semaphore(%arg7 : memref<!tpu.dma_semaphore, #tpu.memory_space<semaphore_mem>>)
      %mul3A_75 = arith.constant 16 : i32
      %mul3A_76 = arith.muli %add3A_51, %mul3A_75 : i32
      %add3A_77 = arith.constant 1 : i32
      %add3A_78 = arith.addi %mul3A_76, %add3A_77 : i32
      %dma_start3A_79 = arith.constant 0 : i32
      %dma_start3A_80 = arith.constant 1 : i32
      %dma_start3A_81 = arith.constant 0 : i32
      %dma_start3A_82 = arith.constant 0 : i32
      %dma_start3A_83 = arith.constant 0 : i32
      %dma_start3A_84 = tpu.memref_slice %arg6[%dma_start3A_79, %dma_start3A_81, %dma_start3A_82, %dma_start3A_83] : memref<2x16x56x32xf32, #tpu.memory_space<vmem>> -> memref<1x16x56x32xf32, #tpu.memory_space<vmem>>
      %dma_start3A_85 = tpu.memref_squeeze %dma_start3A_84 : memref<1x16x56x32xf32, #tpu.memory_space<vmem>> -> memref<16x56x32xf32, #tpu.memory_space<vmem>>
      %dma_start3A_86 = arith.constant 0 : i32
      %dma_start3A_87 = arith.constant 0 : i32
      %dma_start3A_88 = tpu.memref_slice %dma_start3A_85[%dma_start3A_80, %dma_start3A_86, %dma_start3A_87] : memref<16x56x32xf32, #tpu.memory_space<vmem>> -> memref<1x56x32xf32, #tpu.memory_space<vmem>>
      %dma_start3A_89 = tpu.memref_squeeze %dma_start3A_88 : memref<1x56x32xf32, #tpu.memory_space<vmem>> -> memref<56x32xf32, #tpu.memory_space<vmem>>
      %dma_start3A_90 = arith.constant 0 : i32
      %dma_start3A_91 = tpu.memref_slice %arg5[%add3A_78, %dma_start3A_90] : memref<512x56xi32, #tpu.memory_space<vmem>> -> memref<1x56xi32, #tpu.memory_space<vmem>>
      %dma_start3A_92 = tpu.memref_squeeze %dma_start3A_91 : memref<1x56xi32, #tpu.memory_space<vmem>> -> memref<56xi32, #tpu.memory_space<vmem>>
      %dma_start3A_93 = arith.constant 0 : i32
      %dma_start3A_94 = arith.constant 0 : i32
      %dma_start3A_95 = tpu.memref_slice %arg3[%dma_start3A_93, %dma_start3A_94] : memref<1000000x32xf32, #tpu.memory_space<hbm>> -> memref<1000000x32xf32, #tpu.memory_space<hbm>>
      tpu.enqueue_indirect_dma source(%dma_start3A_95 : memref<1000000x32xf32, #tpu.memory_space<hbm>>) target(%dma_start3A_89 : memref<56x32xf32, #tpu.memory_space<vmem>>) offsets(%dma_start3A_92 : memref<56xi32, #tpu.memory_space<vmem>>) semaphore(%arg7 : memref<!tpu.dma_semaphore, #tpu.memory_space<semaphore_mem>>)
      %mul3A_96 = arith.constant 16 : i32
      %mul3A_97 = arith.muli %add3A_51, %mul3A_96 : i32
      %add3A_98 = arith.constant 2 : i32
      %add3A_99 = arith.addi %mul3A_97, %add3A_98 : i32
      %dma_start3A_100 = arith.constant 0 : i32
      %dma_start3A_101 = arith.constant 2 : i32
      %dma_start3A_102 = arith.constant 0 : i32
      %dma_start3A_103 = arith.constant 0 : i32
      %dma_start3A_104 = arith.constant 0 : i32
      %dma_start3A_105 = tpu.memref_slice %arg6[%dma_start3A_100, %dma_start3A_102, %dma_start3A_103, %dma_start3A_104] : memref<2x16x56x32xf32, #tpu.memory_space<vmem>> -> memref<1x16x56x32xf32, #tpu.memory_space<vmem>>
      %dma_start3A_106 = tpu.memref_squeeze %dma_start3A_105 : memref<1x16x56x32xf32, #tpu.memory_space<vmem>> -> memref<16x56x32xf32, #tpu.memory_space<vmem>>
      %dma_start3A_107 = arith.constant 0 : i32
      %dma_start3A_108 = arith.constant 0 : i32
      %dma_start3A_109 = tpu.memref_slice %dma_start3A_106[%dma_start3A_101, %dma_start3A_107, %dma_start3A_108] : memref<16x56x32xf32, #tpu.memory_space<vmem>> -> memref<1x56x32xf32, #tpu.memory_space<vmem>>
      %dma_start3A_110 = tpu.memref_squeeze %dma_start3A_109 : memref<1x56x32xf32, #tpu.memory_space<vmem>> -> memref<56x32xf32, #tpu.memory_space<vmem>>
      %dma_start3A_111 = arith.constant 0 : i32
      %dma_start3A_112 = tpu.memref_slice %arg5[%add3A_99, %dma_start3A_111] : memref<512x56xi32, #tpu.memory_space<vmem>> -> memref<1x56xi32, #tpu.memory_space<vmem>>
      %dma_start3A_113 = tpu.memref_squeeze %dma_start3A_112 : memref<1x56xi32, #tpu.memory_space<vmem>> -> memref<56xi32, #tpu.memory_space<vmem>>
      %dma_start3A_114 = arith.constant 0 : i32
      %dma_start3A_115 = arith.constant 0 : i32
      %dma_start3A_116 = tpu.memref_slice %arg3[%dma_start3A_114, %dma_start3A_115] : memref<1000000x32xf32, #tpu.memory_space<hbm>> -> memref<1000000x32xf32, #tpu.memory_space<hbm>>
      tpu.enqueue_indirect_dma source(%dma_start3A_116 : memref<1000000x32xf32, #tpu.memory_space<hbm>>) target(%dma_start3A_110 : memref<56x32xf32, #tpu.memory_space<vmem>>) offsets(%dma_start3A_113 : memref<56xi32, #tpu.memory_space<vmem>>) semaphore(%arg7 : memref<!tpu.dma_semaphore, #tpu.memory_space<semaphore_mem>>)
      %mul3A_117 = arith.constant 16 : i32
      %mul3A_118 = arith.muli %add3A_51, %mul3A_117 : i32
      %add3A_119 = arith.constant 3 : i32
      %add3A_120 = arith.addi %mul3A_118, %add3A_119 : i32
      %dma_start3A_121 = arith.constant 0 : i32
      %dma_start3A_122 = arith.constant 3 : i32
      %dma_start3A_123 = arith.constant 0 : i32
      %dma_start3A_124 = arith.constant 0 : i32
      %dma_start3A_125 = arith.constant 0 : i32
      %dma_start3A_126 = tpu.memref_slice %arg6[%dma_start3A_121, %dma_start3A_123, %dma_start3A_124, %dma_start3A_125] : memref<2x16x56x32xf32, #tpu.memory_space<vmem>> -> memref<1x16x56x32xf32, #tpu.memory_space<vmem>>
      %dma_start3A_127 = tpu.memref_squeeze %dma_start3A_126 : memref<1x16x56x32xf32, #tpu.memory_space<vmem>> -> memref<16x56x32xf32, #tpu.memory_space<vmem>>
      %dma_start3A_128 = arith.constant 0 : i32
      %dma_start3A_129 = arith.constant 0 : i32
      %dma_start3A_130 = tpu.memref_slice %dma_start3A_127[%dma_start3A_122, %dma_start3A_128, %dma_start3A_129] : memref<16x56x32xf32, #tpu.memory_space<vmem>> -> memref<1x56x32xf32, #tpu.memory_space<vmem>>
      %dma_start3A_131 = tpu.memref_squeeze %dma_start3A_130 : memref<1x56x32xf32, #tpu.memory_space<vmem>> -> memref<56x32xf32, #tpu.memory_space<vmem>>
      %dma_start3A_132 = arith.constant 0 : i32
      %dma_start3A_133 = tpu.memref_slice %arg5[%add3A_120, %dma_start3A_132] : memref<512x56xi32, #tpu.memory_space<vmem>> -> memref<1x56xi32, #tpu.memory_space<vmem>>
      %dma_start3A_134 = tpu.memref_squeeze %dma_start3A_133 : memref<1x56xi32, #tpu.memory_space<vmem>> -> memref<56xi32, #tpu.memory_space<vmem>>
      %dma_start3A_135 = arith.constant 0 : i32
      %dma_start3A_136 = arith.constant 0 : i32
      %dma_start3A_137 = tpu.memref_slice %arg3[%dma_start3A_135, %dma_start3A_136] : memref<1000000x32xf32, #tpu.memory_space<hbm>> -> memref<1000000x32xf32, #tpu.memory_space<hbm>>
      tpu.enqueue_indirect_dma source(%dma_start3A_137 : memref<1000000x32xf32, #tpu.memory_space<hbm>>) target(%dma_start3A_131 : memref<56x32xf32, #tpu.memory_space<vmem>>) offsets(%dma_start3A_134 : memref<56xi32, #tpu.memory_space<vmem>>) semaphore(%arg7 : memref<!tpu.dma_semaphore, #tpu.memory_space<semaphore_mem>>)
      %mul3A_138 = arith.constant 16 : i32
      %mul3A_139 = arith.muli %add3A_51, %mul3A_138 : i32
      %add3A_140 = arith.constant 4 : i32
      %add3A_141 = arith.addi %mul3A_139, %add3A_140 : i32
      %dma_start3A_142 = arith.constant 0 : i32
      %dma_start3A_143 = arith.constant 4 : i32
      %dma_start3A_144 = arith.constant 0 : i32
      %dma_start3A_145 = arith.constant 0 : i32
      %dma_start3A_146 = arith.constant 0 : i32
      %dma_start3A_147 = tpu.memref_slice %arg6[%dma_start3A_142, %dma_start3A_144, %dma_start3A_145, %dma_start3A_146] : memref<2x16x56x32xf32, #tpu.memory_space<vmem>> -> memref<1x16x56x32xf32, #tpu.memory_space<vmem>>
      %dma_start3A_148 = tpu.memref_squeeze %dma_start3A_147 : memref<1x16x56x32xf32, #tpu.memory_space<vmem>> -> memref<16x56x32xf32, #tpu.memory_space<vmem>>
      %dma_start3A_149 = arith.constant 0 : i32
      %dma_start3A_150 = arith.constant 0 : i32
      %dma_start3A_151 = tpu.memref_slice %dma_start3A_148[%dma_start3A_143, %dma_start3A_149, %dma_start3A_150] : memref<16x56x32xf32, #tpu.memory_space<vmem>> -> memref<1x56x32xf32, #tpu.memory_space<vmem>>
      %dma_start3A_152 = tpu.memref_squeeze %dma_start3A_151 : memref<1x56x32xf32, #tpu.memory_space<vmem>> -> memref<56x32xf32, #tpu.memory_space<vmem>>
      %dma_start3A_153 = arith.constant 0 : i32
      %dma_start3A_154 = tpu.memref_slice %arg5[%add3A_141, %dma_start3A_153] : memref<512x56xi32, #tpu.memory_space<vmem>> -> memref<1x56xi32, #tpu.memory_space<vmem>>
      %dma_start3A_155 = tpu.memref_squeeze %dma_start3A_154 : memref<1x56xi32, #tpu.memory_space<vmem>> -> memref<56xi32, #tpu.memory_space<vmem>>
      %dma_start3A_156 = arith.constant 0 : i32
      %dma_start3A_157 = arith.constant 0 : i32
      %dma_start3A_158 = tpu.memref_slice %arg3[%dma_start3A_156, %dma_start3A_157] : memref<1000000x32xf32, #tpu.memory_space<hbm>> -> memref<1000000x32xf32, #tpu.memory_space<hbm>>
      tpu.enqueue_indirect_dma source(%dma_start3A_158 : memref<1000000x32xf32, #tpu.memory_space<hbm>>) target(%dma_start3A_152 : memref<56x32xf32, #tpu.memory_space<vmem>>) offsets(%dma_start3A_155 : memref<56xi32, #tpu.memory_space<vmem>>) semaphore(%arg7 : memref<!tpu.dma_semaphore, #tpu.memory_space<semaphore_mem>>)
      %mul3A_159 = arith.constant 16 : i32
      %mul3A_160 = arith.muli %add3A_51, %mul3A_159 : i32
      %add3A_161 = arith.constant 5 : i32
      %add3A_162 = arith.addi %mul3A_160, %add3A_161 : i32
      %dma_start3A_163 = arith.constant 0 : i32
      %dma_start3A_164 = arith.constant 5 : i32
      %dma_start3A_165 = arith.constant 0 : i32
      %dma_start3A_166 = arith.constant 0 : i32
      %dma_start3A_167 = arith.constant 0 : i32
      %dma_start3A_168 = tpu.memref_slice %arg6[%dma_start3A_163, %dma_start3A_165, %dma_start3A_166, %dma_start3A_167] : memref<2x16x56x32xf32, #tpu.memory_space<vmem>> -> memref<1x16x56x32xf32, #tpu.memory_space<vmem>>
      %dma_start3A_169 = tpu.memref_squeeze %dma_start3A_168 : memref<1x16x56x32xf32, #tpu.memory_space<vmem>> -> memref<16x56x32xf32, #tpu.memory_space<vmem>>
      %dma_start3A_170 = arith.constant 0 : i32
      %dma_start3A_171 = arith.constant 0 : i32
      %dma_start3A_172 = tpu.memref_slice %dma_start3A_169[%dma_start3A_164, %dma_start3A_170, %dma_start3A_171] : memref<16x56x32xf32, #tpu.memory_space<vmem>> -> memref<1x56x32xf32, #tpu.memory_space<vmem>>
      %dma_start3A_173 = tpu.memref_squeeze %dma_start3A_172 : memref<1x56x32xf32, #tpu.memory_space<vmem>> -> memref<56x32xf32, #tpu.memory_space<vmem>>
      %dma_start3A_174 = arith.constant 0 : i32
      %dma_start3A_175 = tpu.memref_slice %arg5[%add3A_162, %dma_start3A_174] : memref<512x56xi32, #tpu.memory_space<vmem>> -> memref<1x56xi32, #tpu.memory_space<vmem>>
      %dma_start3A_176 = tpu.memref_squeeze %dma_start3A_175 : memref<1x56xi32, #tpu.memory_space<vmem>> -> memref<56xi32, #tpu.memory_space<vmem>>
      %dma_start3A_177 = arith.constant 0 : i32
      %dma_start3A_178 = arith.constant 0 : i32
      %dma_start3A_179 = tpu.memref_slice %arg3[%dma_start3A_177, %dma_start3A_178] : memref<1000000x32xf32, #tpu.memory_space<hbm>> -> memref<1000000x32xf32, #tpu.memory_space<hbm>>
      tpu.enqueue_indirect_dma source(%dma_start3A_179 : memref<1000000x32xf32, #tpu.memory_space<hbm>>) target(%dma_start3A_173 : memref<56x32xf32, #tpu.memory_space<vmem>>) offsets(%dma_start3A_176 : memref<56xi32, #tpu.memory_space<vmem>>) semaphore(%arg7 : memref<!tpu.dma_semaphore, #tpu.memory_space<semaphore_mem>>)
      %mul3A_180 = arith.constant 16 : i32
      %mul3A_181 = arith.muli %add3A_51, %mul3A_180 : i32
      %add3A_182 = arith.constant 6 : i32
      %add3A_183 = arith.addi %mul3A_181, %add3A_182 : i32
      %dma_start3A_184 = arith.constant 0 : i32
      %dma_start3A_185 = arith.constant 6 : i32
      %dma_start3A_186 = arith.constant 0 : i32
      %dma_start3A_187 = arith.constant 0 : i32
      %dma_start3A_188 = arith.constant 0 : i32
      %dma_start3A_189 = tpu.memref_slice %arg6[%dma_start3A_184, %dma_start3A_186, %dma_start3A_187, %dma_start3A_188] : memref<2x16x56x32xf32, #tpu.memory_space<vmem>> -> memref<1x16x56x32xf32, #tpu.memory_space<vmem>>
      %dma_start3A_190 = tpu.memref_squeeze %dma_start3A_189 : memref<1x16x56x32xf32, #tpu.memory_space<vmem>> -> memref<16x56x32xf32, #tpu.memory_space<vmem>>
      %dma_start3A_191 = arith.constant 0 : i32
      %dma_start3A_192 = arith.constant 0 : i32
      %dma_start3A_193 = tpu.memref_slice %dma_start3A_190[%dma_start3A_185, %dma_start3A_191, %dma_start3A_192] : memref<16x56x32xf32, #tpu.memory_space<vmem>> -> memref<1x56x32xf32, #tpu.memory_space<vmem>>
      %dma_start3A_194 = tpu.memref_squeeze %dma_start3A_193 : memref<1x56x32xf32, #tpu.memory_space<vmem>> -> memref<56x32xf32, #tpu.memory_space<vmem>>
      %dma_start3A_195 = arith.constant 0 : i32
      %dma_start3A_196 = tpu.memref_slice %arg5[%add3A_183, %dma_start3A_195] : memref<512x56xi32, #tpu.memory_space<vmem>> -> memref<1x56xi32, #tpu.memory_space<vmem>>
      %dma_start3A_197 = tpu.memref_squeeze %dma_start3A_196 : memref<1x56xi32, #tpu.memory_space<vmem>> -> memref<56xi32, #tpu.memory_space<vmem>>
      %dma_start3A_198 = arith.constant 0 : i32
      %dma_start3A_199 = arith.constant 0 : i32
      %dma_start3A_200 = tpu.memref_slice %arg3[%dma_start3A_198, %dma_start3A_199] : memref<1000000x32xf32, #tpu.memory_space<hbm>> -> memref<1000000x32xf32, #tpu.memory_space<hbm>>
      tpu.enqueue_indirect_dma source(%dma_start3A_200 : memref<1000000x32xf32, #tpu.memory_space<hbm>>) target(%dma_start3A_194 : memref<56x32xf32, #tpu.memory_space<vmem>>) offsets(%dma_start3A_197 : memref<56xi32, #tpu.memory_space<vmem>>) semaphore(%arg7 : memref<!tpu.dma_semaphore, #tpu.memory_space<semaphore_mem>>)
      %mul3A_201 = arith.constant 16 : i32
      %mul3A_202 = arith.muli %add3A_51, %mul3A_201 : i32
      %add3A_203 = arith.constant 7 : i32
      %add3A_204 = arith.addi %mul3A_202, %add3A_203 : i32
      %dma_start3A_205 = arith.constant 0 : i32
      %dma_start3A_206 = arith.constant 7 : i32
      %dma_start3A_207 = arith.constant 0 : i32
      %dma_start3A_208 = arith.constant 0 : i32
      %dma_start3A_209 = arith.constant 0 : i32
      %dma_start3A_210 = tpu.memref_slice %arg6[%dma_start3A_205, %dma_start3A_207, %dma_start3A_208, %dma_start3A_209] : memref<2x16x56x32xf32, #tpu.memory_space<vmem>> -> memref<1x16x56x32xf32, #tpu.memory_space<vmem>>
      %dma_start3A_211 = tpu.memref_squeeze %dma_start3A_210 : memref<1x16x56x32xf32, #tpu.memory_space<vmem>> -> memref<16x56x32xf32, #tpu.memory_space<vmem>>
      %dma_start3A_212 = arith.constant 0 : i32
      %dma_start3A_213 = arith.constant 0 : i32
      %dma_start3A_214 = tpu.memref_slice %dma_start3A_211[%dma_start3A_206, %dma_start3A_212, %dma_start3A_213] : memref<16x56x32xf32, #tpu.memory_space<vmem>> -> memref<1x56x32xf32, #tpu.memory_space<vmem>>
      %dma_start3A_215 = tpu.memref_squeeze %dma_start3A_214 : memref<1x56x32xf32, #tpu.memory_space<vmem>> -> memref<56x32xf32, #tpu.memory_space<vmem>>
      %dma_start3A_216 = arith.constant 0 : i32
      %dma_start3A_217 = tpu.memref_slice %arg5[%add3A_204, %dma_start3A_216] : memref<512x56xi32, #tpu.memory_space<vmem>> -> memref<1x56xi32, #tpu.memory_space<vmem>>
      %dma_start3A_218 = tpu.memref_squeeze %dma_start3A_217 : memref<1x56xi32, #tpu.memory_space<vmem>> -> memref<56xi32, #tpu.memory_space<vmem>>
      %dma_start3A_219 = arith.constant 0 : i32
      %dma_start3A_220 = arith.constant 0 : i32
      %dma_start3A_221 = tpu.memref_slice %arg3[%dma_start3A_219, %dma_start3A_220] : memref<1000000x32xf32, #tpu.memory_space<hbm>> -> memref<1000000x32xf32, #tpu.memory_space<hbm>>
      tpu.enqueue_indirect_dma source(%dma_start3A_221 : memref<1000000x32xf32, #tpu.memory_space<hbm>>) target(%dma_start3A_215 : memref<56x32xf32, #tpu.memory_space<vmem>>) offsets(%dma_start3A_218 : memref<56xi32, #tpu.memory_space<vmem>>) semaphore(%arg7 : memref<!tpu.dma_semaphore, #tpu.memory_space<semaphore_mem>>)
      %mul3A_222 = arith.constant 16 : i32
      %mul3A_223 = arith.muli %add3A_51, %mul3A_222 : i32
      %add3A_224 = arith.constant 8 : i32
      %add3A_225 = arith.addi %mul3A_223, %add3A_224 : i32
      %dma_start3A_226 = arith.constant 0 : i32
      %dma_start3A_227 = arith.constant 8 : i32
      %dma_start3A_228 = arith.constant 0 : i32
      %dma_start3A_229 = arith.constant 0 : i32
      %dma_start3A_230 = arith.constant 0 : i32
      %dma_start3A_231 = tpu.memref_slice %arg6[%dma_start3A_226, %dma_start3A_228, %dma_start3A_229, %dma_start3A_230] : memref<2x16x56x32xf32, #tpu.memory_space<vmem>> -> memref<1x16x56x32xf32, #tpu.memory_space<vmem>>
      %dma_start3A_232 = tpu.memref_squeeze %dma_start3A_231 : memref<1x16x56x32xf32, #tpu.memory_space<vmem>> -> memref<16x56x32xf32, #tpu.memory_space<vmem>>
      %dma_start3A_233 = arith.constant 0 : i32
      %dma_start3A_234 = arith.constant 0 : i32
      %dma_start3A_235 = tpu.memref_slice %dma_start3A_232[%dma_start3A_227, %dma_start3A_233, %dma_start3A_234] : memref<16x56x32xf32, #tpu.memory_space<vmem>> -> memref<1x56x32xf32, #tpu.memory_space<vmem>>
      %dma_start3A_236 = tpu.memref_squeeze %dma_start3A_235 : memref<1x56x32xf32, #tpu.memory_space<vmem>> -> memref<56x32xf32, #tpu.memory_space<vmem>>
      %dma_start3A_237 = arith.constant 0 : i32
      %dma_start3A_238 = tpu.memref_slice %arg5[%add3A_225, %dma_start3A_237] : memref<512x56xi32, #tpu.memory_space<vmem>> -> memref<1x56xi32, #tpu.memory_space<vmem>>
      %dma_start3A_239 = tpu.memref_squeeze %dma_start3A_238 : memref<1x56xi32, #tpu.memory_space<vmem>> -> memref<56xi32, #tpu.memory_space<vmem>>
      %dma_start3A_240 = arith.constant 0 : i32
      %dma_start3A_241 = arith.constant 0 : i32
      %dma_start3A_242 = tpu.memref_slice %arg3[%dma_start3A_240, %dma_start3A_241] : memref<1000000x32xf32, #tpu.memory_space<hbm>> -> memref<1000000x32xf32, #tpu.memory_space<hbm>>
      tpu.enqueue_indirect_dma source(%dma_start3A_242 : memref<1000000x32xf32, #tpu.memory_space<hbm>>) target(%dma_start3A_236 : memref<56x32xf32, #tpu.memory_space<vmem>>) offsets(%dma_start3A_239 : memref<56xi32, #tpu.memory_space<vmem>>) semaphore(%arg7 : memref<!tpu.dma_semaphore, #tpu.memory_space<semaphore_mem>>)
      %mul3A_243 = arith.constant 16 : i32
      %mul3A_244 = arith.muli %add3A_51, %mul3A_243 : i32
      %add3A_245 = arith.constant 9 : i32
      %add3A_246 = arith.addi %mul3A_244, %add3A_245 : i32
      %dma_start3A_247 = arith.constant 0 : i32
      %dma_start3A_248 = arith.constant 9 : i32
      %dma_start3A_249 = arith.constant 0 : i32
      %dma_start3A_250 = arith.constant 0 : i32
      %dma_start3A_251 = arith.constant 0 : i32
      %dma_start3A_252 = tpu.memref_slice %arg6[%dma_start3A_247, %dma_start3A_249, %dma_start3A_250, %dma_start3A_251] : memref<2x16x56x32xf32, #tpu.memory_space<vmem>> -> memref<1x16x56x32xf32, #tpu.memory_space<vmem>>
      %dma_start3A_253 = tpu.memref_squeeze %dma_start3A_252 : memref<1x16x56x32xf32, #tpu.memory_space<vmem>> -> memref<16x56x32xf32, #tpu.memory_space<vmem>>
      %dma_start3A_254 = arith.constant 0 : i32
      %dma_start3A_255 = arith.constant 0 : i32
      %dma_start3A_256 = tpu.memref_slice %dma_start3A_253[%dma_start3A_248, %dma_start3A_254, %dma_start3A_255] : memref<16x56x32xf32, #tpu.memory_space<vmem>> -> memref<1x56x32xf32, #tpu.memory_space<vmem>>
      %dma_start3A_257 = tpu.memref_squeeze %dma_start3A_256 : memref<1x56x32xf32, #tpu.memory_space<vmem>> -> memref<56x32xf32, #tpu.memory_space<vmem>>
      %dma_start3A_258 = arith.constant 0 : i32
      %dma_start3A_259 = tpu.memref_slice %arg5[%add3A_246, %dma_start3A_258] : memref<512x56xi32, #tpu.memory_space<vmem>> -> memref<1x56xi32, #tpu.memory_space<vmem>>
      %dma_start3A_260 = tpu.memref_squeeze %dma_start3A_259 : memref<1x56xi32, #tpu.memory_space<vmem>> -> memref<56xi32, #tpu.memory_space<vmem>>
      %dma_start3A_261 = arith.constant 0 : i32
      %dma_start3A_262 = arith.constant 0 : i32
      %dma_start3A_263 = tpu.memref_slice %arg3[%dma_start3A_261, %dma_start3A_262] : memref<1000000x32xf32, #tpu.memory_space<hbm>> -> memref<1000000x32xf32, #tpu.memory_space<hbm>>
      tpu.enqueue_indirect_dma source(%dma_start3A_263 : memref<1000000x32xf32, #tpu.memory_space<hbm>>) target(%dma_start3A_257 : memref<56x32xf32, #tpu.memory_space<vmem>>) offsets(%dma_start3A_260 : memref<56xi32, #tpu.memory_space<vmem>>) semaphore(%arg7 : memref<!tpu.dma_semaphore, #tpu.memory_space<semaphore_mem>>)
      %mul3A_264 = arith.constant 16 : i32
      %mul3A_265 = arith.muli %add3A_51, %mul3A_264 : i32
      %add3A_266 = arith.constant 10 : i32
      %add3A_267 = arith.addi %mul3A_265, %add3A_266 : i32
      %dma_start3A_268 = arith.constant 0 : i32
      %dma_start3A_269 = arith.constant 10 : i32
      %dma_start3A_270 = arith.constant 0 : i32
      %dma_start3A_271 = arith.constant 0 : i32
      %dma_start3A_272 = arith.constant 0 : i32
      %dma_start3A_273 = tpu.memref_slice %arg6[%dma_start3A_268, %dma_start3A_270, %dma_start3A_271, %dma_start3A_272] : memref<2x16x56x32xf32, #tpu.memory_space<vmem>> -> memref<1x16x56x32xf32, #tpu.memory_space<vmem>>
      %dma_start3A_274 = tpu.memref_squeeze %dma_start3A_273 : memref<1x16x56x32xf32, #tpu.memory_space<vmem>> -> memref<16x56x32xf32, #tpu.memory_space<vmem>>
      %dma_start3A_275 = arith.constant 0 : i32
      %dma_start3A_276 = arith.constant 0 : i32
      %dma_start3A_277 = tpu.memref_slice %dma_start3A_274[%dma_start3A_269, %dma_start3A_275, %dma_start3A_276] : memref<16x56x32xf32, #tpu.memory_space<vmem>> -> memref<1x56x32xf32, #tpu.memory_space<vmem>>
      %dma_start3A_278 = tpu.memref_squeeze %dma_start3A_277 : memref<1x56x32xf32, #tpu.memory_space<vmem>> -> memref<56x32xf32, #tpu.memory_space<vmem>>
      %dma_start3A_279 = arith.constant 0 : i32
      %dma_start3A_280 = tpu.memref_slice %arg5[%add3A_267, %dma_start3A_279] : memref<512x56xi32, #tpu.memory_space<vmem>> -> memref<1x56xi32, #tpu.memory_space<vmem>>
      %dma_start3A_281 = tpu.memref_squeeze %dma_start3A_280 : memref<1x56xi32, #tpu.memory_space<vmem>> -> memref<56xi32, #tpu.memory_space<vmem>>
      %dma_start3A_282 = arith.constant 0 : i32
      %dma_start3A_283 = arith.constant 0 : i32
      %dma_start3A_284 = tpu.memref_slice %arg3[%dma_start3A_282, %dma_start3A_283] : memref<1000000x32xf32, #tpu.memory_space<hbm>> -> memref<1000000x32xf32, #tpu.memory_space<hbm>>
      tpu.enqueue_indirect_dma source(%dma_start3A_284 : memref<1000000x32xf32, #tpu.memory_space<hbm>>) target(%dma_start3A_278 : memref<56x32xf32, #tpu.memory_space<vmem>>) offsets(%dma_start3A_281 : memref<56xi32, #tpu.memory_space<vmem>>) semaphore(%arg7 : memref<!tpu.dma_semaphore, #tpu.memory_space<semaphore_mem>>)
      %mul3A_285 = arith.constant 16 : i32
      %mul3A_286 = arith.muli %add3A_51, %mul3A_285 : i32
      %add3A_287 = arith.constant 11 : i32
      %add3A_288 = arith.addi %mul3A_286, %add3A_287 : i32
      %dma_start3A_289 = arith.constant 0 : i32
      %dma_start3A_290 = arith.constant 11 : i32
      %dma_start3A_291 = arith.constant 0 : i32
      %dma_start3A_292 = arith.constant 0 : i32
      %dma_start3A_293 = arith.constant 0 : i32
      %dma_start3A_294 = tpu.memref_slice %arg6[%dma_start3A_289, %dma_start3A_291, %dma_start3A_292, %dma_start3A_293] : memref<2x16x56x32xf32, #tpu.memory_space<vmem>> -> memref<1x16x56x32xf32, #tpu.memory_space<vmem>>
      %dma_start3A_295 = tpu.memref_squeeze %dma_start3A_294 : memref<1x16x56x32xf32, #tpu.memory_space<vmem>> -> memref<16x56x32xf32, #tpu.memory_space<vmem>>
      %dma_start3A_296 = arith.constant 0 : i32
      %dma_start3A_297 = arith.constant 0 : i32
      %dma_start3A_298 = tpu.memref_slice %dma_start3A_295[%dma_start3A_290, %dma_start3A_296, %dma_start3A_297] : memref<16x56x32xf32, #tpu.memory_space<vmem>> -> memref<1x56x32xf32, #tpu.memory_space<vmem>>
      %dma_start3A_299 = tpu.memref_squeeze %dma_start3A_298 : memref<1x56x32xf32, #tpu.memory_space<vmem>> -> memref<56x32xf32, #tpu.memory_space<vmem>>
      %dma_start3A_300 = arith.constant 0 : i32
      %dma_start3A_301 = tpu.memref_slice %arg5[%add3A_288, %dma_start3A_300] : memref<512x56xi32, #tpu.memory_space<vmem>> -> memref<1x56xi32, #tpu.memory_space<vmem>>
      %dma_start3A_302 = tpu.memref_squeeze %dma_start3A_301 : memref<1x56xi32, #tpu.memory_space<vmem>> -> memref<56xi32, #tpu.memory_space<vmem>>
      %dma_start3A_303 = arith.constant 0 : i32
      %dma_start3A_304 = arith.constant 0 : i32
      %dma_start3A_305 = tpu.memref_slice %arg3[%dma_start3A_303, %dma_start3A_304] : memref<1000000x32xf32, #tpu.memory_space<hbm>> -> memref<1000000x32xf32, #tpu.memory_space<hbm>>
      tpu.enqueue_indirect_dma source(%dma_start3A_305 : memref<1000000x32xf32, #tpu.memory_space<hbm>>) target(%dma_start3A_299 : memref<56x32xf32, #tpu.memory_space<vmem>>) offsets(%dma_start3A_302 : memref<56xi32, #tpu.memory_space<vmem>>) semaphore(%arg7 : memref<!tpu.dma_semaphore, #tpu.memory_space<semaphore_mem>>)
      %mul3A_306 = arith.constant 16 : i32
      %mul3A_307 = arith.muli %add3A_51, %mul3A_306 : i32
      %add3A_308 = arith.constant 12 : i32
      %add3A_309 = arith.addi %mul3A_307, %add3A_308 : i32
      %dma_start3A_310 = arith.constant 0 : i32
      %dma_start3A_311 = arith.constant 12 : i32
      %dma_start3A_312 = arith.constant 0 : i32
      %dma_start3A_313 = arith.constant 0 : i32
      %dma_start3A_314 = arith.constant 0 : i32
      %dma_start3A_315 = tpu.memref_slice %arg6[%dma_start3A_310, %dma_start3A_312, %dma_start3A_313, %dma_start3A_314] : memref<2x16x56x32xf32, #tpu.memory_space<vmem>> -> memref<1x16x56x32xf32, #tpu.memory_space<vmem>>
      %dma_start3A_316 = tpu.memref_squeeze %dma_start3A_315 : memref<1x16x56x32xf32, #tpu.memory_space<vmem>> -> memref<16x56x32xf32, #tpu.memory_space<vmem>>
      %dma_start3A_317 = arith.constant 0 : i32
      %dma_start3A_318 = arith.constant 0 : i32
      %dma_start3A_319 = tpu.memref_slice %dma_start3A_316[%dma_start3A_311, %dma_start3A_317, %dma_start3A_318] : memref<16x56x32xf32, #tpu.memory_space<vmem>> -> memref<1x56x32xf32, #tpu.memory_space<vmem>>
      %dma_start3A_320 = tpu.memref_squeeze %dma_start3A_319 : memref<1x56x32xf32, #tpu.memory_space<vmem>> -> memref<56x32xf32, #tpu.memory_space<vmem>>
      %dma_start3A_321 = arith.constant 0 : i32
      %dma_start3A_322 = tpu.memref_slice %arg5[%add3A_309, %dma_start3A_321] : memref<512x56xi32, #tpu.memory_space<vmem>> -> memref<1x56xi32, #tpu.memory_space<vmem>>
      %dma_start3A_323 = tpu.memref_squeeze %dma_start3A_322 : memref<1x56xi32, #tpu.memory_space<vmem>> -> memref<56xi32, #tpu.memory_space<vmem>>
      %dma_start3A_324 = arith.constant 0 : i32
      %dma_start3A_325 = arith.constant 0 : i32
      %dma_start3A_326 = tpu.memref_slice %arg3[%dma_start3A_324, %dma_start3A_325] : memref<1000000x32xf32, #tpu.memory_space<hbm>> -> memref<1000000x32xf32, #tpu.memory_space<hbm>>
      tpu.enqueue_indirect_dma source(%dma_start3A_326 : memref<1000000x32xf32, #tpu.memory_space<hbm>>) target(%dma_start3A_320 : memref<56x32xf32, #tpu.memory_space<vmem>>) offsets(%dma_start3A_323 : memref<56xi32, #tpu.memory_space<vmem>>) semaphore(%arg7 : memref<!tpu.dma_semaphore, #tpu.memory_space<semaphore_mem>>)
      %mul3A_327 = arith.constant 16 : i32
      %mul3A_328 = arith.muli %add3A_51, %mul3A_327 : i32
      %add3A_329 = arith.constant 13 : i32
      %add3A_330 = arith.addi %mul3A_328, %add3A_329 : i32
      %dma_start3A_331 = arith.constant 0 : i32
      %dma_start3A_332 = arith.constant 13 : i32
      %dma_start3A_333 = arith.constant 0 : i32
      %dma_start3A_334 = arith.constant 0 : i32
      %dma_start3A_335 = arith.constant 0 : i32
      %dma_start3A_336 = tpu.memref_slice %arg6[%dma_start3A_331, %dma_start3A_333, %dma_start3A_334, %dma_start3A_335] : memref<2x16x56x32xf32, #tpu.memory_space<vmem>> -> memref<1x16x56x32xf32, #tpu.memory_space<vmem>>
      %dma_start3A_337 = tpu.memref_squeeze %dma_start3A_336 : memref<1x16x56x32xf32, #tpu.memory_space<vmem>> -> memref<16x56x32xf32, #tpu.memory_space<vmem>>
      %dma_start3A_338 = arith.constant 0 : i32
      %dma_start3A_339 = arith.constant 0 : i32
      %dma_start3A_340 = tpu.memref_slice %dma_start3A_337[%dma_start3A_332, %dma_start3A_338, %dma_start3A_339] : memref<16x56x32xf32, #tpu.memory_space<vmem>> -> memref<1x56x32xf32, #tpu.memory_space<vmem>>
      %dma_start3A_341 = tpu.memref_squeeze %dma_start3A_340 : memref<1x56x32xf32, #tpu.memory_space<vmem>> -> memref<56x32xf32, #tpu.memory_space<vmem>>
      %dma_start3A_342 = arith.constant 0 : i32
      %dma_start3A_343 = tpu.memref_slice %arg5[%add3A_330, %dma_start3A_342] : memref<512x56xi32, #tpu.memory_space<vmem>> -> memref<1x56xi32, #tpu.memory_space<vmem>>
      %dma_start3A_344 = tpu.memref_squeeze %dma_start3A_343 : memref<1x56xi32, #tpu.memory_space<vmem>> -> memref<56xi32, #tpu.memory_space<vmem>>
      %dma_start3A_345 = arith.constant 0 : i32
      %dma_start3A_346 = arith.constant 0 : i32
      %dma_start3A_347 = tpu.memref_slice %arg3[%dma_start3A_345, %dma_start3A_346] : memref<1000000x32xf32, #tpu.memory_space<hbm>> -> memref<1000000x32xf32, #tpu.memory_space<hbm>>
      tpu.enqueue_indirect_dma source(%dma_start3A_347 : memref<1000000x32xf32, #tpu.memory_space<hbm>>) target(%dma_start3A_341 : memref<56x32xf32, #tpu.memory_space<vmem>>) offsets(%dma_start3A_344 : memref<56xi32, #tpu.memory_space<vmem>>) semaphore(%arg7 : memref<!tpu.dma_semaphore, #tpu.memory_space<semaphore_mem>>)
      %mul3A_348 = arith.constant 16 : i32
      %mul3A_349 = arith.muli %add3A_51, %mul3A_348 : i32
      %add3A_350 = arith.constant 14 : i32
      %add3A_351 = arith.addi %mul3A_349, %add3A_350 : i32
      %dma_start3A_352 = arith.constant 0 : i32
      %dma_start3A_353 = arith.constant 14 : i32
      %dma_start3A_354 = arith.constant 0 : i32
      %dma_start3A_355 = arith.constant 0 : i32
      %dma_start3A_356 = arith.constant 0 : i32
      %dma_start3A_357 = tpu.memref_slice %arg6[%dma_start3A_352, %dma_start3A_354, %dma_start3A_355, %dma_start3A_356] : memref<2x16x56x32xf32, #tpu.memory_space<vmem>> -> memref<1x16x56x32xf32, #tpu.memory_space<vmem>>
      %dma_start3A_358 = tpu.memref_squeeze %dma_start3A_357 : memref<1x16x56x32xf32, #tpu.memory_space<vmem>> -> memref<16x56x32xf32, #tpu.memory_space<vmem>>
      %dma_start3A_359 = arith.constant 0 : i32
      %dma_start3A_360 = arith.constant 0 : i32
      %dma_start3A_361 = tpu.memref_slice %dma_start3A_358[%dma_start3A_353, %dma_start3A_359, %dma_start3A_360] : memref<16x56x32xf32, #tpu.memory_space<vmem>> -> memref<1x56x32xf32, #tpu.memory_space<vmem>>
      %dma_start3A_362 = tpu.memref_squeeze %dma_start3A_361 : memref<1x56x32xf32, #tpu.memory_space<vmem>> -> memref<56x32xf32, #tpu.memory_space<vmem>>
      %dma_start3A_363 = arith.constant 0 : i32
      %dma_start3A_364 = tpu.memref_slice %arg5[%add3A_351, %dma_start3A_363] : memref<512x56xi32, #tpu.memory_space<vmem>> -> memref<1x56xi32, #tpu.memory_space<vmem>>
      %dma_start3A_365 = tpu.memref_squeeze %dma_start3A_364 : memref<1x56xi32, #tpu.memory_space<vmem>> -> memref<56xi32, #tpu.memory_space<vmem>>
      %dma_start3A_366 = arith.constant 0 : i32
      %dma_start3A_367 = arith.constant 0 : i32
      %dma_start3A_368 = tpu.memref_slice %arg3[%dma_start3A_366, %dma_start3A_367] : memref<1000000x32xf32, #tpu.memory_space<hbm>> -> memref<1000000x32xf32, #tpu.memory_space<hbm>>
      tpu.enqueue_indirect_dma source(%dma_start3A_368 : memref<1000000x32xf32, #tpu.memory_space<hbm>>) target(%dma_start3A_362 : memref<56x32xf32, #tpu.memory_space<vmem>>) offsets(%dma_start3A_365 : memref<56xi32, #tpu.memory_space<vmem>>) semaphore(%arg7 : memref<!tpu.dma_semaphore, #tpu.memory_space<semaphore_mem>>)
      %mul3A_369 = arith.constant 16 : i32
      %mul3A_370 = arith.muli %add3A_51, %mul3A_369 : i32
      %add3A_371 = arith.constant 15 : i32
      %add3A_372 = arith.addi %mul3A_370, %add3A_371 : i32
      %dma_start3A_373 = arith.constant 0 : i32
      %dma_start3A_374 = arith.constant 15 : i32
      %dma_start3A_375 = arith.constant 0 : i32
      %dma_start3A_376 = arith.constant 0 : i32
      %dma_start3A_377 = arith.constant 0 : i32
      %dma_start3A_378 = tpu.memref_slice %arg6[%dma_start3A_373, %dma_start3A_375, %dma_start3A_376, %dma_start3A_377] : memref<2x16x56x32xf32, #tpu.memory_space<vmem>> -> memref<1x16x56x32xf32, #tpu.memory_space<vmem>>
      %dma_start3A_379 = tpu.memref_squeeze %dma_start3A_378 : memref<1x16x56x32xf32, #tpu.memory_space<vmem>> -> memref<16x56x32xf32, #tpu.memory_space<vmem>>
      %dma_start3A_380 = arith.constant 0 : i32
      %dma_start3A_381 = arith.constant 0 : i32
      %dma_start3A_382 = tpu.memref_slice %dma_start3A_379[%dma_start3A_374, %dma_start3A_380, %dma_start3A_381] : memref<16x56x32xf32, #tpu.memory_space<vmem>> -> memref<1x56x32xf32, #tpu.memory_space<vmem>>
      %dma_start3A_383 = tpu.memref_squeeze %dma_start3A_382 : memref<1x56x32xf32, #tpu.memory_space<vmem>> -> memref<56x32xf32, #tpu.memory_space<vmem>>
      %dma_start3A_384 = arith.constant 0 : i32
      %dma_start3A_385 = tpu.memref_slice %arg5[%add3A_372, %dma_start3A_384] : memref<512x56xi32, #tpu.memory_space<vmem>> -> memref<1x56xi32, #tpu.memory_space<vmem>>
      %dma_start3A_386 = tpu.memref_squeeze %dma_start3A_385 : memref<1x56xi32, #tpu.memory_space<vmem>> -> memref<56xi32, #tpu.memory_space<vmem>>
      %dma_start3A_387 = arith.constant 0 : i32
      %dma_start3A_388 = arith.constant 0 : i32
      %dma_start3A_389 = tpu.memref_slice %arg3[%dma_start3A_387, %dma_start3A_388] : memref<1000000x32xf32, #tpu.memory_space<hbm>> -> memref<1000000x32xf32, #tpu.memory_space<hbm>>
      tpu.enqueue_indirect_dma source(%dma_start3A_389 : memref<1000000x32xf32, #tpu.memory_space<hbm>>) target(%dma_start3A_383 : memref<56x32xf32, #tpu.memory_space<vmem>>) offsets(%dma_start3A_386 : memref<56xi32, #tpu.memory_space<vmem>>) semaphore(%arg7 : memref<!tpu.dma_semaphore, #tpu.memory_space<semaphore_mem>>)
      %dma_wait3A_390 = arith.constant 0 : i32
      %dma_wait3A_391 = arith.constant 0 : i32
      %dma_wait3A_392 = arith.constant 0 : i32
      %dma_wait3A_393 = arith.constant 0 : i32
      %dma_wait3A_394 = arith.constant 0 : i32
      %dma_wait3A_395 = tpu.memref_slice %arg6[%dma_wait3A_390, %dma_wait3A_392, %dma_wait3A_393, %dma_wait3A_394] : memref<2x16x56x32xf32, #tpu.memory_space<vmem>> -> memref<1x16x56x32xf32, #tpu.memory_space<vmem>>
      %dma_wait3A_396 = tpu.memref_squeeze %dma_wait3A_395 : memref<1x16x56x32xf32, #tpu.memory_space<vmem>> -> memref<16x56x32xf32, #tpu.memory_space<vmem>>
      %dma_wait3A_397 = arith.constant 0 : i32
      %dma_wait3A_398 = arith.constant 0 : i32
      %dma_wait3A_399 = tpu.memref_slice %dma_wait3A_396[%dma_wait3A_391, %dma_wait3A_397, %dma_wait3A_398] : memref<16x56x32xf32, #tpu.memory_space<vmem>> -> memref<1x56x32xf32, #tpu.memory_space<vmem>>
      %dma_wait3A_400 = tpu.memref_squeeze %dma_wait3A_399 : memref<1x56x32xf32, #tpu.memory_space<vmem>> -> memref<56x32xf32, #tpu.memory_space<vmem>>
      %dma_wait3A_401 = arith.constant 0 : i32
      %dma_wait3A_402 = tpu.memref_slice %arg5[%add3A_58, %dma_wait3A_401] : memref<512x56xi32, #tpu.memory_space<vmem>> -> memref<1x56xi32, #tpu.memory_space<vmem>>
      %dma_wait3A_403 = tpu.memref_squeeze %dma_wait3A_402 : memref<1x56xi32, #tpu.memory_space<vmem>> -> memref<56xi32, #tpu.memory_space<vmem>>
      %dma_wait3A_404 = arith.constant 0 : i32
      %dma_wait3A_405 = arith.constant 0 : i32
      %dma_wait3A_406 = tpu.memref_slice %arg3[%dma_wait3A_404, %dma_wait3A_405] : memref<1000000x32xf32, #tpu.memory_space<hbm>> -> memref<1000000x32xf32, #tpu.memory_space<hbm>>
      tpu.wait_indirect_dma semaphore(%arg7 : memref<!tpu.dma_semaphore, #tpu.memory_space<semaphore_mem>>) src(%dma_wait3A_406 : memref<1000000x32xf32, #tpu.memory_space<hbm>>) dst(%dma_wait3A_400 : memref<56x32xf32, #tpu.memory_space<vmem>>)
      %dma_wait3A_407 = arith.constant 0 : i32
      %dma_wait3A_408 = arith.constant 1 : i32
      %dma_wait3A_409 = arith.constant 0 : i32
      %dma_wait3A_410 = arith.constant 0 : i32
      %dma_wait3A_411 = arith.constant 0 : i32
      %dma_wait3A_412 = tpu.memref_slice %arg6[%dma_wait3A_407, %dma_wait3A_409, %dma_wait3A_410, %dma_wait3A_411] : memref<2x16x56x32xf32, #tpu.memory_space<vmem>> -> memref<1x16x56x32xf32, #tpu.memory_space<vmem>>
      %dma_wait3A_413 = tpu.memref_squeeze %dma_wait3A_412 : memref<1x16x56x32xf32, #tpu.memory_space<vmem>> -> memref<16x56x32xf32, #tpu.memory_space<vmem>>
      %dma_wait3A_414 = arith.constant 0 : i32
      %dma_wait3A_415 = arith.constant 0 : i32
      %dma_wait3A_416 = tpu.memref_slice %dma_wait3A_413[%dma_wait3A_408, %dma_wait3A_414, %dma_wait3A_415] : memref<16x56x32xf32, #tpu.memory_space<vmem>> -> memref<1x56x32xf32, #tpu.memory_space<vmem>>
      %dma_wait3A_417 = tpu.memref_squeeze %dma_wait3A_416 : memref<1x56x32xf32, #tpu.memory_space<vmem>> -> memref<56x32xf32, #tpu.memory_space<vmem>>
      %dma_wait3A_418 = arith.constant 0 : i32
      %dma_wait3A_419 = tpu.memref_slice %arg5[%add3A_78, %dma_wait3A_418] : memref<512x56xi32, #tpu.memory_space<vmem>> -> memref<1x56xi32, #tpu.memory_space<vmem>>
      %dma_wait3A_420 = tpu.memref_squeeze %dma_wait3A_419 : memref<1x56xi32, #tpu.memory_space<vmem>> -> memref<56xi32, #tpu.memory_space<vmem>>
      %dma_wait3A_421 = arith.constant 0 : i32
      %dma_wait3A_422 = arith.constant 0 : i32
      %dma_wait3A_423 = tpu.memref_slice %arg3[%dma_wait3A_421, %dma_wait3A_422] : memref<1000000x32xf32, #tpu.memory_space<hbm>> -> memref<1000000x32xf32, #tpu.memory_space<hbm>>
      tpu.wait_indirect_dma semaphore(%arg7 : memref<!tpu.dma_semaphore, #tpu.memory_space<semaphore_mem>>) src(%dma_wait3A_423 : memref<1000000x32xf32, #tpu.memory_space<hbm>>) dst(%dma_wait3A_417 : memref<56x32xf32, #tpu.memory_space<vmem>>)
      %dma_wait3A_424 = arith.constant 0 : i32
      %dma_wait3A_425 = arith.constant 2 : i32
      %dma_wait3A_426 = arith.constant 0 : i32
      %dma_wait3A_427 = arith.constant 0 : i32
      %dma_wait3A_428 = arith.constant 0 : i32
      %dma_wait3A_429 = tpu.memref_slice %arg6[%dma_wait3A_424, %dma_wait3A_426, %dma_wait3A_427, %dma_wait3A_428] : memref<2x16x56x32xf32, #tpu.memory_space<vmem>> -> memref<1x16x56x32xf32, #tpu.memory_space<vmem>>
      %dma_wait3A_430 = tpu.memref_squeeze %dma_wait3A_429 : memref<1x16x56x32xf32, #tpu.memory_space<vmem>> -> memref<16x56x32xf32, #tpu.memory_space<vmem>>
      %dma_wait3A_431 = arith.constant 0 : i32
      %dma_wait3A_432 = arith.constant 0 : i32
      %dma_wait3A_433 = tpu.memref_slice %dma_wait3A_430[%dma_wait3A_425, %dma_wait3A_431, %dma_wait3A_432] : memref<16x56x32xf32, #tpu.memory_space<vmem>> -> memref<1x56x32xf32, #tpu.memory_space<vmem>>
      %dma_wait3A_434 = tpu.memref_squeeze %dma_wait3A_433 : memref<1x56x32xf32, #tpu.memory_space<vmem>> -> memref<56x32xf32, #tpu.memory_space<vmem>>
      %dma_wait3A_435 = arith.constant 0 : i32
      %dma_wait3A_436 = tpu.memref_slice %arg5[%add3A_99, %dma_wait3A_435] : memref<512x56xi32, #tpu.memory_space<vmem>> -> memref<1x56xi32, #tpu.memory_space<vmem>>
      %dma_wait3A_437 = tpu.memref_squeeze %dma_wait3A_436 : memref<1x56xi32, #tpu.memory_space<vmem>> -> memref<56xi32, #tpu.memory_space<vmem>>
      %dma_wait3A_438 = arith.constant 0 : i32
      %dma_wait3A_439 = arith.constant 0 : i32
      %dma_wait3A_440 = tpu.memref_slice %arg3[%dma_wait3A_438, %dma_wait3A_439] : memref<1000000x32xf32, #tpu.memory_space<hbm>> -> memref<1000000x32xf32, #tpu.memory_space<hbm>>
      tpu.wait_indirect_dma semaphore(%arg7 : memref<!tpu.dma_semaphore, #tpu.memory_space<semaphore_mem>>) src(%dma_wait3A_440 : memref<1000000x32xf32, #tpu.memory_space<hbm>>) dst(%dma_wait3A_434 : memref<56x32xf32, #tpu.memory_space<vmem>>)
      %dma_wait3A_441 = arith.constant 0 : i32
      %dma_wait3A_442 = arith.constant 3 : i32
      %dma_wait3A_443 = arith.constant 0 : i32
      %dma_wait3A_444 = arith.constant 0 : i32
      %dma_wait3A_445 = arith.constant 0 : i32
      %dma_wait3A_446 = tpu.memref_slice %arg6[%dma_wait3A_441, %dma_wait3A_443, %dma_wait3A_444, %dma_wait3A_445] : memref<2x16x56x32xf32, #tpu.memory_space<vmem>> -> memref<1x16x56x32xf32, #tpu.memory_space<vmem>>
      %dma_wait3A_447 = tpu.memref_squeeze %dma_wait3A_446 : memref<1x16x56x32xf32, #tpu.memory_space<vmem>> -> memref<16x56x32xf32, #tpu.memory_space<vmem>>
      %dma_wait3A_448 = arith.constant 0 : i32
      %dma_wait3A_449 = arith.constant 0 : i32
      %dma_wait3A_450 = tpu.memref_slice %dma_wait3A_447[%dma_wait3A_442, %dma_wait3A_448, %dma_wait3A_449] : memref<16x56x32xf32, #tpu.memory_space<vmem>> -> memref<1x56x32xf32, #tpu.memory_space<vmem>>
      %dma_wait3A_451 = tpu.memref_squeeze %dma_wait3A_450 : memref<1x56x32xf32, #tpu.memory_space<vmem>> -> memref<56x32xf32, #tpu.memory_space<vmem>>
      %dma_wait3A_452 = arith.constant 0 : i32
      %dma_wait3A_453 = tpu.memref_slice %arg5[%add3A_120, %dma_wait3A_452] : memref<512x56xi32, #tpu.memory_space<vmem>> -> memref<1x56xi32, #tpu.memory_space<vmem>>
      %dma_wait3A_454 = tpu.memref_squeeze %dma_wait3A_453 : memref<1x56xi32, #tpu.memory_space<vmem>> -> memref<56xi32, #tpu.memory_space<vmem>>
      %dma_wait3A_455 = arith.constant 0 : i32
      %dma_wait3A_456 = arith.constant 0 : i32
      %dma_wait3A_457 = tpu.memref_slice %arg3[%dma_wait3A_455, %dma_wait3A_456] : memref<1000000x32xf32, #tpu.memory_space<hbm>> -> memref<1000000x32xf32, #tpu.memory_space<hbm>>
      tpu.wait_indirect_dma semaphore(%arg7 : memref<!tpu.dma_semaphore, #tpu.memory_space<semaphore_mem>>) src(%dma_wait3A_457 : memref<1000000x32xf32, #tpu.memory_space<hbm>>) dst(%dma_wait3A_451 : memref<56x32xf32, #tpu.memory_space<vmem>>)
      %dma_wait3A_458 = arith.constant 0 : i32
      %dma_wait3A_459 = arith.constant 4 : i32
      %dma_wait3A_460 = arith.constant 0 : i32
      %dma_wait3A_461 = arith.constant 0 : i32
      %dma_wait3A_462 = arith.constant 0 : i32
      %dma_wait3A_463 = tpu.memref_slice %arg6[%dma_wait3A_458, %dma_wait3A_460, %dma_wait3A_461, %dma_wait3A_462] : memref<2x16x56x32xf32, #tpu.memory_space<vmem>> -> memref<1x16x56x32xf32, #tpu.memory_space<vmem>>
      %dma_wait3A_464 = tpu.memref_squeeze %dma_wait3A_463 : memref<1x16x56x32xf32, #tpu.memory_space<vmem>> -> memref<16x56x32xf32, #tpu.memory_space<vmem>>
      %dma_wait3A_465 = arith.constant 0 : i32
      %dma_wait3A_466 = arith.constant 0 : i32
      %dma_wait3A_467 = tpu.memref_slice %dma_wait3A_464[%dma_wait3A_459, %dma_wait3A_465, %dma_wait3A_466] : memref<16x56x32xf32, #tpu.memory_space<vmem>> -> memref<1x56x32xf32, #tpu.memory_space<vmem>>
      %dma_wait3A_468 = tpu.memref_squeeze %dma_wait3A_467 : memref<1x56x32xf32, #tpu.memory_space<vmem>> -> memref<56x32xf32, #tpu.memory_space<vmem>>
      %dma_wait3A_469 = arith.constant 0 : i32
      %dma_wait3A_470 = tpu.memref_slice %arg5[%add3A_141, %dma_wait3A_469] : memref<512x56xi32, #tpu.memory_space<vmem>> -> memref<1x56xi32, #tpu.memory_space<vmem>>
      %dma_wait3A_471 = tpu.memref_squeeze %dma_wait3A_470 : memref<1x56xi32, #tpu.memory_space<vmem>> -> memref<56xi32, #tpu.memory_space<vmem>>
      %dma_wait3A_472 = arith.constant 0 : i32
      %dma_wait3A_473 = arith.constant 0 : i32
      %dma_wait3A_474 = tpu.memref_slice %arg3[%dma_wait3A_472, %dma_wait3A_473] : memref<1000000x32xf32, #tpu.memory_space<hbm>> -> memref<1000000x32xf32, #tpu.memory_space<hbm>>
      tpu.wait_indirect_dma semaphore(%arg7 : memref<!tpu.dma_semaphore, #tpu.memory_space<semaphore_mem>>) src(%dma_wait3A_474 : memref<1000000x32xf32, #tpu.memory_space<hbm>>) dst(%dma_wait3A_468 : memref<56x32xf32, #tpu.memory_space<vmem>>)
      %dma_wait3A_475 = arith.constant 0 : i32
      %dma_wait3A_476 = arith.constant 5 : i32
      %dma_wait3A_477 = arith.constant 0 : i32
      %dma_wait3A_478 = arith.constant 0 : i32
      %dma_wait3A_479 = arith.constant 0 : i32
      %dma_wait3A_480 = tpu.memref_slice %arg6[%dma_wait3A_475, %dma_wait3A_477, %dma_wait3A_478, %dma_wait3A_479] : memref<2x16x56x32xf32, #tpu.memory_space<vmem>> -> memref<1x16x56x32xf32, #tpu.memory_space<vmem>>
      %dma_wait3A_481 = tpu.memref_squeeze %dma_wait3A_480 : memref<1x16x56x32xf32, #tpu.memory_space<vmem>> -> memref<16x56x32xf32, #tpu.memory_space<vmem>>
      %dma_wait3A_482 = arith.constant 0 : i32
      %dma_wait3A_483 = arith.constant 0 : i32
      %dma_wait3A_484 = tpu.memref_slice %dma_wait3A_481[%dma_wait3A_476, %dma_wait3A_482, %dma_wait3A_483] : memref<16x56x32xf32, #tpu.memory_space<vmem>> -> memref<1x56x32xf32, #tpu.memory_space<vmem>>
      %dma_wait3A_485 = tpu.memref_squeeze %dma_wait3A_484 : memref<1x56x32xf32, #tpu.memory_space<vmem>> -> memref<56x32xf32, #tpu.memory_space<vmem>>
      %dma_wait3A_486 = arith.constant 0 : i32
      %dma_wait3A_487 = tpu.memref_slice %arg5[%add3A_162, %dma_wait3A_486] : memref<512x56xi32, #tpu.memory_space<vmem>> -> memref<1x56xi32, #tpu.memory_space<vmem>>
      %dma_wait3A_488 = tpu.memref_squeeze %dma_wait3A_487 : memref<1x56xi32, #tpu.memory_space<vmem>> -> memref<56xi32, #tpu.memory_space<vmem>>
      %dma_wait3A_489 = arith.constant 0 : i32
      %dma_wait3A_490 = arith.constant 0 : i32
      %dma_wait3A_491 = tpu.memref_slice %arg3[%dma_wait3A_489, %dma_wait3A_490] : memref<1000000x32xf32, #tpu.memory_space<hbm>> -> memref<1000000x32xf32, #tpu.memory_space<hbm>>
      tpu.wait_indirect_dma semaphore(%arg7 : memref<!tpu.dma_semaphore, #tpu.memory_space<semaphore_mem>>) src(%dma_wait3A_491 : memref<1000000x32xf32, #tpu.memory_space<hbm>>) dst(%dma_wait3A_485 : memref<56x32xf32, #tpu.memory_space<vmem>>)
      %dma_wait3A_492 = arith.constant 0 : i32
      %dma_wait3A_493 = arith.constant 6 : i32
      %dma_wait3A_494 = arith.constant 0 : i32
      %dma_wait3A_495 = arith.constant 0 : i32
      %dma_wait3A_496 = arith.constant 0 : i32
      %dma_wait3A_497 = tpu.memref_slice %arg6[%dma_wait3A_492, %dma_wait3A_494, %dma_wait3A_495, %dma_wait3A_496] : memref<2x16x56x32xf32, #tpu.memory_space<vmem>> -> memref<1x16x56x32xf32, #tpu.memory_space<vmem>>
      %dma_wait3A_498 = tpu.memref_squeeze %dma_wait3A_497 : memref<1x16x56x32xf32, #tpu.memory_space<vmem>> -> memref<16x56x32xf32, #tpu.memory_space<vmem>>
      %dma_wait3A_499 = arith.constant 0 : i32
      %dma_wait3A_500 = arith.constant 0 : i32
      %dma_wait3A_501 = tpu.memref_slice %dma_wait3A_498[%dma_wait3A_493, %dma_wait3A_499, %dma_wait3A_500] : memref<16x56x32xf32, #tpu.memory_space<vmem>> -> memref<1x56x32xf32, #tpu.memory_space<vmem>>
      %dma_wait3A_502 = tpu.memref_squeeze %dma_wait3A_501 : memref<1x56x32xf32, #tpu.memory_space<vmem>> -> memref<56x32xf32, #tpu.memory_space<vmem>>
      %dma_wait3A_503 = arith.constant 0 : i32
      %dma_wait3A_504 = tpu.memref_slice %arg5[%add3A_183, %dma_wait3A_503] : memref<512x56xi32, #tpu.memory_space<vmem>> -> memref<1x56xi32, #tpu.memory_space<vmem>>
      %dma_wait3A_505 = tpu.memref_squeeze %dma_wait3A_504 : memref<1x56xi32, #tpu.memory_space<vmem>> -> memref<56xi32, #tpu.memory_space<vmem>>
      %dma_wait3A_506 = arith.constant 0 : i32
      %dma_wait3A_507 = arith.constant 0 : i32
      %dma_wait3A_508 = tpu.memref_slice %arg3[%dma_wait3A_506, %dma_wait3A_507] : memref<1000000x32xf32, #tpu.memory_space<hbm>> -> memref<1000000x32xf32, #tpu.memory_space<hbm>>
      tpu.wait_indirect_dma semaphore(%arg7 : memref<!tpu.dma_semaphore, #tpu.memory_space<semaphore_mem>>) src(%dma_wait3A_508 : memref<1000000x32xf32, #tpu.memory_space<hbm>>) dst(%dma_wait3A_502 : memref<56x32xf32, #tpu.memory_space<vmem>>)
      %dma_wait3A_509 = arith.constant 0 : i32
      %dma_wait3A_510 = arith.constant 7 : i32
      %dma_wait3A_511 = arith.constant 0 : i32
      %dma_wait3A_512 = arith.constant 0 : i32
      %dma_wait3A_513 = arith.constant 0 : i32
      %dma_wait3A_514 = tpu.memref_slice %arg6[%dma_wait3A_509, %dma_wait3A_511, %dma_wait3A_512, %dma_wait3A_513] : memref<2x16x56x32xf32, #tpu.memory_space<vmem>> -> memref<1x16x56x32xf32, #tpu.memory_space<vmem>>
      %dma_wait3A_515 = tpu.memref_squeeze %dma_wait3A_514 : memref<1x16x56x32xf32, #tpu.memory_space<vmem>> -> memref<16x56x32xf32, #tpu.memory_space<vmem>>
      %dma_wait3A_516 = arith.constant 0 : i32
      %dma_wait3A_517 = arith.constant 0 : i32
      %dma_wait3A_518 = tpu.memref_slice %dma_wait3A_515[%dma_wait3A_510, %dma_wait3A_516, %dma_wait3A_517] : memref<16x56x32xf32, #tpu.memory_space<vmem>> -> memref<1x56x32xf32, #tpu.memory_space<vmem>>
      %dma_wait3A_519 = tpu.memref_squeeze %dma_wait3A_518 : memref<1x56x32xf32, #tpu.memory_space<vmem>> -> memref<56x32xf32, #tpu.memory_space<vmem>>
      %dma_wait3A_520 = arith.constant 0 : i32
      %dma_wait3A_521 = tpu.memref_slice %arg5[%add3A_204, %dma_wait3A_520] : memref<512x56xi32, #tpu.memory_space<vmem>> -> memref<1x56xi32, #tpu.memory_space<vmem>>
      %dma_wait3A_522 = tpu.memref_squeeze %dma_wait3A_521 : memref<1x56xi32, #tpu.memory_space<vmem>> -> memref<56xi32, #tpu.memory_space<vmem>>
      %dma_wait3A_523 = arith.constant 0 : i32
      %dma_wait3A_524 = arith.constant 0 : i32
      %dma_wait3A_525 = tpu.memref_slice %arg3[%dma_wait3A_523, %dma_wait3A_524] : memref<1000000x32xf32, #tpu.memory_space<hbm>> -> memref<1000000x32xf32, #tpu.memory_space<hbm>>
      tpu.wait_indirect_dma semaphore(%arg7 : memref<!tpu.dma_semaphore, #tpu.memory_space<semaphore_mem>>) src(%dma_wait3A_525 : memref<1000000x32xf32, #tpu.memory_space<hbm>>) dst(%dma_wait3A_519 : memref<56x32xf32, #tpu.memory_space<vmem>>)
      %dma_wait3A_526 = arith.constant 0 : i32
      %dma_wait3A_527 = arith.constant 8 : i32
      %dma_wait3A_528 = arith.constant 0 : i32
      %dma_wait3A_529 = arith.constant 0 : i32
      %dma_wait3A_530 = arith.constant 0 : i32
      %dma_wait3A_531 = tpu.memref_slice %arg6[%dma_wait3A_526, %dma_wait3A_528, %dma_wait3A_529, %dma_wait3A_530] : memref<2x16x56x32xf32, #tpu.memory_space<vmem>> -> memref<1x16x56x32xf32, #tpu.memory_space<vmem>>
      %dma_wait3A_532 = tpu.memref_squeeze %dma_wait3A_531 : memref<1x16x56x32xf32, #tpu.memory_space<vmem>> -> memref<16x56x32xf32, #tpu.memory_space<vmem>>
      %dma_wait3A_533 = arith.constant 0 : i32
      %dma_wait3A_534 = arith.constant 0 : i32
      %dma_wait3A_535 = tpu.memref_slice %dma_wait3A_532[%dma_wait3A_527, %dma_wait3A_533, %dma_wait3A_534] : memref<16x56x32xf32, #tpu.memory_space<vmem>> -> memref<1x56x32xf32, #tpu.memory_space<vmem>>
      %dma_wait3A_536 = tpu.memref_squeeze %dma_wait3A_535 : memref<1x56x32xf32, #tpu.memory_space<vmem>> -> memref<56x32xf32, #tpu.memory_space<vmem>>
      %dma_wait3A_537 = arith.constant 0 : i32
      %dma_wait3A_538 = tpu.memref_slice %arg5[%add3A_225, %dma_wait3A_537] : memref<512x56xi32, #tpu.memory_space<vmem>> -> memref<1x56xi32, #tpu.memory_space<vmem>>
      %dma_wait3A_539 = tpu.memref_squeeze %dma_wait3A_538 : memref<1x56xi32, #tpu.memory_space<vmem>> -> memref<56xi32, #tpu.memory_space<vmem>>
      %dma_wait3A_540 = arith.constant 0 : i32
      %dma_wait3A_541 = arith.constant 0 : i32
      %dma_wait3A_542 = tpu.memref_slice %arg3[%dma_wait3A_540, %dma_wait3A_541] : memref<1000000x32xf32, #tpu.memory_space<hbm>> -> memref<1000000x32xf32, #tpu.memory_space<hbm>>
      tpu.wait_indirect_dma semaphore(%arg7 : memref<!tpu.dma_semaphore, #tpu.memory_space<semaphore_mem>>) src(%dma_wait3A_542 : memref<1000000x32xf32, #tpu.memory_space<hbm>>) dst(%dma_wait3A_536 : memref<56x32xf32, #tpu.memory_space<vmem>>)
      %dma_wait3A_543 = arith.constant 0 : i32
      %dma_wait3A_544 = arith.constant 9 : i32
      %dma_wait3A_545 = arith.constant 0 : i32
      %dma_wait3A_546 = arith.constant 0 : i32
      %dma_wait3A_547 = arith.constant 0 : i32
      %dma_wait3A_548 = tpu.memref_slice %arg6[%dma_wait3A_543, %dma_wait3A_545, %dma_wait3A_546, %dma_wait3A_547] : memref<2x16x56x32xf32, #tpu.memory_space<vmem>> -> memref<1x16x56x32xf32, #tpu.memory_space<vmem>>
      %dma_wait3A_549 = tpu.memref_squeeze %dma_wait3A_548 : memref<1x16x56x32xf32, #tpu.memory_space<vmem>> -> memref<16x56x32xf32, #tpu.memory_space<vmem>>
      %dma_wait3A_550 = arith.constant 0 : i32
      %dma_wait3A_551 = arith.constant 0 : i32
      %dma_wait3A_552 = tpu.memref_slice %dma_wait3A_549[%dma_wait3A_544, %dma_wait3A_550, %dma_wait3A_551] : memref<16x56x32xf32, #tpu.memory_space<vmem>> -> memref<1x56x32xf32, #tpu.memory_space<vmem>>
      %dma_wait3A_553 = tpu.memref_squeeze %dma_wait3A_552 : memref<1x56x32xf32, #tpu.memory_space<vmem>> -> memref<56x32xf32, #tpu.memory_space<vmem>>
      %dma_wait3A_554 = arith.constant 0 : i32
      %dma_wait3A_555 = tpu.memref_slice %arg5[%add3A_246, %dma_wait3A_554] : memref<512x56xi32, #tpu.memory_space<vmem>> -> memref<1x56xi32, #tpu.memory_space<vmem>>
      %dma_wait3A_556 = tpu.memref_squeeze %dma_wait3A_555 : memref<1x56xi32, #tpu.memory_space<vmem>> -> memref<56xi32, #tpu.memory_space<vmem>>
      %dma_wait3A_557 = arith.constant 0 : i32
      %dma_wait3A_558 = arith.constant 0 : i32
      %dma_wait3A_559 = tpu.memref_slice %arg3[%dma_wait3A_557, %dma_wait3A_558] : memref<1000000x32xf32, #tpu.memory_space<hbm>> -> memref<1000000x32xf32, #tpu.memory_space<hbm>>
      tpu.wait_indirect_dma semaphore(%arg7 : memref<!tpu.dma_semaphore, #tpu.memory_space<semaphore_mem>>) src(%dma_wait3A_559 : memref<1000000x32xf32, #tpu.memory_space<hbm>>) dst(%dma_wait3A_553 : memref<56x32xf32, #tpu.memory_space<vmem>>)
      %dma_wait3A_560 = arith.constant 0 : i32
      %dma_wait3A_561 = arith.constant 10 : i32
      %dma_wait3A_562 = arith.constant 0 : i32
      %dma_wait3A_563 = arith.constant 0 : i32
      %dma_wait3A_564 = arith.constant 0 : i32
      %dma_wait3A_565 = tpu.memref_slice %arg6[%dma_wait3A_560, %dma_wait3A_562, %dma_wait3A_563, %dma_wait3A_564] : memref<2x16x56x32xf32, #tpu.memory_space<vmem>> -> memref<1x16x56x32xf32, #tpu.memory_space<vmem>>
      %dma_wait3A_566 = tpu.memref_squeeze %dma_wait3A_565 : memref<1x16x56x32xf32, #tpu.memory_space<vmem>> -> memref<16x56x32xf32, #tpu.memory_space<vmem>>
      %dma_wait3A_567 = arith.constant 0 : i32
      %dma_wait3A_568 = arith.constant 0 : i32
      %dma_wait3A_569 = tpu.memref_slice %dma_wait3A_566[%dma_wait3A_561, %dma_wait3A_567, %dma_wait3A_568] : memref<16x56x32xf32, #tpu.memory_space<vmem>> -> memref<1x56x32xf32, #tpu.memory_space<vmem>>
      %dma_wait3A_570 = tpu.memref_squeeze %dma_wait3A_569 : memref<1x56x32xf32, #tpu.memory_space<vmem>> -> memref<56x32xf32, #tpu.memory_space<vmem>>
      %dma_wait3A_571 = arith.constant 0 : i32
      %dma_wait3A_572 = tpu.memref_slice %arg5[%add3A_267, %dma_wait3A_571] : memref<512x56xi32, #tpu.memory_space<vmem>> -> memref<1x56xi32, #tpu.memory_space<vmem>>
      %dma_wait3A_573 = tpu.memref_squeeze %dma_wait3A_572 : memref<1x56xi32, #tpu.memory_space<vmem>> -> memref<56xi32, #tpu.memory_space<vmem>>
      %dma_wait3A_574 = arith.constant 0 : i32
      %dma_wait3A_575 = arith.constant 0 : i32
      %dma_wait3A_576 = tpu.memref_slice %arg3[%dma_wait3A_574, %dma_wait3A_575] : memref<1000000x32xf32, #tpu.memory_space<hbm>> -> memref<1000000x32xf32, #tpu.memory_space<hbm>>
      tpu.wait_indirect_dma semaphore(%arg7 : memref<!tpu.dma_semaphore, #tpu.memory_space<semaphore_mem>>) src(%dma_wait3A_576 : memref<1000000x32xf32, #tpu.memory_space<hbm>>) dst(%dma_wait3A_570 : memref<56x32xf32, #tpu.memory_space<vmem>>)
      %dma_wait3A_577 = arith.constant 0 : i32
      %dma_wait3A_578 = arith.constant 11 : i32
      %dma_wait3A_579 = arith.constant 0 : i32
      %dma_wait3A_580 = arith.constant 0 : i32
      %dma_wait3A_581 = arith.constant 0 : i32
      %dma_wait3A_582 = tpu.memref_slice %arg6[%dma_wait3A_577, %dma_wait3A_579, %dma_wait3A_580, %dma_wait3A_581] : memref<2x16x56x32xf32, #tpu.memory_space<vmem>> -> memref<1x16x56x32xf32, #tpu.memory_space<vmem>>
      %dma_wait3A_583 = tpu.memref_squeeze %dma_wait3A_582 : memref<1x16x56x32xf32, #tpu.memory_space<vmem>> -> memref<16x56x32xf32, #tpu.memory_space<vmem>>
      %dma_wait3A_584 = arith.constant 0 : i32
      %dma_wait3A_585 = arith.constant 0 : i32
      %dma_wait3A_586 = tpu.memref_slice %dma_wait3A_583[%dma_wait3A_578, %dma_wait3A_584, %dma_wait3A_585] : memref<16x56x32xf32, #tpu.memory_space<vmem>> -> memref<1x56x32xf32, #tpu.memory_space<vmem>>
      %dma_wait3A_587 = tpu.memref_squeeze %dma_wait3A_586 : memref<1x56x32xf32, #tpu.memory_space<vmem>> -> memref<56x32xf32, #tpu.memory_space<vmem>>
      %dma_wait3A_588 = arith.constant 0 : i32
      %dma_wait3A_589 = tpu.memref_slice %arg5[%add3A_288, %dma_wait3A_588] : memref<512x56xi32, #tpu.memory_space<vmem>> -> memref<1x56xi32, #tpu.memory_space<vmem>>
      %dma_wait3A_590 = tpu.memref_squeeze %dma_wait3A_589 : memref<1x56xi32, #tpu.memory_space<vmem>> -> memref<56xi32, #tpu.memory_space<vmem>>
      %dma_wait3A_591 = arith.constant 0 : i32
      %dma_wait3A_592 = arith.constant 0 : i32
      %dma_wait3A_593 = tpu.memref_slice %arg3[%dma_wait3A_591, %dma_wait3A_592] : memref<1000000x32xf32, #tpu.memory_space<hbm>> -> memref<1000000x32xf32, #tpu.memory_space<hbm>>
      tpu.wait_indirect_dma semaphore(%arg7 : memref<!tpu.dma_semaphore, #tpu.memory_space<semaphore_mem>>) src(%dma_wait3A_593 : memref<1000000x32xf32, #tpu.memory_space<hbm>>) dst(%dma_wait3A_587 : memref<56x32xf32, #tpu.memory_space<vmem>>)
      %dma_wait3A_594 = arith.constant 0 : i32
      %dma_wait3A_595 = arith.constant 12 : i32
      %dma_wait3A_596 = arith.constant 0 : i32
      %dma_wait3A_597 = arith.constant 0 : i32
      %dma_wait3A_598 = arith.constant 0 : i32
      %dma_wait3A_599 = tpu.memref_slice %arg6[%dma_wait3A_594, %dma_wait3A_596, %dma_wait3A_597, %dma_wait3A_598] : memref<2x16x56x32xf32, #tpu.memory_space<vmem>> -> memref<1x16x56x32xf32, #tpu.memory_space<vmem>>
      %dma_wait3A_600 = tpu.memref_squeeze %dma_wait3A_599 : memref<1x16x56x32xf32, #tpu.memory_space<vmem>> -> memref<16x56x32xf32, #tpu.memory_space<vmem>>
      %dma_wait3A_601 = arith.constant 0 : i32
      %dma_wait3A_602 = arith.constant 0 : i32
      %dma_wait3A_603 = tpu.memref_slice %dma_wait3A_600[%dma_wait3A_595, %dma_wait3A_601, %dma_wait3A_602] : memref<16x56x32xf32, #tpu.memory_space<vmem>> -> memref<1x56x32xf32, #tpu.memory_space<vmem>>
      %dma_wait3A_604 = tpu.memref_squeeze %dma_wait3A_603 : memref<1x56x32xf32, #tpu.memory_space<vmem>> -> memref<56x32xf32, #tpu.memory_space<vmem>>
      %dma_wait3A_605 = arith.constant 0 : i32
      %dma_wait3A_606 = tpu.memref_slice %arg5[%add3A_309, %dma_wait3A_605] : memref<512x56xi32, #tpu.memory_space<vmem>> -> memref<1x56xi32, #tpu.memory_space<vmem>>
      %dma_wait3A_607 = tpu.memref_squeeze %dma_wait3A_606 : memref<1x56xi32, #tpu.memory_space<vmem>> -> memref<56xi32, #tpu.memory_space<vmem>>
      %dma_wait3A_608 = arith.constant 0 : i32
      %dma_wait3A_609 = arith.constant 0 : i32
      %dma_wait3A_610 = tpu.memref_slice %arg3[%dma_wait3A_608, %dma_wait3A_609] : memref<1000000x32xf32, #tpu.memory_space<hbm>> -> memref<1000000x32xf32, #tpu.memory_space<hbm>>
      tpu.wait_indirect_dma semaphore(%arg7 : memref<!tpu.dma_semaphore, #tpu.memory_space<semaphore_mem>>) src(%dma_wait3A_610 : memref<1000000x32xf32, #tpu.memory_space<hbm>>) dst(%dma_wait3A_604 : memref<56x32xf32, #tpu.memory_space<vmem>>)
      %dma_wait3A_611 = arith.constant 0 : i32
      %dma_wait3A_612 = arith.constant 13 : i32
      %dma_wait3A_613 = arith.constant 0 : i32
      %dma_wait3A_614 = arith.constant 0 : i32
      %dma_wait3A_615 = arith.constant 0 : i32
      %dma_wait3A_616 = tpu.memref_slice %arg6[%dma_wait3A_611, %dma_wait3A_613, %dma_wait3A_614, %dma_wait3A_615] : memref<2x16x56x32xf32, #tpu.memory_space<vmem>> -> memref<1x16x56x32xf32, #tpu.memory_space<vmem>>
      %dma_wait3A_617 = tpu.memref_squeeze %dma_wait3A_616 : memref<1x16x56x32xf32, #tpu.memory_space<vmem>> -> memref<16x56x32xf32, #tpu.memory_space<vmem>>
      %dma_wait3A_618 = arith.constant 0 : i32
      %dma_wait3A_619 = arith.constant 0 : i32
      %dma_wait3A_620 = tpu.memref_slice %dma_wait3A_617[%dma_wait3A_612, %dma_wait3A_618, %dma_wait3A_619] : memref<16x56x32xf32, #tpu.memory_space<vmem>> -> memref<1x56x32xf32, #tpu.memory_space<vmem>>
      %dma_wait3A_621 = tpu.memref_squeeze %dma_wait3A_620 : memref<1x56x32xf32, #tpu.memory_space<vmem>> -> memref<56x32xf32, #tpu.memory_space<vmem>>
      %dma_wait3A_622 = arith.constant 0 : i32
      %dma_wait3A_623 = tpu.memref_slice %arg5[%add3A_330, %dma_wait3A_622] : memref<512x56xi32, #tpu.memory_space<vmem>> -> memref<1x56xi32, #tpu.memory_space<vmem>>
      %dma_wait3A_624 = tpu.memref_squeeze %dma_wait3A_623 : memref<1x56xi32, #tpu.memory_space<vmem>> -> memref<56xi32, #tpu.memory_space<vmem>>
      %dma_wait3A_625 = arith.constant 0 : i32
      %dma_wait3A_626 = arith.constant 0 : i32
      %dma_wait3A_627 = tpu.memref_slice %arg3[%dma_wait3A_625, %dma_wait3A_626] : memref<1000000x32xf32, #tpu.memory_space<hbm>> -> memref<1000000x32xf32, #tpu.memory_space<hbm>>
      tpu.wait_indirect_dma semaphore(%arg7 : memref<!tpu.dma_semaphore, #tpu.memory_space<semaphore_mem>>) src(%dma_wait3A_627 : memref<1000000x32xf32, #tpu.memory_space<hbm>>) dst(%dma_wait3A_621 : memref<56x32xf32, #tpu.memory_space<vmem>>)
      %dma_wait3A_628 = arith.constant 0 : i32
      %dma_wait3A_629 = arith.constant 14 : i32
      %dma_wait3A_630 = arith.constant 0 : i32
      %dma_wait3A_631 = arith.constant 0 : i32
      %dma_wait3A_632 = arith.constant 0 : i32
      %dma_wait3A_633 = tpu.memref_slice %arg6[%dma_wait3A_628, %dma_wait3A_630, %dma_wait3A_631, %dma_wait3A_632] : memref<2x16x56x32xf32, #tpu.memory_space<vmem>> -> memref<1x16x56x32xf32, #tpu.memory_space<vmem>>
      %dma_wait3A_634 = tpu.memref_squeeze %dma_wait3A_633 : memref<1x16x56x32xf32, #tpu.memory_space<vmem>> -> memref<16x56x32xf32, #tpu.memory_space<vmem>>
      %dma_wait3A_635 = arith.constant 0 : i32
      %dma_wait3A_636 = arith.constant 0 : i32
      %dma_wait3A_637 = tpu.memref_slice %dma_wait3A_634[%dma_wait3A_629, %dma_wait3A_635, %dma_wait3A_636] : memref<16x56x32xf32, #tpu.memory_space<vmem>> -> memref<1x56x32xf32, #tpu.memory_space<vmem>>
      %dma_wait3A_638 = tpu.memref_squeeze %dma_wait3A_637 : memref<1x56x32xf32, #tpu.memory_space<vmem>> -> memref<56x32xf32, #tpu.memory_space<vmem>>
      %dma_wait3A_639 = arith.constant 0 : i32
      %dma_wait3A_640 = tpu.memref_slice %arg5[%add3A_351, %dma_wait3A_639] : memref<512x56xi32, #tpu.memory_space<vmem>> -> memref<1x56xi32, #tpu.memory_space<vmem>>
      %dma_wait3A_641 = tpu.memref_squeeze %dma_wait3A_640 : memref<1x56xi32, #tpu.memory_space<vmem>> -> memref<56xi32, #tpu.memory_space<vmem>>
      %dma_wait3A_642 = arith.constant 0 : i32
      %dma_wait3A_643 = arith.constant 0 : i32
      %dma_wait3A_644 = tpu.memref_slice %arg3[%dma_wait3A_642, %dma_wait3A_643] : memref<1000000x32xf32, #tpu.memory_space<hbm>> -> memref<1000000x32xf32, #tpu.memory_space<hbm>>
      tpu.wait_indirect_dma semaphore(%arg7 : memref<!tpu.dma_semaphore, #tpu.memory_space<semaphore_mem>>) src(%dma_wait3A_644 : memref<1000000x32xf32, #tpu.memory_space<hbm>>) dst(%dma_wait3A_638 : memref<56x32xf32, #tpu.memory_space<vmem>>)
      %dma_wait3A_645 = arith.constant 0 : i32
      %dma_wait3A_646 = arith.constant 15 : i32
      %dma_wait3A_647 = arith.constant 0 : i32
      %dma_wait3A_648 = arith.constant 0 : i32
      %dma_wait3A_649 = arith.constant 0 : i32
      %dma_wait3A_650 = tpu.memref_slice %arg6[%dma_wait3A_645, %dma_wait3A_647, %dma_wait3A_648, %dma_wait3A_649] : memref<2x16x56x32xf32, #tpu.memory_space<vmem>> -> memref<1x16x56x32xf32, #tpu.memory_space<vmem>>
      %dma_wait3A_651 = tpu.memref_squeeze %dma_wait3A_650 : memref<1x16x56x32xf32, #tpu.memory_space<vmem>> -> memref<16x56x32xf32, #tpu.memory_space<vmem>>
      %dma_wait3A_652 = arith.constant 0 : i32
      %dma_wait3A_653 = arith.constant 0 : i32
      %dma_wait3A_654 = tpu.memref_slice %dma_wait3A_651[%dma_wait3A_646, %dma_wait3A_652, %dma_wait3A_653] : memref<16x56x32xf32, #tpu.memory_space<vmem>> -> memref<1x56x32xf32, #tpu.memory_space<vmem>>
      %dma_wait3A_655 = tpu.memref_squeeze %dma_wait3A_654 : memref<1x56x32xf32, #tpu.memory_space<vmem>> -> memref<56x32xf32, #tpu.memory_space<vmem>>
      %dma_wait3A_656 = arith.constant 0 : i32
      %dma_wait3A_657 = tpu.memref_slice %arg5[%add3A_372, %dma_wait3A_656] : memref<512x56xi32, #tpu.memory_space<vmem>> -> memref<1x56xi32, #tpu.memory_space<vmem>>
      %dma_wait3A_658 = tpu.memref_squeeze %dma_wait3A_657 : memref<1x56xi32, #tpu.memory_space<vmem>> -> memref<56xi32, #tpu.memory_space<vmem>>
      %dma_wait3A_659 = arith.constant 0 : i32
      %dma_wait3A_660 = arith.constant 0 : i32
      %dma_wait3A_661 = tpu.memref_slice %arg3[%dma_wait3A_659, %dma_wait3A_660] : memref<1000000x32xf32, #tpu.memory_space<hbm>> -> memref<1000000x32xf32, #tpu.memory_space<hbm>>
      tpu.wait_indirect_dma semaphore(%arg7 : memref<!tpu.dma_semaphore, #tpu.memory_space<semaphore_mem>>) src(%dma_wait3A_661 : memref<1000000x32xf32, #tpu.memory_space<hbm>>) dst(%dma_wait3A_655 : memref<56x32xf32, #tpu.memory_space<vmem>>)
      %mul3A_662 = arith.constant 16 : i32
      %mul3A_663 = arith.muli %add3A_51, %mul3A_662 : i32
      %add3A_664 = arith.addi %mul3A_2, %mul3A_663 : i32
      %dma_start3A_665 = arith.constant 0 : i32
      %dma_start3A_666 = arith.constant 0 : i32
      %dma_start3A_667 = arith.constant 0 : i32
      %dma_start3A_668 = arith.constant 0 : i32
      %dma_start3A_669 = arith.constant 0 : i32
      %dma_start3A_670 = tpu.memref_slice %arg6[%dma_start3A_665, %dma_start3A_667, %dma_start3A_668, %dma_start3A_669] : memref<2x16x56x32xf32, #tpu.memory_space<vmem>> -> memref<1x16x56x32xf32, #tpu.memory_space<vmem>>
      %dma_start3A_671 = tpu.memref_squeeze %dma_start3A_670 : memref<1x16x56x32xf32, #tpu.memory_space<vmem>> -> memref<16x56x32xf32, #tpu.memory_space<vmem>>
      %dma_start3A_672 = arith.constant 0 : i32
      %dma_start3A_673 = arith.constant 0 : i32
      %dma_start3A_674 = arith.constant 0 : i32
      %dma_start3A_675 = tpu.memref_slice %dma_start3A_671[%dma_start3A_672, %dma_start3A_673, %dma_start3A_674] : memref<16x56x32xf32, #tpu.memory_space<vmem>> -> memref<16x50x32xf32, #tpu.memory_space<vmem>>
      %dma_start3A_676 = arith.constant 0 : i32
      %dma_start3A_677 = arith.constant 0 : i32
      %dma_start3A_678 = tpu.memref_slice %arg4[%add3A_664, %dma_start3A_676, %dma_start3A_677] : memref<16384x50x32xf32, #tpu.memory_space<hbm>> -> memref<16x50x32xf32, #tpu.memory_space<hbm>>
      %dma_start3A_679 = tpu.memref_slice %arg8[%dma_start3A_666] : memref<2x!tpu.dma_semaphore, #tpu.memory_space<semaphore_mem>> -> memref<1x!tpu.dma_semaphore, #tpu.memory_space<semaphore_mem>>
      %dma_start3A_680 = tpu.memref_squeeze %dma_start3A_679 : memref<1x!tpu.dma_semaphore, #tpu.memory_space<semaphore_mem>> -> memref<!tpu.dma_semaphore, #tpu.memory_space<semaphore_mem>>
      %dma_start3A_681 = arith.constant 0 : i32
      %dma_start3A_682 = arith.constant 0 : i32
      %dma_start3A_683 = tpu.memref_slice %arg4[%add3A_664, %dma_start3A_681, %dma_start3A_682] : memref<16384x50x32xf32, #tpu.memory_space<hbm>> -> memref<16x50x32xf32, #tpu.memory_space<hbm>>
      %dma_start3A_684 = arith.constant 0 : i32
      %dma_start3A_685 = arith.constant 0 : i32
      %dma_start3A_686 = arith.constant 0 : i32
      %dma_start3A_687 = tpu.memref_slice %arg6[%dma_start3A_665, %dma_start3A_684, %dma_start3A_685, %dma_start3A_686] : memref<2x16x56x32xf32, #tpu.memory_space<vmem>> -> memref<1x16x56x32xf32, #tpu.memory_space<vmem>>
      %dma_start3A_688 = tpu.memref_squeeze %dma_start3A_687 : memref<1x16x56x32xf32, #tpu.memory_space<vmem>> -> memref<16x56x32xf32, #tpu.memory_space<vmem>>
      %dma_start3A_689 = arith.constant 0 : i32
      %dma_start3A_690 = arith.constant 0 : i32
      %dma_start3A_691 = arith.constant 0 : i32
      %dma_start3A_692 = tpu.memref_slice %dma_start3A_688[%dma_start3A_689, %dma_start3A_690, %dma_start3A_691] : memref<16x56x32xf32, #tpu.memory_space<vmem>> -> memref<16x50x32xf32, #tpu.memory_space<vmem>>
      tpu.enqueue_dma source(%dma_start3A_692 : memref<16x50x32xf32, #tpu.memory_space<vmem>>) target(%dma_start3A_683 : memref<16x50x32xf32, #tpu.memory_space<hbm>>) target_semaphore(%dma_start3A_680 : memref<!tpu.dma_semaphore, #tpu.memory_space<semaphore_mem>>)
      %mul3A_693 = arith.constant 2 : i32
      %mul3A_694 = arith.muli %scan3A_47, %mul3A_693 : i32
      %add3A_695 = arith.constant 1 : i32
      %add3A_696 = arith.addi %mul3A_694, %add3A_695 : i32
      %gt3A_697 = arith.constant 0 : i32
      %gt3A_698 = arith.cmpi sgt, %scan3A_47, %gt3A_697 : i32
      %convert_element_type3A_699 = arith.extui %gt3A_698 : i1 to i32
      %cond3A_700 = arith.constant 1 : i32
      %cond3A_701 = arith.constant 0 : i32
      %cond3A_702 = arith.cmpi ne, %convert_element_type3A_699, %cond3A_701 : i32
      scf.if %cond3A_702 {
        %dma_wait3A_1342 = arith.constant 1 : i32
        %dma_wait3A_1343 = arith.constant 0 : i32
        %dma_wait3A_1344 = arith.constant 0 : i32
        %dma_wait3A_1345 = arith.constant 0 : i32
        %dma_wait3A_1346 = tpu.memref_slice %arg6[%cond3A_700, %dma_wait3A_1343, %dma_wait3A_1344, %dma_wait3A_1345] : memref<2x16x56x32xf32, #tpu.memory_space<vmem>> -> memref<1x16x56x32xf32, #tpu.memory_space<vmem>>
        %dma_wait3A_1347 = tpu.memref_squeeze %dma_wait3A_1346 : memref<1x16x56x32xf32, #tpu.memory_space<vmem>> -> memref<16x56x32xf32, #tpu.memory_space<vmem>>
        %dma_wait3A_1348 = arith.constant 0 : i32
        %dma_wait3A_1349 = arith.constant 0 : i32
        %dma_wait3A_1350 = arith.constant 0 : i32
        %dma_wait3A_1351 = tpu.memref_slice %dma_wait3A_1347[%dma_wait3A_1348, %dma_wait3A_1349, %dma_wait3A_1350] : memref<16x56x32xf32, #tpu.memory_space<vmem>> -> memref<16x50x32xf32, #tpu.memory_space<vmem>>
        %dma_wait3A_1352 = arith.constant 0 : i32
        %dma_wait3A_1353 = arith.constant 0 : i32
        %dma_wait3A_1354 = tpu.memref_slice %arg4[%mul3A_2, %dma_wait3A_1352, %dma_wait3A_1353] : memref<16384x50x32xf32, #tpu.memory_space<hbm>> -> memref<16x50x32xf32, #tpu.memory_space<hbm>>
        %dma_wait3A_1355 = tpu.memref_slice %arg8[%dma_wait3A_1342] : memref<2x!tpu.dma_semaphore, #tpu.memory_space<semaphore_mem>> -> memref<1x!tpu.dma_semaphore, #tpu.memory_space<semaphore_mem>>
        %dma_wait3A_1356 = tpu.memref_squeeze %dma_wait3A_1355 : memref<1x!tpu.dma_semaphore, #tpu.memory_space<semaphore_mem>> -> memref<!tpu.dma_semaphore, #tpu.memory_space<semaphore_mem>>
        %dma_wait3A_1357 = arith.constant 0 : i32
        %dma_wait3A_1358 = arith.constant 0 : i32
        %dma_wait3A_1359 = tpu.memref_slice %arg4[%mul3A_2, %dma_wait3A_1357, %dma_wait3A_1358] : memref<16384x50x32xf32, #tpu.memory_space<hbm>> -> memref<16x50x32xf32, #tpu.memory_space<hbm>>
        %dma_wait3A_1360 = arith.constant 0 : i32
        %dma_wait3A_1361 = arith.constant 0 : i32
        %dma_wait3A_1362 = arith.constant 0 : i32
        %dma_wait3A_1363 = tpu.memref_slice %arg6[%cond3A_700, %dma_wait3A_1360, %dma_wait3A_1361, %dma_wait3A_1362] : memref<2x16x56x32xf32, #tpu.memory_space<vmem>> -> memref<1x16x56x32xf32, #tpu.memory_space<vmem>>
        %dma_wait3A_1364 = tpu.memref_squeeze %dma_wait3A_1363 : memref<1x16x56x32xf32, #tpu.memory_space<vmem>> -> memref<16x56x32xf32, #tpu.memory_space<vmem>>
        %dma_wait3A_1365 = arith.constant 0 : i32
        %dma_wait3A_1366 = arith.constant 0 : i32
        %dma_wait3A_1367 = arith.constant 0 : i32
        %dma_wait3A_1368 = tpu.memref_slice %dma_wait3A_1364[%dma_wait3A_1365, %dma_wait3A_1366, %dma_wait3A_1367] : memref<16x56x32xf32, #tpu.memory_space<vmem>> -> memref<16x50x32xf32, #tpu.memory_space<vmem>>
        tpu.wait_dma2 semaphore(%dma_wait3A_1356 : memref<!tpu.dma_semaphore, #tpu.memory_space<semaphore_mem>>) src(%dma_wait3A_1368 : memref<16x50x32xf32, #tpu.memory_space<vmem>>) dst(%dma_wait3A_1359 : memref<16x50x32xf32, #tpu.memory_space<hbm>>)
      } else {
      }
      %mul3A_703 = arith.constant 16 : i32
      %mul3A_704 = arith.muli %add3A_696, %mul3A_703 : i32
      %add3A_705 = arith.constant 0 : i32
      %add3A_706 = arith.addi %mul3A_704, %add3A_705 : i32
      %dma_start3A_707 = arith.constant 1 : i32
      %dma_start3A_708 = arith.constant 0 : i32
      %dma_start3A_709 = arith.constant 0 : i32
      %dma_start3A_710 = arith.constant 0 : i32
      %dma_start3A_711 = arith.constant 0 : i32
      %dma_start3A_712 = tpu.memref_slice %arg6[%dma_start3A_707, %dma_start3A_709, %dma_start3A_710, %dma_start3A_711] : memref<2x16x56x32xf32, #tpu.memory_space<vmem>> -> memref<1x16x56x32xf32, #tpu.memory_space<vmem>>
      %dma_start3A_713 = tpu.memref_squeeze %dma_start3A_712 : memref<1x16x56x32xf32, #tpu.memory_space<vmem>> -> memref<16x56x32xf32, #tpu.memory_space<vmem>>
      %dma_start3A_714 = arith.constant 0 : i32
      %dma_start3A_715 = arith.constant 0 : i32
      %dma_start3A_716 = tpu.memref_slice %dma_start3A_713[%dma_start3A_708, %dma_start3A_714, %dma_start3A_715] : memref<16x56x32xf32, #tpu.memory_space<vmem>> -> memref<1x56x32xf32, #tpu.memory_space<vmem>>
      %dma_start3A_717 = tpu.memref_squeeze %dma_start3A_716 : memref<1x56x32xf32, #tpu.memory_space<vmem>> -> memref<56x32xf32, #tpu.memory_space<vmem>>
      %dma_start3A_718 = arith.constant 0 : i32
      %dma_start3A_719 = tpu.memref_slice %arg5[%add3A_706, %dma_start3A_718] : memref<512x56xi32, #tpu.memory_space<vmem>> -> memref<1x56xi32, #tpu.memory_space<vmem>>
      %dma_start3A_720 = tpu.memref_squeeze %dma_start3A_719 : memref<1x56xi32, #tpu.memory_space<vmem>> -> memref<56xi32, #tpu.memory_space<vmem>>
      %dma_start3A_721 = arith.constant 0 : i32
      %dma_start3A_722 = arith.constant 0 : i32
      %dma_start3A_723 = tpu.memref_slice %arg3[%dma_start3A_721, %dma_start3A_722] : memref<1000000x32xf32, #tpu.memory_space<hbm>> -> memref<1000000x32xf32, #tpu.memory_space<hbm>>
      tpu.enqueue_indirect_dma source(%dma_start3A_723 : memref<1000000x32xf32, #tpu.memory_space<hbm>>) target(%dma_start3A_717 : memref<56x32xf32, #tpu.memory_space<vmem>>) offsets(%dma_start3A_720 : memref<56xi32, #tpu.memory_space<vmem>>) semaphore(%arg7 : memref<!tpu.dma_semaphore, #tpu.memory_space<semaphore_mem>>)
      %mul3A_724 = arith.constant 16 : i32
      %mul3A_725 = arith.muli %add3A_696, %mul3A_724 : i32
      %add3A_726 = arith.constant 1 : i32
      %add3A_727 = arith.addi %mul3A_725, %add3A_726 : i32
      %dma_start3A_728 = arith.constant 1 : i32
      %dma_start3A_729 = arith.constant 1 : i32
      %dma_start3A_730 = arith.constant 0 : i32
      %dma_start3A_731 = arith.constant 0 : i32
      %dma_start3A_732 = arith.constant 0 : i32
      %dma_start3A_733 = tpu.memref_slice %arg6[%dma_start3A_728, %dma_start3A_730, %dma_start3A_731, %dma_start3A_732] : memref<2x16x56x32xf32, #tpu.memory_space<vmem>> -> memref<1x16x56x32xf32, #tpu.memory_space<vmem>>
      %dma_start3A_734 = tpu.memref_squeeze %dma_start3A_733 : memref<1x16x56x32xf32, #tpu.memory_space<vmem>> -> memref<16x56x32xf32, #tpu.memory_space<vmem>>
      %dma_start3A_735 = arith.constant 0 : i32
      %dma_start3A_736 = arith.constant 0 : i32
      %dma_start3A_737 = tpu.memref_slice %dma_start3A_734[%dma_start3A_729, %dma_start3A_735, %dma_start3A_736] : memref<16x56x32xf32, #tpu.memory_space<vmem>> -> memref<1x56x32xf32, #tpu.memory_space<vmem>>
      %dma_start3A_738 = tpu.memref_squeeze %dma_start3A_737 : memref<1x56x32xf32, #tpu.memory_space<vmem>> -> memref<56x32xf32, #tpu.memory_space<vmem>>
      %dma_start3A_739 = arith.constant 0 : i32
      %dma_start3A_740 = tpu.memref_slice %arg5[%add3A_727, %dma_start3A_739] : memref<512x56xi32, #tpu.memory_space<vmem>> -> memref<1x56xi32, #tpu.memory_space<vmem>>
      %dma_start3A_741 = tpu.memref_squeeze %dma_start3A_740 : memref<1x56xi32, #tpu.memory_space<vmem>> -> memref<56xi32, #tpu.memory_space<vmem>>
      %dma_start3A_742 = arith.constant 0 : i32
      %dma_start3A_743 = arith.constant 0 : i32
      %dma_start3A_744 = tpu.memref_slice %arg3[%dma_start3A_742, %dma_start3A_743] : memref<1000000x32xf32, #tpu.memory_space<hbm>> -> memref<1000000x32xf32, #tpu.memory_space<hbm>>
      tpu.enqueue_indirect_dma source(%dma_start3A_744 : memref<1000000x32xf32, #tpu.memory_space<hbm>>) target(%dma_start3A_738 : memref<56x32xf32, #tpu.memory_space<vmem>>) offsets(%dma_start3A_741 : memref<56xi32, #tpu.memory_space<vmem>>) semaphore(%arg7 : memref<!tpu.dma_semaphore, #tpu.memory_space<semaphore_mem>>)
      %mul3A_745 = arith.constant 16 : i32
      %mul3A_746 = arith.muli %add3A_696, %mul3A_745 : i32
      %add3A_747 = arith.constant 2 : i32
      %add3A_748 = arith.addi %mul3A_746, %add3A_747 : i32
      %dma_start3A_749 = arith.constant 1 : i32
      %dma_start3A_750 = arith.constant 2 : i32
      %dma_start3A_751 = arith.constant 0 : i32
      %dma_start3A_752 = arith.constant 0 : i32
      %dma_start3A_753 = arith.constant 0 : i32
      %dma_start3A_754 = tpu.memref_slice %arg6[%dma_start3A_749, %dma_start3A_751, %dma_start3A_752, %dma_start3A_753] : memref<2x16x56x32xf32, #tpu.memory_space<vmem>> -> memref<1x16x56x32xf32, #tpu.memory_space<vmem>>
      %dma_start3A_755 = tpu.memref_squeeze %dma_start3A_754 : memref<1x16x56x32xf32, #tpu.memory_space<vmem>> -> memref<16x56x32xf32, #tpu.memory_space<vmem>>
      %dma_start3A_756 = arith.constant 0 : i32
      %dma_start3A_757 = arith.constant 0 : i32
      %dma_start3A_758 = tpu.memref_slice %dma_start3A_755[%dma_start3A_750, %dma_start3A_756, %dma_start3A_757] : memref<16x56x32xf32, #tpu.memory_space<vmem>> -> memref<1x56x32xf32, #tpu.memory_space<vmem>>
      %dma_start3A_759 = tpu.memref_squeeze %dma_start3A_758 : memref<1x56x32xf32, #tpu.memory_space<vmem>> -> memref<56x32xf32, #tpu.memory_space<vmem>>
      %dma_start3A_760 = arith.constant 0 : i32
      %dma_start3A_761 = tpu.memref_slice %arg5[%add3A_748, %dma_start3A_760] : memref<512x56xi32, #tpu.memory_space<vmem>> -> memref<1x56xi32, #tpu.memory_space<vmem>>
      %dma_start3A_762 = tpu.memref_squeeze %dma_start3A_761 : memref<1x56xi32, #tpu.memory_space<vmem>> -> memref<56xi32, #tpu.memory_space<vmem>>
      %dma_start3A_763 = arith.constant 0 : i32
      %dma_start3A_764 = arith.constant 0 : i32
      %dma_start3A_765 = tpu.memref_slice %arg3[%dma_start3A_763, %dma_start3A_764] : memref<1000000x32xf32, #tpu.memory_space<hbm>> -> memref<1000000x32xf32, #tpu.memory_space<hbm>>
      tpu.enqueue_indirect_dma source(%dma_start3A_765 : memref<1000000x32xf32, #tpu.memory_space<hbm>>) target(%dma_start3A_759 : memref<56x32xf32, #tpu.memory_space<vmem>>) offsets(%dma_start3A_762 : memref<56xi32, #tpu.memory_space<vmem>>) semaphore(%arg7 : memref<!tpu.dma_semaphore, #tpu.memory_space<semaphore_mem>>)
      %mul3A_766 = arith.constant 16 : i32
      %mul3A_767 = arith.muli %add3A_696, %mul3A_766 : i32
      %add3A_768 = arith.constant 3 : i32
      %add3A_769 = arith.addi %mul3A_767, %add3A_768 : i32
      %dma_start3A_770 = arith.constant 1 : i32
      %dma_start3A_771 = arith.constant 3 : i32
      %dma_start3A_772 = arith.constant 0 : i32
      %dma_start3A_773 = arith.constant 0 : i32
      %dma_start3A_774 = arith.constant 0 : i32
      %dma_start3A_775 = tpu.memref_slice %arg6[%dma_start3A_770, %dma_start3A_772, %dma_start3A_773, %dma_start3A_774] : memref<2x16x56x32xf32, #tpu.memory_space<vmem>> -> memref<1x16x56x32xf32, #tpu.memory_space<vmem>>
      %dma_start3A_776 = tpu.memref_squeeze %dma_start3A_775 : memref<1x16x56x32xf32, #tpu.memory_space<vmem>> -> memref<16x56x32xf32, #tpu.memory_space<vmem>>
      %dma_start3A_777 = arith.constant 0 : i32
      %dma_start3A_778 = arith.constant 0 : i32
      %dma_start3A_779 = tpu.memref_slice %dma_start3A_776[%dma_start3A_771, %dma_start3A_777, %dma_start3A_778] : memref<16x56x32xf32, #tpu.memory_space<vmem>> -> memref<1x56x32xf32, #tpu.memory_space<vmem>>
      %dma_start3A_780 = tpu.memref_squeeze %dma_start3A_779 : memref<1x56x32xf32, #tpu.memory_space<vmem>> -> memref<56x32xf32, #tpu.memory_space<vmem>>
      %dma_start3A_781 = arith.constant 0 : i32
      %dma_start3A_782 = tpu.memref_slice %arg5[%add3A_769, %dma_start3A_781] : memref<512x56xi32, #tpu.memory_space<vmem>> -> memref<1x56xi32, #tpu.memory_space<vmem>>
      %dma_start3A_783 = tpu.memref_squeeze %dma_start3A_782 : memref<1x56xi32, #tpu.memory_space<vmem>> -> memref<56xi32, #tpu.memory_space<vmem>>
      %dma_start3A_784 = arith.constant 0 : i32
      %dma_start3A_785 = arith.constant 0 : i32
      %dma_start3A_786 = tpu.memref_slice %arg3[%dma_start3A_784, %dma_start3A_785] : memref<1000000x32xf32, #tpu.memory_space<hbm>> -> memref<1000000x32xf32, #tpu.memory_space<hbm>>
      tpu.enqueue_indirect_dma source(%dma_start3A_786 : memref<1000000x32xf32, #tpu.memory_space<hbm>>) target(%dma_start3A_780 : memref<56x32xf32, #tpu.memory_space<vmem>>) offsets(%dma_start3A_783 : memref<56xi32, #tpu.memory_space<vmem>>) semaphore(%arg7 : memref<!tpu.dma_semaphore, #tpu.memory_space<semaphore_mem>>)
      %mul3A_787 = arith.constant 16 : i32
      %mul3A_788 = arith.muli %add3A_696, %mul3A_787 : i32
      %add3A_789 = arith.constant 4 : i32
      %add3A_790 = arith.addi %mul3A_788, %add3A_789 : i32
      %dma_start3A_791 = arith.constant 1 : i32
      %dma_start3A_792 = arith.constant 4 : i32
      %dma_start3A_793 = arith.constant 0 : i32
      %dma_start3A_794 = arith.constant 0 : i32
      %dma_start3A_795 = arith.constant 0 : i32
      %dma_start3A_796 = tpu.memref_slice %arg6[%dma_start3A_791, %dma_start3A_793, %dma_start3A_794, %dma_start3A_795] : memref<2x16x56x32xf32, #tpu.memory_space<vmem>> -> memref<1x16x56x32xf32, #tpu.memory_space<vmem>>
      %dma_start3A_797 = tpu.memref_squeeze %dma_start3A_796 : memref<1x16x56x32xf32, #tpu.memory_space<vmem>> -> memref<16x56x32xf32, #tpu.memory_space<vmem>>
      %dma_start3A_798 = arith.constant 0 : i32
      %dma_start3A_799 = arith.constant 0 : i32
      %dma_start3A_800 = tpu.memref_slice %dma_start3A_797[%dma_start3A_792, %dma_start3A_798, %dma_start3A_799] : memref<16x56x32xf32, #tpu.memory_space<vmem>> -> memref<1x56x32xf32, #tpu.memory_space<vmem>>
      %dma_start3A_801 = tpu.memref_squeeze %dma_start3A_800 : memref<1x56x32xf32, #tpu.memory_space<vmem>> -> memref<56x32xf32, #tpu.memory_space<vmem>>
      %dma_start3A_802 = arith.constant 0 : i32
      %dma_start3A_803 = tpu.memref_slice %arg5[%add3A_790, %dma_start3A_802] : memref<512x56xi32, #tpu.memory_space<vmem>> -> memref<1x56xi32, #tpu.memory_space<vmem>>
      %dma_start3A_804 = tpu.memref_squeeze %dma_start3A_803 : memref<1x56xi32, #tpu.memory_space<vmem>> -> memref<56xi32, #tpu.memory_space<vmem>>
      %dma_start3A_805 = arith.constant 0 : i32
      %dma_start3A_806 = arith.constant 0 : i32
      %dma_start3A_807 = tpu.memref_slice %arg3[%dma_start3A_805, %dma_start3A_806] : memref<1000000x32xf32, #tpu.memory_space<hbm>> -> memref<1000000x32xf32, #tpu.memory_space<hbm>>
      tpu.enqueue_indirect_dma source(%dma_start3A_807 : memref<1000000x32xf32, #tpu.memory_space<hbm>>) target(%dma_start3A_801 : memref<56x32xf32, #tpu.memory_space<vmem>>) offsets(%dma_start3A_804 : memref<56xi32, #tpu.memory_space<vmem>>) semaphore(%arg7 : memref<!tpu.dma_semaphore, #tpu.memory_space<semaphore_mem>>)
      %mul3A_808 = arith.constant 16 : i32
      %mul3A_809 = arith.muli %add3A_696, %mul3A_808 : i32
      %add3A_810 = arith.constant 5 : i32
      %add3A_811 = arith.addi %mul3A_809, %add3A_810 : i32
      %dma_start3A_812 = arith.constant 1 : i32
      %dma_start3A_813 = arith.constant 5 : i32
      %dma_start3A_814 = arith.constant 0 : i32
      %dma_start3A_815 = arith.constant 0 : i32
      %dma_start3A_816 = arith.constant 0 : i32
      %dma_start3A_817 = tpu.memref_slice %arg6[%dma_start3A_812, %dma_start3A_814, %dma_start3A_815, %dma_start3A_816] : memref<2x16x56x32xf32, #tpu.memory_space<vmem>> -> memref<1x16x56x32xf32, #tpu.memory_space<vmem>>
      %dma_start3A_818 = tpu.memref_squeeze %dma_start3A_817 : memref<1x16x56x32xf32, #tpu.memory_space<vmem>> -> memref<16x56x32xf32, #tpu.memory_space<vmem>>
      %dma_start3A_819 = arith.constant 0 : i32
      %dma_start3A_820 = arith.constant 0 : i32
      %dma_start3A_821 = tpu.memref_slice %dma_start3A_818[%dma_start3A_813, %dma_start3A_819, %dma_start3A_820] : memref<16x56x32xf32, #tpu.memory_space<vmem>> -> memref<1x56x32xf32, #tpu.memory_space<vmem>>
      %dma_start3A_822 = tpu.memref_squeeze %dma_start3A_821 : memref<1x56x32xf32, #tpu.memory_space<vmem>> -> memref<56x32xf32, #tpu.memory_space<vmem>>
      %dma_start3A_823 = arith.constant 0 : i32
      %dma_start3A_824 = tpu.memref_slice %arg5[%add3A_811, %dma_start3A_823] : memref<512x56xi32, #tpu.memory_space<vmem>> -> memref<1x56xi32, #tpu.memory_space<vmem>>
      %dma_start3A_825 = tpu.memref_squeeze %dma_start3A_824 : memref<1x56xi32, #tpu.memory_space<vmem>> -> memref<56xi32, #tpu.memory_space<vmem>>
      %dma_start3A_826 = arith.constant 0 : i32
      %dma_start3A_827 = arith.constant 0 : i32
      %dma_start3A_828 = tpu.memref_slice %arg3[%dma_start3A_826, %dma_start3A_827] : memref<1000000x32xf32, #tpu.memory_space<hbm>> -> memref<1000000x32xf32, #tpu.memory_space<hbm>>
      tpu.enqueue_indirect_dma source(%dma_start3A_828 : memref<1000000x32xf32, #tpu.memory_space<hbm>>) target(%dma_start3A_822 : memref<56x32xf32, #tpu.memory_space<vmem>>) offsets(%dma_start3A_825 : memref<56xi32, #tpu.memory_space<vmem>>) semaphore(%arg7 : memref<!tpu.dma_semaphore, #tpu.memory_space<semaphore_mem>>)
      %mul3A_829 = arith.constant 16 : i32
      %mul3A_830 = arith.muli %add3A_696, %mul3A_829 : i32
      %add3A_831 = arith.constant 6 : i32
      %add3A_832 = arith.addi %mul3A_830, %add3A_831 : i32
      %dma_start3A_833 = arith.constant 1 : i32
      %dma_start3A_834 = arith.constant 6 : i32
      %dma_start3A_835 = arith.constant 0 : i32
      %dma_start3A_836 = arith.constant 0 : i32
      %dma_start3A_837 = arith.constant 0 : i32
      %dma_start3A_838 = tpu.memref_slice %arg6[%dma_start3A_833, %dma_start3A_835, %dma_start3A_836, %dma_start3A_837] : memref<2x16x56x32xf32, #tpu.memory_space<vmem>> -> memref<1x16x56x32xf32, #tpu.memory_space<vmem>>
      %dma_start3A_839 = tpu.memref_squeeze %dma_start3A_838 : memref<1x16x56x32xf32, #tpu.memory_space<vmem>> -> memref<16x56x32xf32, #tpu.memory_space<vmem>>
      %dma_start3A_840 = arith.constant 0 : i32
      %dma_start3A_841 = arith.constant 0 : i32
      %dma_start3A_842 = tpu.memref_slice %dma_start3A_839[%dma_start3A_834, %dma_start3A_840, %dma_start3A_841] : memref<16x56x32xf32, #tpu.memory_space<vmem>> -> memref<1x56x32xf32, #tpu.memory_space<vmem>>
      %dma_start3A_843 = tpu.memref_squeeze %dma_start3A_842 : memref<1x56x32xf32, #tpu.memory_space<vmem>> -> memref<56x32xf32, #tpu.memory_space<vmem>>
      %dma_start3A_844 = arith.constant 0 : i32
      %dma_start3A_845 = tpu.memref_slice %arg5[%add3A_832, %dma_start3A_844] : memref<512x56xi32, #tpu.memory_space<vmem>> -> memref<1x56xi32, #tpu.memory_space<vmem>>
      %dma_start3A_846 = tpu.memref_squeeze %dma_start3A_845 : memref<1x56xi32, #tpu.memory_space<vmem>> -> memref<56xi32, #tpu.memory_space<vmem>>
      %dma_start3A_847 = arith.constant 0 : i32
      %dma_start3A_848 = arith.constant 0 : i32
      %dma_start3A_849 = tpu.memref_slice %arg3[%dma_start3A_847, %dma_start3A_848] : memref<1000000x32xf32, #tpu.memory_space<hbm>> -> memref<1000000x32xf32, #tpu.memory_space<hbm>>
      tpu.enqueue_indirect_dma source(%dma_start3A_849 : memref<1000000x32xf32, #tpu.memory_space<hbm>>) target(%dma_start3A_843 : memref<56x32xf32, #tpu.memory_space<vmem>>) offsets(%dma_start3A_846 : memref<56xi32, #tpu.memory_space<vmem>>) semaphore(%arg7 : memref<!tpu.dma_semaphore, #tpu.memory_space<semaphore_mem>>)
      %mul3A_850 = arith.constant 16 : i32
      %mul3A_851 = arith.muli %add3A_696, %mul3A_850 : i32
      %add3A_852 = arith.constant 7 : i32
      %add3A_853 = arith.addi %mul3A_851, %add3A_852 : i32
      %dma_start3A_854 = arith.constant 1 : i32
      %dma_start3A_855 = arith.constant 7 : i32
      %dma_start3A_856 = arith.constant 0 : i32
      %dma_start3A_857 = arith.constant 0 : i32
      %dma_start3A_858 = arith.constant 0 : i32
      %dma_start3A_859 = tpu.memref_slice %arg6[%dma_start3A_854, %dma_start3A_856, %dma_start3A_857, %dma_start3A_858] : memref<2x16x56x32xf32, #tpu.memory_space<vmem>> -> memref<1x16x56x32xf32, #tpu.memory_space<vmem>>
      %dma_start3A_860 = tpu.memref_squeeze %dma_start3A_859 : memref<1x16x56x32xf32, #tpu.memory_space<vmem>> -> memref<16x56x32xf32, #tpu.memory_space<vmem>>
      %dma_start3A_861 = arith.constant 0 : i32
      %dma_start3A_862 = arith.constant 0 : i32
      %dma_start3A_863 = tpu.memref_slice %dma_start3A_860[%dma_start3A_855, %dma_start3A_861, %dma_start3A_862] : memref<16x56x32xf32, #tpu.memory_space<vmem>> -> memref<1x56x32xf32, #tpu.memory_space<vmem>>
      %dma_start3A_864 = tpu.memref_squeeze %dma_start3A_863 : memref<1x56x32xf32, #tpu.memory_space<vmem>> -> memref<56x32xf32, #tpu.memory_space<vmem>>
      %dma_start3A_865 = arith.constant 0 : i32
      %dma_start3A_866 = tpu.memref_slice %arg5[%add3A_853, %dma_start3A_865] : memref<512x56xi32, #tpu.memory_space<vmem>> -> memref<1x56xi32, #tpu.memory_space<vmem>>
      %dma_start3A_867 = tpu.memref_squeeze %dma_start3A_866 : memref<1x56xi32, #tpu.memory_space<vmem>> -> memref<56xi32, #tpu.memory_space<vmem>>
      %dma_start3A_868 = arith.constant 0 : i32
      %dma_start3A_869 = arith.constant 0 : i32
      %dma_start3A_870 = tpu.memref_slice %arg3[%dma_start3A_868, %dma_start3A_869] : memref<1000000x32xf32, #tpu.memory_space<hbm>> -> memref<1000000x32xf32, #tpu.memory_space<hbm>>
      tpu.enqueue_indirect_dma source(%dma_start3A_870 : memref<1000000x32xf32, #tpu.memory_space<hbm>>) target(%dma_start3A_864 : memref<56x32xf32, #tpu.memory_space<vmem>>) offsets(%dma_start3A_867 : memref<56xi32, #tpu.memory_space<vmem>>) semaphore(%arg7 : memref<!tpu.dma_semaphore, #tpu.memory_space<semaphore_mem>>)
      %mul3A_871 = arith.constant 16 : i32
      %mul3A_872 = arith.muli %add3A_696, %mul3A_871 : i32
      %add3A_873 = arith.constant 8 : i32
      %add3A_874 = arith.addi %mul3A_872, %add3A_873 : i32
      %dma_start3A_875 = arith.constant 1 : i32
      %dma_start3A_876 = arith.constant 8 : i32
      %dma_start3A_877 = arith.constant 0 : i32
      %dma_start3A_878 = arith.constant 0 : i32
      %dma_start3A_879 = arith.constant 0 : i32
      %dma_start3A_880 = tpu.memref_slice %arg6[%dma_start3A_875, %dma_start3A_877, %dma_start3A_878, %dma_start3A_879] : memref<2x16x56x32xf32, #tpu.memory_space<vmem>> -> memref<1x16x56x32xf32, #tpu.memory_space<vmem>>
      %dma_start3A_881 = tpu.memref_squeeze %dma_start3A_880 : memref<1x16x56x32xf32, #tpu.memory_space<vmem>> -> memref<16x56x32xf32, #tpu.memory_space<vmem>>
      %dma_start3A_882 = arith.constant 0 : i32
      %dma_start3A_883 = arith.constant 0 : i32
      %dma_start3A_884 = tpu.memref_slice %dma_start3A_881[%dma_start3A_876, %dma_start3A_882, %dma_start3A_883] : memref<16x56x32xf32, #tpu.memory_space<vmem>> -> memref<1x56x32xf32, #tpu.memory_space<vmem>>
      %dma_start3A_885 = tpu.memref_squeeze %dma_start3A_884 : memref<1x56x32xf32, #tpu.memory_space<vmem>> -> memref<56x32xf32, #tpu.memory_space<vmem>>
      %dma_start3A_886 = arith.constant 0 : i32
      %dma_start3A_887 = tpu.memref_slice %arg5[%add3A_874, %dma_start3A_886] : memref<512x56xi32, #tpu.memory_space<vmem>> -> memref<1x56xi32, #tpu.memory_space<vmem>>
      %dma_start3A_888 = tpu.memref_squeeze %dma_start3A_887 : memref<1x56xi32, #tpu.memory_space<vmem>> -> memref<56xi32, #tpu.memory_space<vmem>>
      %dma_start3A_889 = arith.constant 0 : i32
      %dma_start3A_890 = arith.constant 0 : i32
      %dma_start3A_891 = tpu.memref_slice %arg3[%dma_start3A_889, %dma_start3A_890] : memref<1000000x32xf32, #tpu.memory_space<hbm>> -> memref<1000000x32xf32, #tpu.memory_space<hbm>>
      tpu.enqueue_indirect_dma source(%dma_start3A_891 : memref<1000000x32xf32, #tpu.memory_space<hbm>>) target(%dma_start3A_885 : memref<56x32xf32, #tpu.memory_space<vmem>>) offsets(%dma_start3A_888 : memref<56xi32, #tpu.memory_space<vmem>>) semaphore(%arg7 : memref<!tpu.dma_semaphore, #tpu.memory_space<semaphore_mem>>)
      %mul3A_892 = arith.constant 16 : i32
      %mul3A_893 = arith.muli %add3A_696, %mul3A_892 : i32
      %add3A_894 = arith.constant 9 : i32
      %add3A_895 = arith.addi %mul3A_893, %add3A_894 : i32
      %dma_start3A_896 = arith.constant 1 : i32
      %dma_start3A_897 = arith.constant 9 : i32
      %dma_start3A_898 = arith.constant 0 : i32
      %dma_start3A_899 = arith.constant 0 : i32
      %dma_start3A_900 = arith.constant 0 : i32
      %dma_start3A_901 = tpu.memref_slice %arg6[%dma_start3A_896, %dma_start3A_898, %dma_start3A_899, %dma_start3A_900] : memref<2x16x56x32xf32, #tpu.memory_space<vmem>> -> memref<1x16x56x32xf32, #tpu.memory_space<vmem>>
      %dma_start3A_902 = tpu.memref_squeeze %dma_start3A_901 : memref<1x16x56x32xf32, #tpu.memory_space<vmem>> -> memref<16x56x32xf32, #tpu.memory_space<vmem>>
      %dma_start3A_903 = arith.constant 0 : i32
      %dma_start3A_904 = arith.constant 0 : i32
      %dma_start3A_905 = tpu.memref_slice %dma_start3A_902[%dma_start3A_897, %dma_start3A_903, %dma_start3A_904] : memref<16x56x32xf32, #tpu.memory_space<vmem>> -> memref<1x56x32xf32, #tpu.memory_space<vmem>>
      %dma_start3A_906 = tpu.memref_squeeze %dma_start3A_905 : memref<1x56x32xf32, #tpu.memory_space<vmem>> -> memref<56x32xf32, #tpu.memory_space<vmem>>
      %dma_start3A_907 = arith.constant 0 : i32
      %dma_start3A_908 = tpu.memref_slice %arg5[%add3A_895, %dma_start3A_907] : memref<512x56xi32, #tpu.memory_space<vmem>> -> memref<1x56xi32, #tpu.memory_space<vmem>>
      %dma_start3A_909 = tpu.memref_squeeze %dma_start3A_908 : memref<1x56xi32, #tpu.memory_space<vmem>> -> memref<56xi32, #tpu.memory_space<vmem>>
      %dma_start3A_910 = arith.constant 0 : i32
      %dma_start3A_911 = arith.constant 0 : i32
      %dma_start3A_912 = tpu.memref_slice %arg3[%dma_start3A_910, %dma_start3A_911] : memref<1000000x32xf32, #tpu.memory_space<hbm>> -> memref<1000000x32xf32, #tpu.memory_space<hbm>>
      tpu.enqueue_indirect_dma source(%dma_start3A_912 : memref<1000000x32xf32, #tpu.memory_space<hbm>>) target(%dma_start3A_906 : memref<56x32xf32, #tpu.memory_space<vmem>>) offsets(%dma_start3A_909 : memref<56xi32, #tpu.memory_space<vmem>>) semaphore(%arg7 : memref<!tpu.dma_semaphore, #tpu.memory_space<semaphore_mem>>)
      %mul3A_913 = arith.constant 16 : i32
      %mul3A_914 = arith.muli %add3A_696, %mul3A_913 : i32
      %add3A_915 = arith.constant 10 : i32
      %add3A_916 = arith.addi %mul3A_914, %add3A_915 : i32
      %dma_start3A_917 = arith.constant 1 : i32
      %dma_start3A_918 = arith.constant 10 : i32
      %dma_start3A_919 = arith.constant 0 : i32
      %dma_start3A_920 = arith.constant 0 : i32
      %dma_start3A_921 = arith.constant 0 : i32
      %dma_start3A_922 = tpu.memref_slice %arg6[%dma_start3A_917, %dma_start3A_919, %dma_start3A_920, %dma_start3A_921] : memref<2x16x56x32xf32, #tpu.memory_space<vmem>> -> memref<1x16x56x32xf32, #tpu.memory_space<vmem>>
      %dma_start3A_923 = tpu.memref_squeeze %dma_start3A_922 : memref<1x16x56x32xf32, #tpu.memory_space<vmem>> -> memref<16x56x32xf32, #tpu.memory_space<vmem>>
      %dma_start3A_924 = arith.constant 0 : i32
      %dma_start3A_925 = arith.constant 0 : i32
      %dma_start3A_926 = tpu.memref_slice %dma_start3A_923[%dma_start3A_918, %dma_start3A_924, %dma_start3A_925] : memref<16x56x32xf32, #tpu.memory_space<vmem>> -> memref<1x56x32xf32, #tpu.memory_space<vmem>>
      %dma_start3A_927 = tpu.memref_squeeze %dma_start3A_926 : memref<1x56x32xf32, #tpu.memory_space<vmem>> -> memref<56x32xf32, #tpu.memory_space<vmem>>
      %dma_start3A_928 = arith.constant 0 : i32
      %dma_start3A_929 = tpu.memref_slice %arg5[%add3A_916, %dma_start3A_928] : memref<512x56xi32, #tpu.memory_space<vmem>> -> memref<1x56xi32, #tpu.memory_space<vmem>>
      %dma_start3A_930 = tpu.memref_squeeze %dma_start3A_929 : memref<1x56xi32, #tpu.memory_space<vmem>> -> memref<56xi32, #tpu.memory_space<vmem>>
      %dma_start3A_931 = arith.constant 0 : i32
      %dma_start3A_932 = arith.constant 0 : i32
      %dma_start3A_933 = tpu.memref_slice %arg3[%dma_start3A_931, %dma_start3A_932] : memref<1000000x32xf32, #tpu.memory_space<hbm>> -> memref<1000000x32xf32, #tpu.memory_space<hbm>>
      tpu.enqueue_indirect_dma source(%dma_start3A_933 : memref<1000000x32xf32, #tpu.memory_space<hbm>>) target(%dma_start3A_927 : memref<56x32xf32, #tpu.memory_space<vmem>>) offsets(%dma_start3A_930 : memref<56xi32, #tpu.memory_space<vmem>>) semaphore(%arg7 : memref<!tpu.dma_semaphore, #tpu.memory_space<semaphore_mem>>)
      %mul3A_934 = arith.constant 16 : i32
      %mul3A_935 = arith.muli %add3A_696, %mul3A_934 : i32
      %add3A_936 = arith.constant 11 : i32
      %add3A_937 = arith.addi %mul3A_935, %add3A_936 : i32
      %dma_start3A_938 = arith.constant 1 : i32
      %dma_start3A_939 = arith.constant 11 : i32
      %dma_start3A_940 = arith.constant 0 : i32
      %dma_start3A_941 = arith.constant 0 : i32
      %dma_start3A_942 = arith.constant 0 : i32
      %dma_start3A_943 = tpu.memref_slice %arg6[%dma_start3A_938, %dma_start3A_940, %dma_start3A_941, %dma_start3A_942] : memref<2x16x56x32xf32, #tpu.memory_space<vmem>> -> memref<1x16x56x32xf32, #tpu.memory_space<vmem>>
      %dma_start3A_944 = tpu.memref_squeeze %dma_start3A_943 : memref<1x16x56x32xf32, #tpu.memory_space<vmem>> -> memref<16x56x32xf32, #tpu.memory_space<vmem>>
      %dma_start3A_945 = arith.constant 0 : i32
      %dma_start3A_946 = arith.constant 0 : i32
      %dma_start3A_947 = tpu.memref_slice %dma_start3A_944[%dma_start3A_939, %dma_start3A_945, %dma_start3A_946] : memref<16x56x32xf32, #tpu.memory_space<vmem>> -> memref<1x56x32xf32, #tpu.memory_space<vmem>>
      %dma_start3A_948 = tpu.memref_squeeze %dma_start3A_947 : memref<1x56x32xf32, #tpu.memory_space<vmem>> -> memref<56x32xf32, #tpu.memory_space<vmem>>
      %dma_start3A_949 = arith.constant 0 : i32
      %dma_start3A_950 = tpu.memref_slice %arg5[%add3A_937, %dma_start3A_949] : memref<512x56xi32, #tpu.memory_space<vmem>> -> memref<1x56xi32, #tpu.memory_space<vmem>>
      %dma_start3A_951 = tpu.memref_squeeze %dma_start3A_950 : memref<1x56xi32, #tpu.memory_space<vmem>> -> memref<56xi32, #tpu.memory_space<vmem>>
      %dma_start3A_952 = arith.constant 0 : i32
      %dma_start3A_953 = arith.constant 0 : i32
      %dma_start3A_954 = tpu.memref_slice %arg3[%dma_start3A_952, %dma_start3A_953] : memref<1000000x32xf32, #tpu.memory_space<hbm>> -> memref<1000000x32xf32, #tpu.memory_space<hbm>>
      tpu.enqueue_indirect_dma source(%dma_start3A_954 : memref<1000000x32xf32, #tpu.memory_space<hbm>>) target(%dma_start3A_948 : memref<56x32xf32, #tpu.memory_space<vmem>>) offsets(%dma_start3A_951 : memref<56xi32, #tpu.memory_space<vmem>>) semaphore(%arg7 : memref<!tpu.dma_semaphore, #tpu.memory_space<semaphore_mem>>)
      %mul3A_955 = arith.constant 16 : i32
      %mul3A_956 = arith.muli %add3A_696, %mul3A_955 : i32
      %add3A_957 = arith.constant 12 : i32
      %add3A_958 = arith.addi %mul3A_956, %add3A_957 : i32
      %dma_start3A_959 = arith.constant 1 : i32
      %dma_start3A_960 = arith.constant 12 : i32
      %dma_start3A_961 = arith.constant 0 : i32
      %dma_start3A_962 = arith.constant 0 : i32
      %dma_start3A_963 = arith.constant 0 : i32
      %dma_start3A_964 = tpu.memref_slice %arg6[%dma_start3A_959, %dma_start3A_961, %dma_start3A_962, %dma_start3A_963] : memref<2x16x56x32xf32, #tpu.memory_space<vmem>> -> memref<1x16x56x32xf32, #tpu.memory_space<vmem>>
      %dma_start3A_965 = tpu.memref_squeeze %dma_start3A_964 : memref<1x16x56x32xf32, #tpu.memory_space<vmem>> -> memref<16x56x32xf32, #tpu.memory_space<vmem>>
      %dma_start3A_966 = arith.constant 0 : i32
      %dma_start3A_967 = arith.constant 0 : i32
      %dma_start3A_968 = tpu.memref_slice %dma_start3A_965[%dma_start3A_960, %dma_start3A_966, %dma_start3A_967] : memref<16x56x32xf32, #tpu.memory_space<vmem>> -> memref<1x56x32xf32, #tpu.memory_space<vmem>>
      %dma_start3A_969 = tpu.memref_squeeze %dma_start3A_968 : memref<1x56x32xf32, #tpu.memory_space<vmem>> -> memref<56x32xf32, #tpu.memory_space<vmem>>
      %dma_start3A_970 = arith.constant 0 : i32
      %dma_start3A_971 = tpu.memref_slice %arg5[%add3A_958, %dma_start3A_970] : memref<512x56xi32, #tpu.memory_space<vmem>> -> memref<1x56xi32, #tpu.memory_space<vmem>>
      %dma_start3A_972 = tpu.memref_squeeze %dma_start3A_971 : memref<1x56xi32, #tpu.memory_space<vmem>> -> memref<56xi32, #tpu.memory_space<vmem>>
      %dma_start3A_973 = arith.constant 0 : i32
      %dma_start3A_974 = arith.constant 0 : i32
      %dma_start3A_975 = tpu.memref_slice %arg3[%dma_start3A_973, %dma_start3A_974] : memref<1000000x32xf32, #tpu.memory_space<hbm>> -> memref<1000000x32xf32, #tpu.memory_space<hbm>>
      tpu.enqueue_indirect_dma source(%dma_start3A_975 : memref<1000000x32xf32, #tpu.memory_space<hbm>>) target(%dma_start3A_969 : memref<56x32xf32, #tpu.memory_space<vmem>>) offsets(%dma_start3A_972 : memref<56xi32, #tpu.memory_space<vmem>>) semaphore(%arg7 : memref<!tpu.dma_semaphore, #tpu.memory_space<semaphore_mem>>)
      %mul3A_976 = arith.constant 16 : i32
      %mul3A_977 = arith.muli %add3A_696, %mul3A_976 : i32
      %add3A_978 = arith.constant 13 : i32
      %add3A_979 = arith.addi %mul3A_977, %add3A_978 : i32
      %dma_start3A_980 = arith.constant 1 : i32
      %dma_start3A_981 = arith.constant 13 : i32
      %dma_start3A_982 = arith.constant 0 : i32
      %dma_start3A_983 = arith.constant 0 : i32
      %dma_start3A_984 = arith.constant 0 : i32
      %dma_start3A_985 = tpu.memref_slice %arg6[%dma_start3A_980, %dma_start3A_982, %dma_start3A_983, %dma_start3A_984] : memref<2x16x56x32xf32, #tpu.memory_space<vmem>> -> memref<1x16x56x32xf32, #tpu.memory_space<vmem>>
      %dma_start3A_986 = tpu.memref_squeeze %dma_start3A_985 : memref<1x16x56x32xf32, #tpu.memory_space<vmem>> -> memref<16x56x32xf32, #tpu.memory_space<vmem>>
      %dma_start3A_987 = arith.constant 0 : i32
      %dma_start3A_988 = arith.constant 0 : i32
      %dma_start3A_989 = tpu.memref_slice %dma_start3A_986[%dma_start3A_981, %dma_start3A_987, %dma_start3A_988] : memref<16x56x32xf32, #tpu.memory_space<vmem>> -> memref<1x56x32xf32, #tpu.memory_space<vmem>>
      %dma_start3A_990 = tpu.memref_squeeze %dma_start3A_989 : memref<1x56x32xf32, #tpu.memory_space<vmem>> -> memref<56x32xf32, #tpu.memory_space<vmem>>
      %dma_start3A_991 = arith.constant 0 : i32
      %dma_start3A_992 = tpu.memref_slice %arg5[%add3A_979, %dma_start3A_991] : memref<512x56xi32, #tpu.memory_space<vmem>> -> memref<1x56xi32, #tpu.memory_space<vmem>>
      %dma_start3A_993 = tpu.memref_squeeze %dma_start3A_992 : memref<1x56xi32, #tpu.memory_space<vmem>> -> memref<56xi32, #tpu.memory_space<vmem>>
      %dma_start3A_994 = arith.constant 0 : i32
      %dma_start3A_995 = arith.constant 0 : i32
      %dma_start3A_996 = tpu.memref_slice %arg3[%dma_start3A_994, %dma_start3A_995] : memref<1000000x32xf32, #tpu.memory_space<hbm>> -> memref<1000000x32xf32, #tpu.memory_space<hbm>>
      tpu.enqueue_indirect_dma source(%dma_start3A_996 : memref<1000000x32xf32, #tpu.memory_space<hbm>>) target(%dma_start3A_990 : memref<56x32xf32, #tpu.memory_space<vmem>>) offsets(%dma_start3A_993 : memref<56xi32, #tpu.memory_space<vmem>>) semaphore(%arg7 : memref<!tpu.dma_semaphore, #tpu.memory_space<semaphore_mem>>)
      %mul3A_997 = arith.constant 16 : i32
      %mul3A_998 = arith.muli %add3A_696, %mul3A_997 : i32
      %add3A_999 = arith.constant 14 : i32
      %add3A_1000 = arith.addi %mul3A_998, %add3A_999 : i32
      %dma_start3A_1001 = arith.constant 1 : i32
      %dma_start3A_1002 = arith.constant 14 : i32
      %dma_start3A_1003 = arith.constant 0 : i32
      %dma_start3A_1004 = arith.constant 0 : i32
      %dma_start3A_1005 = arith.constant 0 : i32
      %dma_start3A_1006 = tpu.memref_slice %arg6[%dma_start3A_1001, %dma_start3A_1003, %dma_start3A_1004, %dma_start3A_1005] : memref<2x16x56x32xf32, #tpu.memory_space<vmem>> -> memref<1x16x56x32xf32, #tpu.memory_space<vmem>>
      %dma_start3A_1007 = tpu.memref_squeeze %dma_start3A_1006 : memref<1x16x56x32xf32, #tpu.memory_space<vmem>> -> memref<16x56x32xf32, #tpu.memory_space<vmem>>
      %dma_start3A_1008 = arith.constant 0 : i32
      %dma_start3A_1009 = arith.constant 0 : i32
      %dma_start3A_1010 = tpu.memref_slice %dma_start3A_1007[%dma_start3A_1002, %dma_start3A_1008, %dma_start3A_1009] : memref<16x56x32xf32, #tpu.memory_space<vmem>> -> memref<1x56x32xf32, #tpu.memory_space<vmem>>
      %dma_start3A_1011 = tpu.memref_squeeze %dma_start3A_1010 : memref<1x56x32xf32, #tpu.memory_space<vmem>> -> memref<56x32xf32, #tpu.memory_space<vmem>>
      %dma_start3A_1012 = arith.constant 0 : i32
      %dma_start3A_1013 = tpu.memref_slice %arg5[%add3A_1000, %dma_start3A_1012] : memref<512x56xi32, #tpu.memory_space<vmem>> -> memref<1x56xi32, #tpu.memory_space<vmem>>
      %dma_start3A_1014 = tpu.memref_squeeze %dma_start3A_1013 : memref<1x56xi32, #tpu.memory_space<vmem>> -> memref<56xi32, #tpu.memory_space<vmem>>
      %dma_start3A_1015 = arith.constant 0 : i32
      %dma_start3A_1016 = arith.constant 0 : i32
      %dma_start3A_1017 = tpu.memref_slice %arg3[%dma_start3A_1015, %dma_start3A_1016] : memref<1000000x32xf32, #tpu.memory_space<hbm>> -> memref<1000000x32xf32, #tpu.memory_space<hbm>>
      tpu.enqueue_indirect_dma source(%dma_start3A_1017 : memref<1000000x32xf32, #tpu.memory_space<hbm>>) target(%dma_start3A_1011 : memref<56x32xf32, #tpu.memory_space<vmem>>) offsets(%dma_start3A_1014 : memref<56xi32, #tpu.memory_space<vmem>>) semaphore(%arg7 : memref<!tpu.dma_semaphore, #tpu.memory_space<semaphore_mem>>)
      %mul3A_1018 = arith.constant 16 : i32
      %mul3A_1019 = arith.muli %add3A_696, %mul3A_1018 : i32
      %add3A_1020 = arith.constant 15 : i32
      %add3A_1021 = arith.addi %mul3A_1019, %add3A_1020 : i32
      %dma_start3A_1022 = arith.constant 1 : i32
      %dma_start3A_1023 = arith.constant 15 : i32
      %dma_start3A_1024 = arith.constant 0 : i32
      %dma_start3A_1025 = arith.constant 0 : i32
      %dma_start3A_1026 = arith.constant 0 : i32
      %dma_start3A_1027 = tpu.memref_slice %arg6[%dma_start3A_1022, %dma_start3A_1024, %dma_start3A_1025, %dma_start3A_1026] : memref<2x16x56x32xf32, #tpu.memory_space<vmem>> -> memref<1x16x56x32xf32, #tpu.memory_space<vmem>>
      %dma_start3A_1028 = tpu.memref_squeeze %dma_start3A_1027 : memref<1x16x56x32xf32, #tpu.memory_space<vmem>> -> memref<16x56x32xf32, #tpu.memory_space<vmem>>
      %dma_start3A_1029 = arith.constant 0 : i32
      %dma_start3A_1030 = arith.constant 0 : i32
      %dma_start3A_1031 = tpu.memref_slice %dma_start3A_1028[%dma_start3A_1023, %dma_start3A_1029, %dma_start3A_1030] : memref<16x56x32xf32, #tpu.memory_space<vmem>> -> memref<1x56x32xf32, #tpu.memory_space<vmem>>
      %dma_start3A_1032 = tpu.memref_squeeze %dma_start3A_1031 : memref<1x56x32xf32, #tpu.memory_space<vmem>> -> memref<56x32xf32, #tpu.memory_space<vmem>>
      %dma_start3A_1033 = arith.constant 0 : i32
      %dma_start3A_1034 = tpu.memref_slice %arg5[%add3A_1021, %dma_start3A_1033] : memref<512x56xi32, #tpu.memory_space<vmem>> -> memref<1x56xi32, #tpu.memory_space<vmem>>
      %dma_start3A_1035 = tpu.memref_squeeze %dma_start3A_1034 : memref<1x56xi32, #tpu.memory_space<vmem>> -> memref<56xi32, #tpu.memory_space<vmem>>
      %dma_start3A_1036 = arith.constant 0 : i32
      %dma_start3A_1037 = arith.constant 0 : i32
      %dma_start3A_1038 = tpu.memref_slice %arg3[%dma_start3A_1036, %dma_start3A_1037] : memref<1000000x32xf32, #tpu.memory_space<hbm>> -> memref<1000000x32xf32, #tpu.memory_space<hbm>>
      tpu.enqueue_indirect_dma source(%dma_start3A_1038 : memref<1000000x32xf32, #tpu.memory_space<hbm>>) target(%dma_start3A_1032 : memref<56x32xf32, #tpu.memory_space<vmem>>) offsets(%dma_start3A_1035 : memref<56xi32, #tpu.memory_space<vmem>>) semaphore(%arg7 : memref<!tpu.dma_semaphore, #tpu.memory_space<semaphore_mem>>)
      %dma_wait3A_1039 = arith.constant 1 : i32
      %dma_wait3A_1040 = arith.constant 0 : i32
      %dma_wait3A_1041 = arith.constant 0 : i32
      %dma_wait3A_1042 = arith.constant 0 : i32
      %dma_wait3A_1043 = arith.constant 0 : i32
      %dma_wait3A_1044 = tpu.memref_slice %arg6[%dma_wait3A_1039, %dma_wait3A_1041, %dma_wait3A_1042, %dma_wait3A_1043] : memref<2x16x56x32xf32, #tpu.memory_space<vmem>> -> memref<1x16x56x32xf32, #tpu.memory_space<vmem>>
      %dma_wait3A_1045 = tpu.memref_squeeze %dma_wait3A_1044 : memref<1x16x56x32xf32, #tpu.memory_space<vmem>> -> memref<16x56x32xf32, #tpu.memory_space<vmem>>
      %dma_wait3A_1046 = arith.constant 0 : i32
      %dma_wait3A_1047 = arith.constant 0 : i32
      %dma_wait3A_1048 = tpu.memref_slice %dma_wait3A_1045[%dma_wait3A_1040, %dma_wait3A_1046, %dma_wait3A_1047] : memref<16x56x32xf32, #tpu.memory_space<vmem>> -> memref<1x56x32xf32, #tpu.memory_space<vmem>>
      %dma_wait3A_1049 = tpu.memref_squeeze %dma_wait3A_1048 : memref<1x56x32xf32, #tpu.memory_space<vmem>> -> memref<56x32xf32, #tpu.memory_space<vmem>>
      %dma_wait3A_1050 = arith.constant 0 : i32
      %dma_wait3A_1051 = tpu.memref_slice %arg5[%add3A_706, %dma_wait3A_1050] : memref<512x56xi32, #tpu.memory_space<vmem>> -> memref<1x56xi32, #tpu.memory_space<vmem>>
      %dma_wait3A_1052 = tpu.memref_squeeze %dma_wait3A_1051 : memref<1x56xi32, #tpu.memory_space<vmem>> -> memref<56xi32, #tpu.memory_space<vmem>>
      %dma_wait3A_1053 = arith.constant 0 : i32
      %dma_wait3A_1054 = arith.constant 0 : i32
      %dma_wait3A_1055 = tpu.memref_slice %arg3[%dma_wait3A_1053, %dma_wait3A_1054] : memref<1000000x32xf32, #tpu.memory_space<hbm>> -> memref<1000000x32xf32, #tpu.memory_space<hbm>>
      tpu.wait_indirect_dma semaphore(%arg7 : memref<!tpu.dma_semaphore, #tpu.memory_space<semaphore_mem>>) src(%dma_wait3A_1055 : memref<1000000x32xf32, #tpu.memory_space<hbm>>) dst(%dma_wait3A_1049 : memref<56x32xf32, #tpu.memory_space<vmem>>)
      %dma_wait3A_1056 = arith.constant 1 : i32
      %dma_wait3A_1057 = arith.constant 1 : i32
      %dma_wait3A_1058 = arith.constant 0 : i32
      %dma_wait3A_1059 = arith.constant 0 : i32
      %dma_wait3A_1060 = arith.constant 0 : i32
      %dma_wait3A_1061 = tpu.memref_slice %arg6[%dma_wait3A_1056, %dma_wait3A_1058, %dma_wait3A_1059, %dma_wait3A_1060] : memref<2x16x56x32xf32, #tpu.memory_space<vmem>> -> memref<1x16x56x32xf32, #tpu.memory_space<vmem>>
      %dma_wait3A_1062 = tpu.memref_squeeze %dma_wait3A_1061 : memref<1x16x56x32xf32, #tpu.memory_space<vmem>> -> memref<16x56x32xf32, #tpu.memory_space<vmem>>
      %dma_wait3A_1063 = arith.constant 0 : i32
      %dma_wait3A_1064 = arith.constant 0 : i32
      %dma_wait3A_1065 = tpu.memref_slice %dma_wait3A_1062[%dma_wait3A_1057, %dma_wait3A_1063, %dma_wait3A_1064] : memref<16x56x32xf32, #tpu.memory_space<vmem>> -> memref<1x56x32xf32, #tpu.memory_space<vmem>>
      %dma_wait3A_1066 = tpu.memref_squeeze %dma_wait3A_1065 : memref<1x56x32xf32, #tpu.memory_space<vmem>> -> memref<56x32xf32, #tpu.memory_space<vmem>>
      %dma_wait3A_1067 = arith.constant 0 : i32
      %dma_wait3A_1068 = tpu.memref_slice %arg5[%add3A_727, %dma_wait3A_1067] : memref<512x56xi32, #tpu.memory_space<vmem>> -> memref<1x56xi32, #tpu.memory_space<vmem>>
      %dma_wait3A_1069 = tpu.memref_squeeze %dma_wait3A_1068 : memref<1x56xi32, #tpu.memory_space<vmem>> -> memref<56xi32, #tpu.memory_space<vmem>>
      %dma_wait3A_1070 = arith.constant 0 : i32
      %dma_wait3A_1071 = arith.constant 0 : i32
      %dma_wait3A_1072 = tpu.memref_slice %arg3[%dma_wait3A_1070, %dma_wait3A_1071] : memref<1000000x32xf32, #tpu.memory_space<hbm>> -> memref<1000000x32xf32, #tpu.memory_space<hbm>>
      tpu.wait_indirect_dma semaphore(%arg7 : memref<!tpu.dma_semaphore, #tpu.memory_space<semaphore_mem>>) src(%dma_wait3A_1072 : memref<1000000x32xf32, #tpu.memory_space<hbm>>) dst(%dma_wait3A_1066 : memref<56x32xf32, #tpu.memory_space<vmem>>)
      %dma_wait3A_1073 = arith.constant 1 : i32
      %dma_wait3A_1074 = arith.constant 2 : i32
      %dma_wait3A_1075 = arith.constant 0 : i32
      %dma_wait3A_1076 = arith.constant 0 : i32
      %dma_wait3A_1077 = arith.constant 0 : i32
      %dma_wait3A_1078 = tpu.memref_slice %arg6[%dma_wait3A_1073, %dma_wait3A_1075, %dma_wait3A_1076, %dma_wait3A_1077] : memref<2x16x56x32xf32, #tpu.memory_space<vmem>> -> memref<1x16x56x32xf32, #tpu.memory_space<vmem>>
      %dma_wait3A_1079 = tpu.memref_squeeze %dma_wait3A_1078 : memref<1x16x56x32xf32, #tpu.memory_space<vmem>> -> memref<16x56x32xf32, #tpu.memory_space<vmem>>
      %dma_wait3A_1080 = arith.constant 0 : i32
      %dma_wait3A_1081 = arith.constant 0 : i32
      %dma_wait3A_1082 = tpu.memref_slice %dma_wait3A_1079[%dma_wait3A_1074, %dma_wait3A_1080, %dma_wait3A_1081] : memref<16x56x32xf32, #tpu.memory_space<vmem>> -> memref<1x56x32xf32, #tpu.memory_space<vmem>>
      %dma_wait3A_1083 = tpu.memref_squeeze %dma_wait3A_1082 : memref<1x56x32xf32, #tpu.memory_space<vmem>> -> memref<56x32xf32, #tpu.memory_space<vmem>>
      %dma_wait3A_1084 = arith.constant 0 : i32
      %dma_wait3A_1085 = tpu.memref_slice %arg5[%add3A_748, %dma_wait3A_1084] : memref<512x56xi32, #tpu.memory_space<vmem>> -> memref<1x56xi32, #tpu.memory_space<vmem>>
      %dma_wait3A_1086 = tpu.memref_squeeze %dma_wait3A_1085 : memref<1x56xi32, #tpu.memory_space<vmem>> -> memref<56xi32, #tpu.memory_space<vmem>>
      %dma_wait3A_1087 = arith.constant 0 : i32
      %dma_wait3A_1088 = arith.constant 0 : i32
      %dma_wait3A_1089 = tpu.memref_slice %arg3[%dma_wait3A_1087, %dma_wait3A_1088] : memref<1000000x32xf32, #tpu.memory_space<hbm>> -> memref<1000000x32xf32, #tpu.memory_space<hbm>>
      tpu.wait_indirect_dma semaphore(%arg7 : memref<!tpu.dma_semaphore, #tpu.memory_space<semaphore_mem>>) src(%dma_wait3A_1089 : memref<1000000x32xf32, #tpu.memory_space<hbm>>) dst(%dma_wait3A_1083 : memref<56x32xf32, #tpu.memory_space<vmem>>)
      %dma_wait3A_1090 = arith.constant 1 : i32
      %dma_wait3A_1091 = arith.constant 3 : i32
      %dma_wait3A_1092 = arith.constant 0 : i32
      %dma_wait3A_1093 = arith.constant 0 : i32
      %dma_wait3A_1094 = arith.constant 0 : i32
      %dma_wait3A_1095 = tpu.memref_slice %arg6[%dma_wait3A_1090, %dma_wait3A_1092, %dma_wait3A_1093, %dma_wait3A_1094] : memref<2x16x56x32xf32, #tpu.memory_space<vmem>> -> memref<1x16x56x32xf32, #tpu.memory_space<vmem>>
      %dma_wait3A_1096 = tpu.memref_squeeze %dma_wait3A_1095 : memref<1x16x56x32xf32, #tpu.memory_space<vmem>> -> memref<16x56x32xf32, #tpu.memory_space<vmem>>
      %dma_wait3A_1097 = arith.constant 0 : i32
      %dma_wait3A_1098 = arith.constant 0 : i32
      %dma_wait3A_1099 = tpu.memref_slice %dma_wait3A_1096[%dma_wait3A_1091, %dma_wait3A_1097, %dma_wait3A_1098] : memref<16x56x32xf32, #tpu.memory_space<vmem>> -> memref<1x56x32xf32, #tpu.memory_space<vmem>>
      %dma_wait3A_1100 = tpu.memref_squeeze %dma_wait3A_1099 : memref<1x56x32xf32, #tpu.memory_space<vmem>> -> memref<56x32xf32, #tpu.memory_space<vmem>>
      %dma_wait3A_1101 = arith.constant 0 : i32
      %dma_wait3A_1102 = tpu.memref_slice %arg5[%add3A_769, %dma_wait3A_1101] : memref<512x56xi32, #tpu.memory_space<vmem>> -> memref<1x56xi32, #tpu.memory_space<vmem>>
      %dma_wait3A_1103 = tpu.memref_squeeze %dma_wait3A_1102 : memref<1x56xi32, #tpu.memory_space<vmem>> -> memref<56xi32, #tpu.memory_space<vmem>>
      %dma_wait3A_1104 = arith.constant 0 : i32
      %dma_wait3A_1105 = arith.constant 0 : i32
      %dma_wait3A_1106 = tpu.memref_slice %arg3[%dma_wait3A_1104, %dma_wait3A_1105] : memref<1000000x32xf32, #tpu.memory_space<hbm>> -> memref<1000000x32xf32, #tpu.memory_space<hbm>>
      tpu.wait_indirect_dma semaphore(%arg7 : memref<!tpu.dma_semaphore, #tpu.memory_space<semaphore_mem>>) src(%dma_wait3A_1106 : memref<1000000x32xf32, #tpu.memory_space<hbm>>) dst(%dma_wait3A_1100 : memref<56x32xf32, #tpu.memory_space<vmem>>)
      %dma_wait3A_1107 = arith.constant 1 : i32
      %dma_wait3A_1108 = arith.constant 4 : i32
      %dma_wait3A_1109 = arith.constant 0 : i32
      %dma_wait3A_1110 = arith.constant 0 : i32
      %dma_wait3A_1111 = arith.constant 0 : i32
      %dma_wait3A_1112 = tpu.memref_slice %arg6[%dma_wait3A_1107, %dma_wait3A_1109, %dma_wait3A_1110, %dma_wait3A_1111] : memref<2x16x56x32xf32, #tpu.memory_space<vmem>> -> memref<1x16x56x32xf32, #tpu.memory_space<vmem>>
      %dma_wait3A_1113 = tpu.memref_squeeze %dma_wait3A_1112 : memref<1x16x56x32xf32, #tpu.memory_space<vmem>> -> memref<16x56x32xf32, #tpu.memory_space<vmem>>
      %dma_wait3A_1114 = arith.constant 0 : i32
      %dma_wait3A_1115 = arith.constant 0 : i32
      %dma_wait3A_1116 = tpu.memref_slice %dma_wait3A_1113[%dma_wait3A_1108, %dma_wait3A_1114, %dma_wait3A_1115] : memref<16x56x32xf32, #tpu.memory_space<vmem>> -> memref<1x56x32xf32, #tpu.memory_space<vmem>>
      %dma_wait3A_1117 = tpu.memref_squeeze %dma_wait3A_1116 : memref<1x56x32xf32, #tpu.memory_space<vmem>> -> memref<56x32xf32, #tpu.memory_space<vmem>>
      %dma_wait3A_1118 = arith.constant 0 : i32
      %dma_wait3A_1119 = tpu.memref_slice %arg5[%add3A_790, %dma_wait3A_1118] : memref<512x56xi32, #tpu.memory_space<vmem>> -> memref<1x56xi32, #tpu.memory_space<vmem>>
      %dma_wait3A_1120 = tpu.memref_squeeze %dma_wait3A_1119 : memref<1x56xi32, #tpu.memory_space<vmem>> -> memref<56xi32, #tpu.memory_space<vmem>>
      %dma_wait3A_1121 = arith.constant 0 : i32
      %dma_wait3A_1122 = arith.constant 0 : i32
      %dma_wait3A_1123 = tpu.memref_slice %arg3[%dma_wait3A_1121, %dma_wait3A_1122] : memref<1000000x32xf32, #tpu.memory_space<hbm>> -> memref<1000000x32xf32, #tpu.memory_space<hbm>>
      tpu.wait_indirect_dma semaphore(%arg7 : memref<!tpu.dma_semaphore, #tpu.memory_space<semaphore_mem>>) src(%dma_wait3A_1123 : memref<1000000x32xf32, #tpu.memory_space<hbm>>) dst(%dma_wait3A_1117 : memref<56x32xf32, #tpu.memory_space<vmem>>)
      %dma_wait3A_1124 = arith.constant 1 : i32
      %dma_wait3A_1125 = arith.constant 5 : i32
      %dma_wait3A_1126 = arith.constant 0 : i32
      %dma_wait3A_1127 = arith.constant 0 : i32
      %dma_wait3A_1128 = arith.constant 0 : i32
      %dma_wait3A_1129 = tpu.memref_slice %arg6[%dma_wait3A_1124, %dma_wait3A_1126, %dma_wait3A_1127, %dma_wait3A_1128] : memref<2x16x56x32xf32, #tpu.memory_space<vmem>> -> memref<1x16x56x32xf32, #tpu.memory_space<vmem>>
      %dma_wait3A_1130 = tpu.memref_squeeze %dma_wait3A_1129 : memref<1x16x56x32xf32, #tpu.memory_space<vmem>> -> memref<16x56x32xf32, #tpu.memory_space<vmem>>
      %dma_wait3A_1131 = arith.constant 0 : i32
      %dma_wait3A_1132 = arith.constant 0 : i32
      %dma_wait3A_1133 = tpu.memref_slice %dma_wait3A_1130[%dma_wait3A_1125, %dma_wait3A_1131, %dma_wait3A_1132] : memref<16x56x32xf32, #tpu.memory_space<vmem>> -> memref<1x56x32xf32, #tpu.memory_space<vmem>>
      %dma_wait3A_1134 = tpu.memref_squeeze %dma_wait3A_1133 : memref<1x56x32xf32, #tpu.memory_space<vmem>> -> memref<56x32xf32, #tpu.memory_space<vmem>>
      %dma_wait3A_1135 = arith.constant 0 : i32
      %dma_wait3A_1136 = tpu.memref_slice %arg5[%add3A_811, %dma_wait3A_1135] : memref<512x56xi32, #tpu.memory_space<vmem>> -> memref<1x56xi32, #tpu.memory_space<vmem>>
      %dma_wait3A_1137 = tpu.memref_squeeze %dma_wait3A_1136 : memref<1x56xi32, #tpu.memory_space<vmem>> -> memref<56xi32, #tpu.memory_space<vmem>>
      %dma_wait3A_1138 = arith.constant 0 : i32
      %dma_wait3A_1139 = arith.constant 0 : i32
      %dma_wait3A_1140 = tpu.memref_slice %arg3[%dma_wait3A_1138, %dma_wait3A_1139] : memref<1000000x32xf32, #tpu.memory_space<hbm>> -> memref<1000000x32xf32, #tpu.memory_space<hbm>>
      tpu.wait_indirect_dma semaphore(%arg7 : memref<!tpu.dma_semaphore, #tpu.memory_space<semaphore_mem>>) src(%dma_wait3A_1140 : memref<1000000x32xf32, #tpu.memory_space<hbm>>) dst(%dma_wait3A_1134 : memref<56x32xf32, #tpu.memory_space<vmem>>)
      %dma_wait3A_1141 = arith.constant 1 : i32
      %dma_wait3A_1142 = arith.constant 6 : i32
      %dma_wait3A_1143 = arith.constant 0 : i32
      %dma_wait3A_1144 = arith.constant 0 : i32
      %dma_wait3A_1145 = arith.constant 0 : i32
      %dma_wait3A_1146 = tpu.memref_slice %arg6[%dma_wait3A_1141, %dma_wait3A_1143, %dma_wait3A_1144, %dma_wait3A_1145] : memref<2x16x56x32xf32, #tpu.memory_space<vmem>> -> memref<1x16x56x32xf32, #tpu.memory_space<vmem>>
      %dma_wait3A_1147 = tpu.memref_squeeze %dma_wait3A_1146 : memref<1x16x56x32xf32, #tpu.memory_space<vmem>> -> memref<16x56x32xf32, #tpu.memory_space<vmem>>
      %dma_wait3A_1148 = arith.constant 0 : i32
      %dma_wait3A_1149 = arith.constant 0 : i32
      %dma_wait3A_1150 = tpu.memref_slice %dma_wait3A_1147[%dma_wait3A_1142, %dma_wait3A_1148, %dma_wait3A_1149] : memref<16x56x32xf32, #tpu.memory_space<vmem>> -> memref<1x56x32xf32, #tpu.memory_space<vmem>>
      %dma_wait3A_1151 = tpu.memref_squeeze %dma_wait3A_1150 : memref<1x56x32xf32, #tpu.memory_space<vmem>> -> memref<56x32xf32, #tpu.memory_space<vmem>>
      %dma_wait3A_1152 = arith.constant 0 : i32
      %dma_wait3A_1153 = tpu.memref_slice %arg5[%add3A_832, %dma_wait3A_1152] : memref<512x56xi32, #tpu.memory_space<vmem>> -> memref<1x56xi32, #tpu.memory_space<vmem>>
      %dma_wait3A_1154 = tpu.memref_squeeze %dma_wait3A_1153 : memref<1x56xi32, #tpu.memory_space<vmem>> -> memref<56xi32, #tpu.memory_space<vmem>>
      %dma_wait3A_1155 = arith.constant 0 : i32
      %dma_wait3A_1156 = arith.constant 0 : i32
      %dma_wait3A_1157 = tpu.memref_slice %arg3[%dma_wait3A_1155, %dma_wait3A_1156] : memref<1000000x32xf32, #tpu.memory_space<hbm>> -> memref<1000000x32xf32, #tpu.memory_space<hbm>>
      tpu.wait_indirect_dma semaphore(%arg7 : memref<!tpu.dma_semaphore, #tpu.memory_space<semaphore_mem>>) src(%dma_wait3A_1157 : memref<1000000x32xf32, #tpu.memory_space<hbm>>) dst(%dma_wait3A_1151 : memref<56x32xf32, #tpu.memory_space<vmem>>)
      %dma_wait3A_1158 = arith.constant 1 : i32
      %dma_wait3A_1159 = arith.constant 7 : i32
      %dma_wait3A_1160 = arith.constant 0 : i32
      %dma_wait3A_1161 = arith.constant 0 : i32
      %dma_wait3A_1162 = arith.constant 0 : i32
      %dma_wait3A_1163 = tpu.memref_slice %arg6[%dma_wait3A_1158, %dma_wait3A_1160, %dma_wait3A_1161, %dma_wait3A_1162] : memref<2x16x56x32xf32, #tpu.memory_space<vmem>> -> memref<1x16x56x32xf32, #tpu.memory_space<vmem>>
      %dma_wait3A_1164 = tpu.memref_squeeze %dma_wait3A_1163 : memref<1x16x56x32xf32, #tpu.memory_space<vmem>> -> memref<16x56x32xf32, #tpu.memory_space<vmem>>
      %dma_wait3A_1165 = arith.constant 0 : i32
      %dma_wait3A_1166 = arith.constant 0 : i32
      %dma_wait3A_1167 = tpu.memref_slice %dma_wait3A_1164[%dma_wait3A_1159, %dma_wait3A_1165, %dma_wait3A_1166] : memref<16x56x32xf32, #tpu.memory_space<vmem>> -> memref<1x56x32xf32, #tpu.memory_space<vmem>>
      %dma_wait3A_1168 = tpu.memref_squeeze %dma_wait3A_1167 : memref<1x56x32xf32, #tpu.memory_space<vmem>> -> memref<56x32xf32, #tpu.memory_space<vmem>>
      %dma_wait3A_1169 = arith.constant 0 : i32
      %dma_wait3A_1170 = tpu.memref_slice %arg5[%add3A_853, %dma_wait3A_1169] : memref<512x56xi32, #tpu.memory_space<vmem>> -> memref<1x56xi32, #tpu.memory_space<vmem>>
      %dma_wait3A_1171 = tpu.memref_squeeze %dma_wait3A_1170 : memref<1x56xi32, #tpu.memory_space<vmem>> -> memref<56xi32, #tpu.memory_space<vmem>>
      %dma_wait3A_1172 = arith.constant 0 : i32
      %dma_wait3A_1173 = arith.constant 0 : i32
      %dma_wait3A_1174 = tpu.memref_slice %arg3[%dma_wait3A_1172, %dma_wait3A_1173] : memref<1000000x32xf32, #tpu.memory_space<hbm>> -> memref<1000000x32xf32, #tpu.memory_space<hbm>>
      tpu.wait_indirect_dma semaphore(%arg7 : memref<!tpu.dma_semaphore, #tpu.memory_space<semaphore_mem>>) src(%dma_wait3A_1174 : memref<1000000x32xf32, #tpu.memory_space<hbm>>) dst(%dma_wait3A_1168 : memref<56x32xf32, #tpu.memory_space<vmem>>)
      %dma_wait3A_1175 = arith.constant 1 : i32
      %dma_wait3A_1176 = arith.constant 8 : i32
      %dma_wait3A_1177 = arith.constant 0 : i32
      %dma_wait3A_1178 = arith.constant 0 : i32
      %dma_wait3A_1179 = arith.constant 0 : i32
      %dma_wait3A_1180 = tpu.memref_slice %arg6[%dma_wait3A_1175, %dma_wait3A_1177, %dma_wait3A_1178, %dma_wait3A_1179] : memref<2x16x56x32xf32, #tpu.memory_space<vmem>> -> memref<1x16x56x32xf32, #tpu.memory_space<vmem>>
      %dma_wait3A_1181 = tpu.memref_squeeze %dma_wait3A_1180 : memref<1x16x56x32xf32, #tpu.memory_space<vmem>> -> memref<16x56x32xf32, #tpu.memory_space<vmem>>
      %dma_wait3A_1182 = arith.constant 0 : i32
      %dma_wait3A_1183 = arith.constant 0 : i32
      %dma_wait3A_1184 = tpu.memref_slice %dma_wait3A_1181[%dma_wait3A_1176, %dma_wait3A_1182, %dma_wait3A_1183] : memref<16x56x32xf32, #tpu.memory_space<vmem>> -> memref<1x56x32xf32, #tpu.memory_space<vmem>>
      %dma_wait3A_1185 = tpu.memref_squeeze %dma_wait3A_1184 : memref<1x56x32xf32, #tpu.memory_space<vmem>> -> memref<56x32xf32, #tpu.memory_space<vmem>>
      %dma_wait3A_1186 = arith.constant 0 : i32
      %dma_wait3A_1187 = tpu.memref_slice %arg5[%add3A_874, %dma_wait3A_1186] : memref<512x56xi32, #tpu.memory_space<vmem>> -> memref<1x56xi32, #tpu.memory_space<vmem>>
      %dma_wait3A_1188 = tpu.memref_squeeze %dma_wait3A_1187 : memref<1x56xi32, #tpu.memory_space<vmem>> -> memref<56xi32, #tpu.memory_space<vmem>>
      %dma_wait3A_1189 = arith.constant 0 : i32
      %dma_wait3A_1190 = arith.constant 0 : i32
      %dma_wait3A_1191 = tpu.memref_slice %arg3[%dma_wait3A_1189, %dma_wait3A_1190] : memref<1000000x32xf32, #tpu.memory_space<hbm>> -> memref<1000000x32xf32, #tpu.memory_space<hbm>>
      tpu.wait_indirect_dma semaphore(%arg7 : memref<!tpu.dma_semaphore, #tpu.memory_space<semaphore_mem>>) src(%dma_wait3A_1191 : memref<1000000x32xf32, #tpu.memory_space<hbm>>) dst(%dma_wait3A_1185 : memref<56x32xf32, #tpu.memory_space<vmem>>)
      %dma_wait3A_1192 = arith.constant 1 : i32
      %dma_wait3A_1193 = arith.constant 9 : i32
      %dma_wait3A_1194 = arith.constant 0 : i32
      %dma_wait3A_1195 = arith.constant 0 : i32
      %dma_wait3A_1196 = arith.constant 0 : i32
      %dma_wait3A_1197 = tpu.memref_slice %arg6[%dma_wait3A_1192, %dma_wait3A_1194, %dma_wait3A_1195, %dma_wait3A_1196] : memref<2x16x56x32xf32, #tpu.memory_space<vmem>> -> memref<1x16x56x32xf32, #tpu.memory_space<vmem>>
      %dma_wait3A_1198 = tpu.memref_squeeze %dma_wait3A_1197 : memref<1x16x56x32xf32, #tpu.memory_space<vmem>> -> memref<16x56x32xf32, #tpu.memory_space<vmem>>
      %dma_wait3A_1199 = arith.constant 0 : i32
      %dma_wait3A_1200 = arith.constant 0 : i32
      %dma_wait3A_1201 = tpu.memref_slice %dma_wait3A_1198[%dma_wait3A_1193, %dma_wait3A_1199, %dma_wait3A_1200] : memref<16x56x32xf32, #tpu.memory_space<vmem>> -> memref<1x56x32xf32, #tpu.memory_space<vmem>>
      %dma_wait3A_1202 = tpu.memref_squeeze %dma_wait3A_1201 : memref<1x56x32xf32, #tpu.memory_space<vmem>> -> memref<56x32xf32, #tpu.memory_space<vmem>>
      %dma_wait3A_1203 = arith.constant 0 : i32
      %dma_wait3A_1204 = tpu.memref_slice %arg5[%add3A_895, %dma_wait3A_1203] : memref<512x56xi32, #tpu.memory_space<vmem>> -> memref<1x56xi32, #tpu.memory_space<vmem>>
      %dma_wait3A_1205 = tpu.memref_squeeze %dma_wait3A_1204 : memref<1x56xi32, #tpu.memory_space<vmem>> -> memref<56xi32, #tpu.memory_space<vmem>>
      %dma_wait3A_1206 = arith.constant 0 : i32
      %dma_wait3A_1207 = arith.constant 0 : i32
      %dma_wait3A_1208 = tpu.memref_slice %arg3[%dma_wait3A_1206, %dma_wait3A_1207] : memref<1000000x32xf32, #tpu.memory_space<hbm>> -> memref<1000000x32xf32, #tpu.memory_space<hbm>>
      tpu.wait_indirect_dma semaphore(%arg7 : memref<!tpu.dma_semaphore, #tpu.memory_space<semaphore_mem>>) src(%dma_wait3A_1208 : memref<1000000x32xf32, #tpu.memory_space<hbm>>) dst(%dma_wait3A_1202 : memref<56x32xf32, #tpu.memory_space<vmem>>)
      %dma_wait3A_1209 = arith.constant 1 : i32
      %dma_wait3A_1210 = arith.constant 10 : i32
      %dma_wait3A_1211 = arith.constant 0 : i32
      %dma_wait3A_1212 = arith.constant 0 : i32
      %dma_wait3A_1213 = arith.constant 0 : i32
      %dma_wait3A_1214 = tpu.memref_slice %arg6[%dma_wait3A_1209, %dma_wait3A_1211, %dma_wait3A_1212, %dma_wait3A_1213] : memref<2x16x56x32xf32, #tpu.memory_space<vmem>> -> memref<1x16x56x32xf32, #tpu.memory_space<vmem>>
      %dma_wait3A_1215 = tpu.memref_squeeze %dma_wait3A_1214 : memref<1x16x56x32xf32, #tpu.memory_space<vmem>> -> memref<16x56x32xf32, #tpu.memory_space<vmem>>
      %dma_wait3A_1216 = arith.constant 0 : i32
      %dma_wait3A_1217 = arith.constant 0 : i32
      %dma_wait3A_1218 = tpu.memref_slice %dma_wait3A_1215[%dma_wait3A_1210, %dma_wait3A_1216, %dma_wait3A_1217] : memref<16x56x32xf32, #tpu.memory_space<vmem>> -> memref<1x56x32xf32, #tpu.memory_space<vmem>>
      %dma_wait3A_1219 = tpu.memref_squeeze %dma_wait3A_1218 : memref<1x56x32xf32, #tpu.memory_space<vmem>> -> memref<56x32xf32, #tpu.memory_space<vmem>>
      %dma_wait3A_1220 = arith.constant 0 : i32
      %dma_wait3A_1221 = tpu.memref_slice %arg5[%add3A_916, %dma_wait3A_1220] : memref<512x56xi32, #tpu.memory_space<vmem>> -> memref<1x56xi32, #tpu.memory_space<vmem>>
      %dma_wait3A_1222 = tpu.memref_squeeze %dma_wait3A_1221 : memref<1x56xi32, #tpu.memory_space<vmem>> -> memref<56xi32, #tpu.memory_space<vmem>>
      %dma_wait3A_1223 = arith.constant 0 : i32
      %dma_wait3A_1224 = arith.constant 0 : i32
      %dma_wait3A_1225 = tpu.memref_slice %arg3[%dma_wait3A_1223, %dma_wait3A_1224] : memref<1000000x32xf32, #tpu.memory_space<hbm>> -> memref<1000000x32xf32, #tpu.memory_space<hbm>>
      tpu.wait_indirect_dma semaphore(%arg7 : memref<!tpu.dma_semaphore, #tpu.memory_space<semaphore_mem>>) src(%dma_wait3A_1225 : memref<1000000x32xf32, #tpu.memory_space<hbm>>) dst(%dma_wait3A_1219 : memref<56x32xf32, #tpu.memory_space<vmem>>)
      %dma_wait3A_1226 = arith.constant 1 : i32
      %dma_wait3A_1227 = arith.constant 11 : i32
      %dma_wait3A_1228 = arith.constant 0 : i32
      %dma_wait3A_1229 = arith.constant 0 : i32
      %dma_wait3A_1230 = arith.constant 0 : i32
      %dma_wait3A_1231 = tpu.memref_slice %arg6[%dma_wait3A_1226, %dma_wait3A_1228, %dma_wait3A_1229, %dma_wait3A_1230] : memref<2x16x56x32xf32, #tpu.memory_space<vmem>> -> memref<1x16x56x32xf32, #tpu.memory_space<vmem>>
      %dma_wait3A_1232 = tpu.memref_squeeze %dma_wait3A_1231 : memref<1x16x56x32xf32, #tpu.memory_space<vmem>> -> memref<16x56x32xf32, #tpu.memory_space<vmem>>
      %dma_wait3A_1233 = arith.constant 0 : i32
      %dma_wait3A_1234 = arith.constant 0 : i32
      %dma_wait3A_1235 = tpu.memref_slice %dma_wait3A_1232[%dma_wait3A_1227, %dma_wait3A_1233, %dma_wait3A_1234] : memref<16x56x32xf32, #tpu.memory_space<vmem>> -> memref<1x56x32xf32, #tpu.memory_space<vmem>>
      %dma_wait3A_1236 = tpu.memref_squeeze %dma_wait3A_1235 : memref<1x56x32xf32, #tpu.memory_space<vmem>> -> memref<56x32xf32, #tpu.memory_space<vmem>>
      %dma_wait3A_1237 = arith.constant 0 : i32
      %dma_wait3A_1238 = tpu.memref_slice %arg5[%add3A_937, %dma_wait3A_1237] : memref<512x56xi32, #tpu.memory_space<vmem>> -> memref<1x56xi32, #tpu.memory_space<vmem>>
      %dma_wait3A_1239 = tpu.memref_squeeze %dma_wait3A_1238 : memref<1x56xi32, #tpu.memory_space<vmem>> -> memref<56xi32, #tpu.memory_space<vmem>>
      %dma_wait3A_1240 = arith.constant 0 : i32
      %dma_wait3A_1241 = arith.constant 0 : i32
      %dma_wait3A_1242 = tpu.memref_slice %arg3[%dma_wait3A_1240, %dma_wait3A_1241] : memref<1000000x32xf32, #tpu.memory_space<hbm>> -> memref<1000000x32xf32, #tpu.memory_space<hbm>>
      tpu.wait_indirect_dma semaphore(%arg7 : memref<!tpu.dma_semaphore, #tpu.memory_space<semaphore_mem>>) src(%dma_wait3A_1242 : memref<1000000x32xf32, #tpu.memory_space<hbm>>) dst(%dma_wait3A_1236 : memref<56x32xf32, #tpu.memory_space<vmem>>)
      %dma_wait3A_1243 = arith.constant 1 : i32
      %dma_wait3A_1244 = arith.constant 12 : i32
      %dma_wait3A_1245 = arith.constant 0 : i32
      %dma_wait3A_1246 = arith.constant 0 : i32
      %dma_wait3A_1247 = arith.constant 0 : i32
      %dma_wait3A_1248 = tpu.memref_slice %arg6[%dma_wait3A_1243, %dma_wait3A_1245, %dma_wait3A_1246, %dma_wait3A_1247] : memref<2x16x56x32xf32, #tpu.memory_space<vmem>> -> memref<1x16x56x32xf32, #tpu.memory_space<vmem>>
      %dma_wait3A_1249 = tpu.memref_squeeze %dma_wait3A_1248 : memref<1x16x56x32xf32, #tpu.memory_space<vmem>> -> memref<16x56x32xf32, #tpu.memory_space<vmem>>
      %dma_wait3A_1250 = arith.constant 0 : i32
      %dma_wait3A_1251 = arith.constant 0 : i32
      %dma_wait3A_1252 = tpu.memref_slice %dma_wait3A_1249[%dma_wait3A_1244, %dma_wait3A_1250, %dma_wait3A_1251] : memref<16x56x32xf32, #tpu.memory_space<vmem>> -> memref<1x56x32xf32, #tpu.memory_space<vmem>>
      %dma_wait3A_1253 = tpu.memref_squeeze %dma_wait3A_1252 : memref<1x56x32xf32, #tpu.memory_space<vmem>> -> memref<56x32xf32, #tpu.memory_space<vmem>>
      %dma_wait3A_1254 = arith.constant 0 : i32
      %dma_wait3A_1255 = tpu.memref_slice %arg5[%add3A_958, %dma_wait3A_1254] : memref<512x56xi32, #tpu.memory_space<vmem>> -> memref<1x56xi32, #tpu.memory_space<vmem>>
      %dma_wait3A_1256 = tpu.memref_squeeze %dma_wait3A_1255 : memref<1x56xi32, #tpu.memory_space<vmem>> -> memref<56xi32, #tpu.memory_space<vmem>>
      %dma_wait3A_1257 = arith.constant 0 : i32
      %dma_wait3A_1258 = arith.constant 0 : i32
      %dma_wait3A_1259 = tpu.memref_slice %arg3[%dma_wait3A_1257, %dma_wait3A_1258] : memref<1000000x32xf32, #tpu.memory_space<hbm>> -> memref<1000000x32xf32, #tpu.memory_space<hbm>>
      tpu.wait_indirect_dma semaphore(%arg7 : memref<!tpu.dma_semaphore, #tpu.memory_space<semaphore_mem>>) src(%dma_wait3A_1259 : memref<1000000x32xf32, #tpu.memory_space<hbm>>) dst(%dma_wait3A_1253 : memref<56x32xf32, #tpu.memory_space<vmem>>)
      %dma_wait3A_1260 = arith.constant 1 : i32
      %dma_wait3A_1261 = arith.constant 13 : i32
      %dma_wait3A_1262 = arith.constant 0 : i32
      %dma_wait3A_1263 = arith.constant 0 : i32
      %dma_wait3A_1264 = arith.constant 0 : i32
      %dma_wait3A_1265 = tpu.memref_slice %arg6[%dma_wait3A_1260, %dma_wait3A_1262, %dma_wait3A_1263, %dma_wait3A_1264] : memref<2x16x56x32xf32, #tpu.memory_space<vmem>> -> memref<1x16x56x32xf32, #tpu.memory_space<vmem>>
      %dma_wait3A_1266 = tpu.memref_squeeze %dma_wait3A_1265 : memref<1x16x56x32xf32, #tpu.memory_space<vmem>> -> memref<16x56x32xf32, #tpu.memory_space<vmem>>
      %dma_wait3A_1267 = arith.constant 0 : i32
      %dma_wait3A_1268 = arith.constant 0 : i32
      %dma_wait3A_1269 = tpu.memref_slice %dma_wait3A_1266[%dma_wait3A_1261, %dma_wait3A_1267, %dma_wait3A_1268] : memref<16x56x32xf32, #tpu.memory_space<vmem>> -> memref<1x56x32xf32, #tpu.memory_space<vmem>>
      %dma_wait3A_1270 = tpu.memref_squeeze %dma_wait3A_1269 : memref<1x56x32xf32, #tpu.memory_space<vmem>> -> memref<56x32xf32, #tpu.memory_space<vmem>>
      %dma_wait3A_1271 = arith.constant 0 : i32
      %dma_wait3A_1272 = tpu.memref_slice %arg5[%add3A_979, %dma_wait3A_1271] : memref<512x56xi32, #tpu.memory_space<vmem>> -> memref<1x56xi32, #tpu.memory_space<vmem>>
      %dma_wait3A_1273 = tpu.memref_squeeze %dma_wait3A_1272 : memref<1x56xi32, #tpu.memory_space<vmem>> -> memref<56xi32, #tpu.memory_space<vmem>>
      %dma_wait3A_1274 = arith.constant 0 : i32
      %dma_wait3A_1275 = arith.constant 0 : i32
      %dma_wait3A_1276 = tpu.memref_slice %arg3[%dma_wait3A_1274, %dma_wait3A_1275] : memref<1000000x32xf32, #tpu.memory_space<hbm>> -> memref<1000000x32xf32, #tpu.memory_space<hbm>>
      tpu.wait_indirect_dma semaphore(%arg7 : memref<!tpu.dma_semaphore, #tpu.memory_space<semaphore_mem>>) src(%dma_wait3A_1276 : memref<1000000x32xf32, #tpu.memory_space<hbm>>) dst(%dma_wait3A_1270 : memref<56x32xf32, #tpu.memory_space<vmem>>)
      %dma_wait3A_1277 = arith.constant 1 : i32
      %dma_wait3A_1278 = arith.constant 14 : i32
      %dma_wait3A_1279 = arith.constant 0 : i32
      %dma_wait3A_1280 = arith.constant 0 : i32
      %dma_wait3A_1281 = arith.constant 0 : i32
      %dma_wait3A_1282 = tpu.memref_slice %arg6[%dma_wait3A_1277, %dma_wait3A_1279, %dma_wait3A_1280, %dma_wait3A_1281] : memref<2x16x56x32xf32, #tpu.memory_space<vmem>> -> memref<1x16x56x32xf32, #tpu.memory_space<vmem>>
      %dma_wait3A_1283 = tpu.memref_squeeze %dma_wait3A_1282 : memref<1x16x56x32xf32, #tpu.memory_space<vmem>> -> memref<16x56x32xf32, #tpu.memory_space<vmem>>
      %dma_wait3A_1284 = arith.constant 0 : i32
      %dma_wait3A_1285 = arith.constant 0 : i32
      %dma_wait3A_1286 = tpu.memref_slice %dma_wait3A_1283[%dma_wait3A_1278, %dma_wait3A_1284, %dma_wait3A_1285] : memref<16x56x32xf32, #tpu.memory_space<vmem>> -> memref<1x56x32xf32, #tpu.memory_space<vmem>>
      %dma_wait3A_1287 = tpu.memref_squeeze %dma_wait3A_1286 : memref<1x56x32xf32, #tpu.memory_space<vmem>> -> memref<56x32xf32, #tpu.memory_space<vmem>>
      %dma_wait3A_1288 = arith.constant 0 : i32
      %dma_wait3A_1289 = tpu.memref_slice %arg5[%add3A_1000, %dma_wait3A_1288] : memref<512x56xi32, #tpu.memory_space<vmem>> -> memref<1x56xi32, #tpu.memory_space<vmem>>
      %dma_wait3A_1290 = tpu.memref_squeeze %dma_wait3A_1289 : memref<1x56xi32, #tpu.memory_space<vmem>> -> memref<56xi32, #tpu.memory_space<vmem>>
      %dma_wait3A_1291 = arith.constant 0 : i32
      %dma_wait3A_1292 = arith.constant 0 : i32
      %dma_wait3A_1293 = tpu.memref_slice %arg3[%dma_wait3A_1291, %dma_wait3A_1292] : memref<1000000x32xf32, #tpu.memory_space<hbm>> -> memref<1000000x32xf32, #tpu.memory_space<hbm>>
      tpu.wait_indirect_dma semaphore(%arg7 : memref<!tpu.dma_semaphore, #tpu.memory_space<semaphore_mem>>) src(%dma_wait3A_1293 : memref<1000000x32xf32, #tpu.memory_space<hbm>>) dst(%dma_wait3A_1287 : memref<56x32xf32, #tpu.memory_space<vmem>>)
      %dma_wait3A_1294 = arith.constant 1 : i32
      %dma_wait3A_1295 = arith.constant 15 : i32
      %dma_wait3A_1296 = arith.constant 0 : i32
      %dma_wait3A_1297 = arith.constant 0 : i32
      %dma_wait3A_1298 = arith.constant 0 : i32
      %dma_wait3A_1299 = tpu.memref_slice %arg6[%dma_wait3A_1294, %dma_wait3A_1296, %dma_wait3A_1297, %dma_wait3A_1298] : memref<2x16x56x32xf32, #tpu.memory_space<vmem>> -> memref<1x16x56x32xf32, #tpu.memory_space<vmem>>
      %dma_wait3A_1300 = tpu.memref_squeeze %dma_wait3A_1299 : memref<1x16x56x32xf32, #tpu.memory_space<vmem>> -> memref<16x56x32xf32, #tpu.memory_space<vmem>>
      %dma_wait3A_1301 = arith.constant 0 : i32
      %dma_wait3A_1302 = arith.constant 0 : i32
      %dma_wait3A_1303 = tpu.memref_slice %dma_wait3A_1300[%dma_wait3A_1295, %dma_wait3A_1301, %dma_wait3A_1302] : memref<16x56x32xf32, #tpu.memory_space<vmem>> -> memref<1x56x32xf32, #tpu.memory_space<vmem>>
      %dma_wait3A_1304 = tpu.memref_squeeze %dma_wait3A_1303 : memref<1x56x32xf32, #tpu.memory_space<vmem>> -> memref<56x32xf32, #tpu.memory_space<vmem>>
      %dma_wait3A_1305 = arith.constant 0 : i32
      %dma_wait3A_1306 = tpu.memref_slice %arg5[%add3A_1021, %dma_wait3A_1305] : memref<512x56xi32, #tpu.memory_space<vmem>> -> memref<1x56xi32, #tpu.memory_space<vmem>>
      %dma_wait3A_1307 = tpu.memref_squeeze %dma_wait3A_1306 : memref<1x56xi32, #tpu.memory_space<vmem>> -> memref<56xi32, #tpu.memory_space<vmem>>
      %dma_wait3A_1308 = arith.constant 0 : i32
      %dma_wait3A_1309 = arith.constant 0 : i32
      %dma_wait3A_1310 = tpu.memref_slice %arg3[%dma_wait3A_1308, %dma_wait3A_1309] : memref<1000000x32xf32, #tpu.memory_space<hbm>> -> memref<1000000x32xf32, #tpu.memory_space<hbm>>
      tpu.wait_indirect_dma semaphore(%arg7 : memref<!tpu.dma_semaphore, #tpu.memory_space<semaphore_mem>>) src(%dma_wait3A_1310 : memref<1000000x32xf32, #tpu.memory_space<hbm>>) dst(%dma_wait3A_1304 : memref<56x32xf32, #tpu.memory_space<vmem>>)
      %mul3A_1311 = arith.constant 16 : i32
      %mul3A_1312 = arith.muli %add3A_696, %mul3A_1311 : i32
      %add3A_1313 = arith.addi %mul3A_2, %mul3A_1312 : i32
      %dma_start3A_1314 = arith.constant 1 : i32
      %dma_start3A_1315 = arith.constant 1 : i32
      %dma_start3A_1316 = arith.constant 0 : i32
      %dma_start3A_1317 = arith.constant 0 : i32
      %dma_start3A_1318 = arith.constant 0 : i32
      %dma_start3A_1319 = tpu.memref_slice %arg6[%dma_start3A_1314, %dma_start3A_1316, %dma_start3A_1317, %dma_start3A_1318] : memref<2x16x56x32xf32, #tpu.memory_space<vmem>> -> memref<1x16x56x32xf32, #tpu.memory_space<vmem>>
      %dma_start3A_1320 = tpu.memref_squeeze %dma_start3A_1319 : memref<1x16x56x32xf32, #tpu.memory_space<vmem>> -> memref<16x56x32xf32, #tpu.memory_space<vmem>>
      %dma_start3A_1321 = arith.constant 0 : i32
      %dma_start3A_1322 = arith.constant 0 : i32
      %dma_start3A_1323 = arith.constant 0 : i32
      %dma_start3A_1324 = tpu.memref_slice %dma_start3A_1320[%dma_start3A_1321, %dma_start3A_1322, %dma_start3A_1323] : memref<16x56x32xf32, #tpu.memory_space<vmem>> -> memref<16x50x32xf32, #tpu.memory_space<vmem>>
      %dma_start3A_1325 = arith.constant 0 : i32
      %dma_start3A_1326 = arith.constant 0 : i32
      %dma_start3A_1327 = tpu.memref_slice %arg4[%add3A_1313, %dma_start3A_1325, %dma_start3A_1326] : memref<16384x50x32xf32, #tpu.memory_space<hbm>> -> memref<16x50x32xf32, #tpu.memory_space<hbm>>
      %dma_start3A_1328 = tpu.memref_slice %arg8[%dma_start3A_1315] : memref<2x!tpu.dma_semaphore, #tpu.memory_space<semaphore_mem>> -> memref<1x!tpu.dma_semaphore, #tpu.memory_space<semaphore_mem>>
      %dma_start3A_1329 = tpu.memref_squeeze %dma_start3A_1328 : memref<1x!tpu.dma_semaphore, #tpu.memory_space<semaphore_mem>> -> memref<!tpu.dma_semaphore, #tpu.memory_space<semaphore_mem>>
      %dma_start3A_1330 = arith.constant 0 : i32
      %dma_start3A_1331 = arith.constant 0 : i32
      %dma_start3A_1332 = tpu.memref_slice %arg4[%add3A_1313, %dma_start3A_1330, %dma_start3A_1331] : memref<16384x50x32xf32, #tpu.memory_space<hbm>> -> memref<16x50x32xf32, #tpu.memory_space<hbm>>
      %dma_start3A_1333 = arith.constant 0 : i32
      %dma_start3A_1334 = arith.constant 0 : i32
      %dma_start3A_1335 = arith.constant 0 : i32
      %dma_start3A_1336 = tpu.memref_slice %arg6[%dma_start3A_1314, %dma_start3A_1333, %dma_start3A_1334, %dma_start3A_1335] : memref<2x16x56x32xf32, #tpu.memory_space<vmem>> -> memref<1x16x56x32xf32, #tpu.memory_space<vmem>>
      %dma_start3A_1337 = tpu.memref_squeeze %dma_start3A_1336 : memref<1x16x56x32xf32, #tpu.memory_space<vmem>> -> memref<16x56x32xf32, #tpu.memory_space<vmem>>
      %dma_start3A_1338 = arith.constant 0 : i32
      %dma_start3A_1339 = arith.constant 0 : i32
      %dma_start3A_1340 = arith.constant 0 : i32
      %dma_start3A_1341 = tpu.memref_slice %dma_start3A_1337[%dma_start3A_1338, %dma_start3A_1339, %dma_start3A_1340] : memref<16x56x32xf32, #tpu.memory_space<vmem>> -> memref<16x50x32xf32, #tpu.memory_space<vmem>>
      tpu.enqueue_dma source(%dma_start3A_1341 : memref<16x50x32xf32, #tpu.memory_space<vmem>>) target(%dma_start3A_1332 : memref<16x50x32xf32, #tpu.memory_space<hbm>>) target_semaphore(%dma_start3A_1329 : memref<!tpu.dma_semaphore, #tpu.memory_space<semaphore_mem>>)
    }
    %scan3A_7 = arith.constant 16 : i32
    %dma_wait3A = arith.constant 0 : i32
    %dma_wait3A_8 = arith.constant 0 : i32
    %dma_wait3A_9 = arith.constant 0 : i32
    %dma_wait3A_10 = arith.constant 0 : i32
    %dma_wait3A_11 = arith.constant 0 : i32
    %dma_wait3A_12 = tpu.memref_slice %arg6[%dma_wait3A, %dma_wait3A_9, %dma_wait3A_10, %dma_wait3A_11] : memref<2x16x56x32xf32, #tpu.memory_space<vmem>> -> memref<1x16x50x32xf32, #tpu.memory_space<vmem>>
    %dma_wait3A_13 = tpu.memref_squeeze %dma_wait3A_12 : memref<1x16x50x32xf32, #tpu.memory_space<vmem>> -> memref<16x50x32xf32, #tpu.memory_space<vmem>>
    %dma_wait3A_14 = arith.constant 0 : i32
    %dma_wait3A_15 = arith.constant 0 : i32
    %dma_wait3A_16 = tpu.memref_slice %arg4[%mul3A_2, %dma_wait3A_14, %dma_wait3A_15] : memref<16384x50x32xf32, #tpu.memory_space<hbm>> -> memref<16x50x32xf32, #tpu.memory_space<hbm>>
    %dma_wait3A_17 = tpu.memref_slice %arg8[%dma_wait3A_8] : memref<2x!tpu.dma_semaphore, #tpu.memory_space<semaphore_mem>> -> memref<1x!tpu.dma_semaphore, #tpu.memory_space<semaphore_mem>>
    %dma_wait3A_18 = tpu.memref_squeeze %dma_wait3A_17 : memref<1x!tpu.dma_semaphore, #tpu.memory_space<semaphore_mem>> -> memref<!tpu.dma_semaphore, #tpu.memory_space<semaphore_mem>>
    %dma_wait3A_19 = arith.constant 0 : i32
    %dma_wait3A_20 = arith.constant 0 : i32
    %dma_wait3A_21 = tpu.memref_slice %arg4[%mul3A_2, %dma_wait3A_19, %dma_wait3A_20] : memref<16384x50x32xf32, #tpu.memory_space<hbm>> -> memref<16x50x32xf32, #tpu.memory_space<hbm>>
    %dma_wait3A_22 = arith.constant 0 : i32
    %dma_wait3A_23 = arith.constant 0 : i32
    %dma_wait3A_24 = arith.constant 0 : i32
    %dma_wait3A_25 = tpu.memref_slice %arg6[%dma_wait3A, %dma_wait3A_22, %dma_wait3A_23, %dma_wait3A_24] : memref<2x16x56x32xf32, #tpu.memory_space<vmem>> -> memref<1x16x50x32xf32, #tpu.memory_space<vmem>>
    %dma_wait3A_26 = tpu.memref_squeeze %dma_wait3A_25 : memref<1x16x50x32xf32, #tpu.memory_space<vmem>> -> memref<16x50x32xf32, #tpu.memory_space<vmem>>
    tpu.wait_dma2 semaphore(%dma_wait3A_18 : memref<!tpu.dma_semaphore, #tpu.memory_space<semaphore_mem>>) src(%dma_wait3A_26 : memref<16x50x32xf32, #tpu.memory_space<vmem>>) dst(%dma_wait3A_21 : memref<16x50x32xf32, #tpu.memory_space<hbm>>)
    %dma_wait3A_27 = arith.constant 1 : i32
    %dma_wait3A_28 = arith.constant 1 : i32
    %dma_wait3A_29 = arith.constant 0 : i32
    %dma_wait3A_30 = arith.constant 0 : i32
    %dma_wait3A_31 = arith.constant 0 : i32
    %dma_wait3A_32 = tpu.memref_slice %arg6[%dma_wait3A_27, %dma_wait3A_29, %dma_wait3A_30, %dma_wait3A_31] : memref<2x16x56x32xf32, #tpu.memory_space<vmem>> -> memref<1x16x50x32xf32, #tpu.memory_space<vmem>>
    %dma_wait3A_33 = tpu.memref_squeeze %dma_wait3A_32 : memref<1x16x50x32xf32, #tpu.memory_space<vmem>> -> memref<16x50x32xf32, #tpu.memory_space<vmem>>
    %dma_wait3A_34 = arith.constant 0 : i32
    %dma_wait3A_35 = arith.constant 0 : i32
    %dma_wait3A_36 = tpu.memref_slice %arg4[%mul3A_2, %dma_wait3A_34, %dma_wait3A_35] : memref<16384x50x32xf32, #tpu.memory_space<hbm>> -> memref<16x50x32xf32, #tpu.memory_space<hbm>>
    %dma_wait3A_37 = tpu.memref_slice %arg8[%dma_wait3A_28] : memref<2x!tpu.dma_semaphore, #tpu.memory_space<semaphore_mem>> -> memref<1x!tpu.dma_semaphore, #tpu.memory_space<semaphore_mem>>
    %dma_wait3A_38 = tpu.memref_squeeze %dma_wait3A_37 : memref<1x!tpu.dma_semaphore, #tpu.memory_space<semaphore_mem>> -> memref<!tpu.dma_semaphore, #tpu.memory_space<semaphore_mem>>
    %dma_wait3A_39 = arith.constant 0 : i32
    %dma_wait3A_40 = arith.constant 0 : i32
    %dma_wait3A_41 = tpu.memref_slice %arg4[%mul3A_2, %dma_wait3A_39, %dma_wait3A_40] : memref<16384x50x32xf32, #tpu.memory_space<hbm>> -> memref<16x50x32xf32, #tpu.memory_space<hbm>>
    %dma_wait3A_42 = arith.constant 0 : i32
    %dma_wait3A_43 = arith.constant 0 : i32
    %dma_wait3A_44 = arith.constant 0 : i32
    %dma_wait3A_45 = tpu.memref_slice %arg6[%dma_wait3A_27, %dma_wait3A_42, %dma_wait3A_43, %dma_wait3A_44] : memref<2x16x56x32xf32, #tpu.memory_space<vmem>> -> memref<1x16x50x32xf32, #tpu.memory_space<vmem>>
    %dma_wait3A_46 = tpu.memref_squeeze %dma_wait3A_45 : memref<1x16x50x32xf32, #tpu.memory_space<vmem>> -> memref<16x50x32xf32, #tpu.memory_space<vmem>>
    tpu.wait_dma2 semaphore(%dma_wait3A_38 : memref<!tpu.dma_semaphore, #tpu.memory_space<semaphore_mem>>) src(%dma_wait3A_46 : memref<16x50x32xf32, #tpu.memory_space<vmem>>) dst(%dma_wait3A_41 : memref<16x50x32xf32, #tpu.memory_space<hbm>>)
    return
  }
}

module attributes {stable_mosaic.version = 14 : i64} {
  func.func @_prep_body(%arg0: i32, %arg1: memref<2048x50xi32, #tpu.memory_space<vmem>>, %arg2: memref<2048x128xi32, #tpu.memory_space<vmem>>) attributes {dimension_semantics = [#tpu.dimension_semantics<arbitrary>], iteration_bounds = array<i64: 8>, scalar_prefetch = 0 : i64, scratch_operands = 0 : i64, tpu.core_type = #tpu.core_type<tc>, window_params = [{transform_indices = @transform_0, window_bounds = array<i64: 2048, 50>}, {transform_indices = @transform_1, window_bounds = array<i64: 2048, 128>}]} {
    %get3A = arith.constant 0 : index
    %get3A_0 = arith.constant 0 : index
    %get3A_1 = vector.load %arg1[%get3A, %get3A_0] : memref<2048x50xi32, #tpu.memory_space<vmem>>, vector<2048x50xi32>
    %slice3A = vector.extract_strided_slice %get3A_1 {offsets = [0, 0], sizes = [2048, 1], strides = [1, 1]} : vector<2048x50xi32> to vector<2048x1xi32>
    %broadcast_in_dim3A = vector.shape_cast %slice3A : vector<2048x1xi32> to vector<2048x1xi32>
    %broadcast_in_dim3A_2 = vector.broadcast %broadcast_in_dim3A : vector<2048x1xi32> to vector<2048x78xi32>
    %concatenate3A = tpu.concatenate %get3A_1, %broadcast_in_dim3A_2 in 1 : vector<2048x50xi32>, vector<2048x78xi32> -> vector<2048x128xi32>
    %swap3A = arith.constant 0 : index
    %swap3A_3 = arith.constant 0 : index
    %swap3A_4 = vector.load %arg2[%swap3A, %swap3A_3] : memref<2048x128xi32, #tpu.memory_space<vmem>>, vector<2048x128xi32>
    tpu.vector_store %arg2[%swap3A, %swap3A_3], %concatenate3A {strides = array<i32>} : memref<2048x128xi32, #tpu.memory_space<vmem>>, vector<2048x128xi32>,
    return
  }
  func.func @transform_0(%arg0: i32) -> (i32, i32) {
    %c0_i32 = arith.constant 0 : i32
    %c0_i32_0 = arith.constant 0 : i32
    return %arg0, %c0_i32 : i32, i32
  }
  func.func @transform_1(%arg0: i32) -> (i32, i32) {
    %c0_i32 = arith.constant 0 : i32
    %c0_i32_0 = arith.constant 0 : i32
    return %arg0, %c0_i32 : i32, i32
  }
}

module attributes {stable_mosaic.version = 14 : i64} {
  func.func @_tprep_body(%arg0: i32, %arg1: memref<32x12800xf32, #tpu.memory_space<vmem>>, %arg2: memref<3200x128xf32, #tpu.memory_space<vmem>>) attributes {dimension_semantics = [#tpu.dimension_semantics<arbitrary>], iteration_bounds = array<i64: 79>, scalar_prefetch = 0 : i64, scratch_operands = 0 : i64, tpu.core_type = #tpu.core_type<tc>, window_params = [{transform_indices = @transform_0, window_bounds = array<i64: 32, 12800>}, {transform_indices = @transform_1, window_bounds = array<i64: 3200, 128>}]} {
    %get3A = arith.constant 0 : index
    %get3A_0 = arith.constant 0 : index
    %get3A_1 = vector.load %arg1[%get3A, %get3A_0] : memref<32x12800xf32, #tpu.memory_space<vmem>>, vector<32x12800xf32>
    %transpose3A = tpu.transpose %get3A_1, [1, 0] : vector<32x12800xf32> -> vector<12800x32xf32>
    %reshape3A = vector.shape_cast %transpose3A : vector<12800x32xf32> to vector<3200x4x32xf32>
    %iota3A = tpu.iota {dimensions = array<i32: 0>} : vector<128x128xi32>
    %iota3A_2 = tpu.iota {dimensions = array<i32: 1>} : vector<128x128xi32>
    %add3A = arith.constant 0 : i32
    %add3A_3 = vector.broadcast %add3A : i32 to vector<128x128xi32>
    %add3A_4 = arith.addi %iota3A, %add3A_3 : vector<128x128xi32>
    %eq3A = arith.cmpi eq, %add3A_4, %iota3A_2 : vector<128x128xi32>
    %convert_element_type3A = arith.extui %eq3A : vector<128x128xi1> to vector<128x128xi32>
    %convert_element_type3A_5 = arith.sitofp %convert_element_type3A : vector<128x128xi32> to vector<128x128xf32>
    %broadcast_in_dim3A = arith.constant 0.000000e+00 : f32
    %broadcast_in_dim3A_6 = vector.broadcast %broadcast_in_dim3A : f32 to vector<3200x128xf32>
    %slice3A = vector.extract_strided_slice %reshape3A {offsets = [0, 0, 0], sizes = [3200, 1, 32], strides = [1, 1, 1]} : vector<3200x4x32xf32> to vector<3200x1x32xf32>
    %squeeze3A = vector.shape_cast %slice3A : vector<3200x1x32xf32> to vector<3200x32xf32>
    %slice3A_7 = vector.extract_strided_slice %convert_element_type3A_5 {offsets = [0, 0], sizes = [32, 128], strides = [1, 1]} : vector<128x128xf32> to vector<32x128xf32>
    %dot_general3A = arith.constant dense<0.000000e+00> : vector<3200x128xf32>
    %dot_general3A_8 = tpu.matmul %squeeze3A, %slice3A_7, %dot_general3A {dimension_numbers = #tpu.dot_dimension_numbers<[1], [0], [0], [1], [0, 0, 1, 1], [], []>, transpose_lhs_hint = false} : vector<3200x32xf32>, vector<32x128xf32>, vector<3200x128xf32> -> vector<3200x128xf32>
    %add3A_9 = arith.addf %broadcast_in_dim3A_6, %dot_general3A_8 : vector<3200x128xf32>
    %slice3A_10 = vector.extract_strided_slice %reshape3A {offsets = [0, 1, 0], sizes = [3200, 1, 32], strides = [1, 1, 1]} : vector<3200x4x32xf32> to vector<3200x1x32xf32>
    %squeeze3A_11 = vector.shape_cast %slice3A_10 : vector<3200x1x32xf32> to vector<3200x32xf32>
    %slice3A_12 = vector.extract_strided_slice %convert_element_type3A_5 {offsets = [32, 0], sizes = [32, 128], strides = [1, 1]} : vector<128x128xf32> to vector<32x128xf32>
    %dot_general3A_13 = arith.constant dense<0.000000e+00> : vector<3200x128xf32>
    %dot_general3A_14 = tpu.matmul %squeeze3A_11, %slice3A_12, %dot_general3A_13 {dimension_numbers = #tpu.dot_dimension_numbers<[1], [0], [0], [1], [0, 0, 1, 1], [], []>, transpose_lhs_hint = false} : vector<3200x32xf32>, vector<32x128xf32>, vector<3200x128xf32> -> vector<3200x128xf32>
    %add3A_15 = arith.addf %add3A_9, %dot_general3A_14 : vector<3200x128xf32>
    %slice3A_16 = vector.extract_strided_slice %reshape3A {offsets = [0, 2, 0], sizes = [3200, 1, 32], strides = [1, 1, 1]} : vector<3200x4x32xf32> to vector<3200x1x32xf32>
    %squeeze3A_17 = vector.shape_cast %slice3A_16 : vector<3200x1x32xf32> to vector<3200x32xf32>
    %slice3A_18 = vector.extract_strided_slice %convert_element_type3A_5 {offsets = [64, 0], sizes = [32, 128], strides = [1, 1]} : vector<128x128xf32> to vector<32x128xf32>
    %dot_general3A_19 = arith.constant dense<0.000000e+00> : vector<3200x128xf32>
    %dot_general3A_20 = tpu.matmul %squeeze3A_17, %slice3A_18, %dot_general3A_19 {dimension_numbers = #tpu.dot_dimension_numbers<[1], [0], [0], [1], [0, 0, 1, 1], [], []>, transpose_lhs_hint = false} : vector<3200x32xf32>, vector<32x128xf32>, vector<3200x128xf32> -> vector<3200x128xf32>
    %add3A_21 = arith.addf %add3A_15, %dot_general3A_20 : vector<3200x128xf32>
    %slice3A_22 = vector.extract_strided_slice %reshape3A {offsets = [0, 3, 0], sizes = [3200, 1, 32], strides = [1, 1, 1]} : vector<3200x4x32xf32> to vector<3200x1x32xf32>
    %squeeze3A_23 = vector.shape_cast %slice3A_22 : vector<3200x1x32xf32> to vector<3200x32xf32>
    %slice3A_24 = vector.extract_strided_slice %convert_element_type3A_5 {offsets = [96, 0], sizes = [32, 128], strides = [1, 1]} : vector<128x128xf32> to vector<32x128xf32>
    %dot_general3A_25 = arith.constant dense<0.000000e+00> : vector<3200x128xf32>
    %dot_general3A_26 = tpu.matmul %squeeze3A_23, %slice3A_24, %dot_general3A_25 {dimension_numbers = #tpu.dot_dimension_numbers<[1], [0], [0], [1], [0, 0, 1, 1], [], []>, transpose_lhs_hint = false} : vector<3200x32xf32>, vector<32x128xf32>, vector<3200x128xf32> -> vector<3200x128xf32>
    %add3A_27 = arith.addf %add3A_21, %dot_general3A_26 : vector<3200x128xf32>
    %swap3A = arith.constant 0 : index
    %swap3A_28 = arith.constant 0 : index
    %swap3A_29 = vector.load %arg2[%swap3A, %swap3A_28] : memref<3200x128xf32, #tpu.memory_space<vmem>>, vector<3200x128xf32>
    tpu.vector_store %arg2[%swap3A, %swap3A_28], %add3A_27 {strides = array<i32>} : memref<3200x128xf32, #tpu.memory_space<vmem>>, vector<3200x128xf32>,
    return
  }
  func.func @transform_0(%arg0: i32) -> (i32, i32) {
    %c0_i32 = arith.constant 0 : i32
    %c0_i32_0 = arith.constant 0 : i32
    return %c0_i32, %arg0 : i32, i32
  }
  func.func @transform_1(%arg0: i32) -> (i32, i32) {
    %c0_i32 = arith.constant 0 : i32
    %c0_i32_0 = arith.constant 0 : i32
    return %arg0, %c0_i32 : i32, i32
  }
}

</mosaic_0001>

<sc_bundles>
// kernel: kernel.5.cloned.1.call-start
scs
__scs_entry_jumppad:
0x0: {  	(pc) =	sbr.rel $0x88, $3  }
0x1: {  	(tag) =	ssettag $0x0;
	lr =	simm.s32 $0x1  }
0x2: {  	[smem:$0x3F9F] =	sst lr;
	_ =	strace $0xD0000000  }
0x3: {  	_ = 	snop  }
0x4: {  	_ = 	snop  }
0x5: {  	_ = 	snop  }
0x6: {  	_ = 	snop  }
0x7: {  	_ = 	snop  }
__scs_overlays_trampoline_lowered:
0x8: {  	[smem:$0x3FAE] =	sst s0  }
0x9: {  	[smem:$0x3FAF] =	sst s1  }
0xa: {  	[smem:$0x3FB0] =	sst s2  }
0xb: {  	[smem:$0x3FB1] =	sst s3  }
0xc: {  	[smem:$0x3FB2] =	sst s4  }
0xd: {  	[smem:$0x3FB3] =	sst s5  }
0xe: {  	[smem:$0x3FB4] =	sst s6  }
0xf: {  	[smem:$0x3FB5] =	sst s7  }
0x10: {  	[smem:$0x3FB6] =	sst s8  }
0x11: {  	[smem:$0x3FB7] =	sst s9;
	s0 =	simm.s32 @!p0 $0x0  }
0x12: {  	s1 =	sld [smem:$0x3F9D];
	s0 =	simm.s32 @p0 $0x1  }
0x13: {  	[smem:$0x3FB8] =	sst s0;
	s0 =	simm.s32 @!p1 $0x0  }
0x14: {  	s2 =	sld [smem:$0x3F9C];
	s0 =	simm.s32 @p1 $0x1  }
0x15: {  	[smem:$0x3FB9] =	sst s0;
	s0 =	simm.s32 @!p2 $0x0  }
0x16: {  	s3 =	sld [smem:$0x3FDB];
	s0 =	simm.s32 @p2 $0x1  }
0x17: {  	s4 =	simm.s32 $0x1BF5;
	[smem:$0x3FBB] =	sst s0  }
0x18: {  	s0 =	sld [smem:$0x3F9E];
	_ =	swait.ge [sflag:s4], $0x0  }
0x19: {  	s7 =	sld [smem:$0x3F9F]  }
0x1a: {  	s8 =	sadd.s32 $0xFFFFE003, lr  }
0x1b: {  	s9 =	sadd.s32 $0xFFFFFEF7, lr;
	s5 =	simm.s32 $0xFFFFFFFF;
	p2 =	slt.u32 s8, $0xFFFFF086  }
0x1c: {  	p1 =	slt.u32 s9, $0xF7A;
	s5 =	simm.s32 @!p2 $0x0  }
0x1d: {  	s5 =	simm.s32 @p1 $0x1;
	p0 =	seq.s32 s7, s2  }
0x1e: {  	s7 =	smul.u32 @!p0 $0xF7A, s2;
	p2 =	seq.s32 @!p0 s5, $0x0  }
0x1f: {  	s9 =	smul.u32 $0xF7A, s1;
	s8 =	simm.s32 @!p0 $0x1BF5;
	p2 =	por !p2, p0  }
0x20: {  	[sflag:s8] =	ssyncset.s32 @!p0 $0xFFFFF086;
	s6 =	sadd.s32 @!p0 s3, s7;
	s7 =	simm.s32 @!p0 $0x108  }
0x21: {  	s3 =	sadd.s32 s3, s9;
	s6 =	sadd.s32 @!p0 $0x88, s6;
	s7 =	simm.s32 @p2 $0x1082  }
0x22: {  	[simem:s7], [sflag:s8] =	dma.local @!p0 [hbm:s6], $0xF7A  }
0x23: {  	s9 =	sor.u32 $0xD0000000, s2;
	s6 =	simm.s32 $0x108;
	_ =	swait.ge @!p0 [sflag:s8], $0x0  }
0x24: {  	s3 =	sadd.s32 $0x88, s3;
	s6 =	simm.s32 @!p1 $0x1082;
	[sflag:s4] =	ssyncset.s32 $0xFFFFF086  }
0x25: {  	[simem:s6], [sflag:s4] =	dma.local [hbm:s3], $0xF7A  }
0x26: {  	[smem:$0x3F9F] =	sst s1;
	(tag) =	ssettag s2;
	_ =	strace s9  }
0x27: {  	s1 =	sld [smem:$0x3FAF]  }
0x28: {  	s2 =	sld [smem:$0x3FB0]  }
0x29: {  	s4 =	sld [smem:$0x3FB2]  }
0x2a: {  	p0 =	seq.s32 s5, $0x0;
	s5 =	sld [smem:$0x3FB3]  }
0x2b: {  	s6 =	sld [smem:$0x3FB4]  }
0x2c: {  	s7 =	sld [smem:$0x3FB5]  }
0x2d: {  	s3 =	simm.s32 $0x108;
	s8 =	sld [smem:$0x3FB6]  }
0x2e: {  	s3 =	simm.s32 @!p0 $0x1082;
	s9 =	sld [smem:$0x3FB7]  }
0x2f: {  	lr =	sadd.s32 s0, s3;
	s0 =	sld [smem:$0x3FAE]  }
0x30: {  	s3 =	sld [smem:$0x3FB1]  }
0x31: {  	[smem:$0x3FBA] =	sst s10  }
0x32: {  	s10 =	sld [smem:$0x3FB8];
	_ =	sdelay $0x3  }
0x33: {  	p0 =	seq.s32 s10, $0x1;
	s10 =	sld [smem:$0x3FBA];
	_ =	sdelay $0x3  }
0x34: {  	[smem:$0x3FBA] =	sst s10  }
0x35: {  	s10 =	sld [smem:$0x3FB9];
	_ =	sdelay $0x3  }
0x36: {  	p1 =	seq.s32 s10, $0x1;
	s10 =	sld [smem:$0x3FBA];
	_ =	sdelay $0x3  }
0x37: {  	[smem:$0x3FBA] =	sst s10  }
0x38: {  	s10 =	sld [smem:$0x3FBB]  }
0x39: {  	_ = 	snop;
	(pc) =	sbr.ind lr, $3  }
0x3a: {  	_ = 	snop  }
0x3b: {  	_ = 	snop  }
0x3c: {  	p2 =	seq.s32 s10, $0x1;
	s10 =	sld [smem:$0x3FBA]  }
0x3d: {  	_ =	shalt  }
0x3e: {  	_ =	shalt  }
0x3f: {  	_ =	shalt  }
0x40: {  	_ =	shalt  }
0x41: {  	_ =	shalt  }
0x42: {  	_ =	shalt  }
0x43: {  	_ =	shalt  }
0x44: {  	_ =	shalt  }
0x45: {  	_ =	shalt  }
0x46: {  	_ =	shalt  }
0x47: {  	_ =	shalt  }
0x48: {  	_ =	shalt  }
0x49: {  	_ =	shalt  }
0x4a: {  	_ =	shalt  }
0x4b: {  	_ =	shalt  }
0x4c: {  	_ =	shalt  }
0x4d: {  	_ =	shalt  }
0x4e: {  	_ =	shalt  }
0x4f: {  	_ =	shalt  }
0x50: {  	_ =	shalt  }
0x51: {  	_ =	shalt  }
0x52: {  	_ =	shalt  }
0x53: {  	_ =	shalt  }
0x54: {  	_ =	shalt  }
0x55: {  	_ =	shalt  }
0x56: {  	_ =	shalt  }
0x57: {  	_ =	shalt  }
0x58: {  	_ =	shalt  }
0x59: {  	_ =	shalt  }
0x5a: {  	_ =	shalt  }
0x5b: {  	_ =	shalt  }
0x5c: {  	_ =	shalt  }
0x5d: {  	_ =	shalt  }
0x5e: {  	_ =	shalt  }
0x5f: {  	_ =	shalt  }
0x60: {  	_ =	shalt  }
0x61: {  	_ =	shalt  }
0x62: {  	_ =	shalt  }
0x63: {  	_ =	shalt  }
0x64: {  	_ =	shalt  }
0x65: {  	_ =	shalt  }
0x66: {  	_ =	shalt  }
0x67: {  	_ =	shalt  }
0x68: {  	_ =	shalt  }
0x69: {  	_ =	shalt  }
0x6a: {  	_ =	shalt  }
0x6b: {  	_ =	shalt  }
0x6c: {  	_ =	shalt  }
0x6d: {  	_ =	shalt  }
0x6e: {  	_ =	shalt  }
0x6f: {  	_ =	shalt  }
0x70: {  	_ =	shalt  }
0x71: {  	_ =	shalt  }
0x72: {  	_ =	shalt  }
0x73: {  	_ =	shalt  }
0x74: {  	_ =	shalt  }
0x75: {  	_ =	shalt  }
0x76: {  	_ =	shalt  }
0x77: {  	_ =	shalt  }
0x78: {  	_ =	shalt  }
0x79: {  	_ =	shalt  }
0x7a: {  	_ =	shalt  }
0x7b: {  	_ =	shalt  }
0x7c: {  	_ =	shalt  }
0x7d: {  	_ =	shalt  }
0x7e: {  	_ =	shalt  }
0x7f: {  	_ =	shalt  }
0x80: {  	_ =	shalt  }
0x81: {  	_ =	shalt  }
0x82: {  	_ =	shalt  }
0x83: {  	_ =	shalt  }
0x84: {  	_ =	shalt  }
0x85: {  	_ =	shalt  }
0x86: {  	_ =	shalt  }
0x87: {  	_ =	shalt  }
.Lfunc_end0:
.L_simem_size_0:
called_computation.1_lowered:
.L_overlay_start_0:
0x88: {  	s2 =	sld [smem:$0x3FD9]  }
0x89: {  	s3 =	sld [smem:$0x3FFE];
	_ =	sdelay $0x1  }
0x8a: {  	s1 =	srdreg.scid  }
0x8b: {  	s0 =	sand.u32 $0x1, s1  }
0x8c: {  	s17 =	sshll.u32 s0, $0xA;
	s2 =	sadd.s32 s3, s2  }
0x8d: {  	s2 =	sadd.s32 s2, s17  }
0x8e: {  	[smem:$0x3FC6] =	sst s2  }
0x8f: {  	_ = 	snop  }
0x90: {  	s2 =	sld [smem:$0x3FD0];
	(tm) =	ssettm $0x1  }
0x91: {  	s18 =	sld [smem:$0x3FFB];
	_ =	sdelay $0x3  }
0x92: {  	_ =	strace s18  }
0x93: {  	s3 =	sld [smem:$0x3FFC];
	_ =	sdelay $0x3  }
0x94: {  	_ =	strace s3  }
0x95: {  	s3 =	sld [smem:$0x3FFD];
	_ =	sdelay $0x3  }
0x96: {  	_ =	strace s3  }
0x97: {  	_ =	strace $0x8FFFFFFF  }
0x98: {  	s19 =	sld [smem:$0x3FDB];
	_ =	sdelay $0x1  }
0x99: {  	s4 =	simm.s32 $_scs_section_size  }
0x9a: {  	s5 =	simm.s32 $_size__tile_overlayer_lowered;
	s6 =	simm.s32 $_tile_overlayer_lowered  }
0x9b: {  	s22 =	simm.s32 $0x1BFF;
	s21 =	sshll.u32 s6, $0x1;
	s3 =	sadd.s32 s4, s19  }
0x9c: {  	s7 =	simm.s32 $0x0;
	s20 =	sshll.u32 s5, $0x1;
	s5 =	sadd.s32 s21, s3  }
0x9d: {  	[timem:s7], [sflag:s22] =	dma.local [hbm:s5], s20  }
0x9e: {  	_ =	swait.ge [sflag:s22], s20  }
0x9f: {  	s4 =	ssub.s32 $0x0, s20;
	[sflag:s22] =	ssyncset.done $0x0  }
0xa0: {  	[sflag:s22] =	ssyncadd.s32 s4;
	_ =	sdelay $0x1  }
0xa1: {  	s23 =	simm.s32 $0x1B8B  }
0xa2: {  	_ =	swait.ge [sflag:s23], $0x1  }
0xa3: {  	[sflag:s23] =	ssyncset.done $0x0  }
0xa4: {  	s25 =	simm.s32 $0x1B8E;
	s24 =	sld [smem:$0x3FFE];
	[sflag:s23] =	ssyncadd.s32 $0xFFFFFFFF  }
0xa5: {  	s26 =	simm.s32 $execute0_lowered;
	[smem:$0x3FD2] =	sst s25  }
0xa6: {  	s5 =	sshll.u32 s26, $0x1;
	_ =	strace $0x80000046;
	[dreg:$0x1] =	wrdreg $0xFFFFFFFF  }
0xa7: {  	s28 =	simm.s32 $_size_execute0_lowered;
	s3 =	sadd.s32 s3, s5;
	[dreg:$0x0] =	wrdreg $0x0  }
0xa8: {  	s5 =	sshll.u32 s28, $0x1;
	[dreg:$0x2] =	wrdreg s3  }
0xa9: {  	[dreg:$0x3] =	wrdreg s5  }
0xaa: {  	[dreg:$0x4] =	wrdreg $0xC0  }
0xab: {  	_ =	task [dreg:s7], $0x5FFFF  }
0xac: {  	[dreg:$0x1] =	wrdreg $0xFFFFFFFF  }
0xad: {  	[dreg:$0x0] =	wrdreg $0x60  }
0xae: {  	[dreg:$0x2] =	wrdreg s24  }
0xaf: {  	[dreg:$0x3] =	wrdreg s2  }
0xb0: {  	[dreg:$0x4] =	wrdreg $0x9  }
0xb1: {  	_ =	task.clear_ibuf [dreg:s7], $0x5FFFF;
	_ =	strace $0x90000046  }
0xb2: {  	s29 =	simm.s32 $0x9;
	_ =	strace $0x80000048  }
0xb3: {  	_ =	swait.ge [sflag:s29], $0x1  }
0xb4: {  	[sflag:s29] =	ssyncadd.s32 $0xFFFFFFFF  }
0xb5: {  	_ =	strace $0x90000048  }
0xb6: {  	_ =	sfence  }
0xb7: {  	s30 =	sld [smem:$0x0];
	_ =	sdelay $0x2  }
0xb8: {  	s31 =	sshll.u32 s1, $0xD;
	s1 =	sshrl.u32 s1, $0x2  }
0xb9: {  	s3 =	sand.u32 $0x4000, s31;
	s1 =	sadd.s32 s1, s30  }
0xba: {  	s0 =	sor.u32 s3, s0;
	s1 =	sshll.u32 s1, $0x11  }
0xbb: {  	s0 =	sor.u32 s1, s0  }
0xbc: {  	s0 =	sadd.s32 $0x8F2B, s0  }
0xbd: {  	[sflag:s0] =	ssyncadd.remote.s32 $0x1  }
0xbe: {  	_ =	sfence.sel $0xFFFF  }
0xbf: {  	[dreg:$0x0] =	wrdreg $0xFFFFFFFF;
	(pc) =	sbr.abs _section_cstart, $3  }
0xc0: {  	[dreg:$0x1] =	wrdreg $0xFFFFFFFF  }
0xc1: {  	_ =	task.clear_ibuf [dreg:s7], $0x2FFFF;
	_ =	strace $0x9FFFFFFF  }
0xc2: {  	(tm) =	ssettm $0x7FFFFFFF  }
0xc3: {  	_ =	shalt  }
tec
execute0_lowered:
.L_overlay_start_1:
0x0: {  	(tag) =	ssettag $0x1  }
0x1: {  	s0 =	rddreg [dreg:$0x0]  }
0x2: {  	s1 =	rddreg [dreg:$0x1];
	s2 =	simm.s32 $0x0  }
0x3: {  	s3 =	srdreg.scid;
	s6 =	stileid.u32;
	s10 =	simm.s32 $0x12D00  }
0x4: {  	s11 =	simm.s32 $0x13400;
	s12 =	simm.s32 $0x13B00;
	s13 =	simm.s32 $0x14200  }
0x5: {  	s14 =	simm.s32 $0x14900;
	s30 =	simm.s32 $0xA800;
	s31 =	simm.s32 $0xAF00  }
0x6: {  	[smem:$0x7FF] =	sst s2;
	s3 =	sand.u32 $0x1, s3;
	s4 =	sshll.u32 s6, $0xE  }
0x7: {  	s6 =	smul.u32 $0x32000, s6;
	_ =	strace $0x80000047;
	s5 =	sshll.u32 s3, $0xD  }
0x8: {  	s26 =	ssub.s32 $0x2, s3;
	s8 =	smul.u32 $0x19000, s3;
	s3 =	sadd.s32 $0x40A00, s0  }
0x9: {  	s4 =	sor.u32 s5, s4;
	s7 =	sshrl.u32 s26, $0x1;
	s1 =	sadd.s32 s6, s1  }
0xa: {  	s6 =	simm.s32 $0x12600;
	s4 =	sadd.s32 s4, s0;
	s29 =	sadd.s32 s8, s1  }
0xb: {  	s28 =	ssub.s32 s26, s7;
	s4 =	sadd.s32 $0xA00, s4;
	[dreg:$0x5] =	wrdreg s29  }
0xc: {  	s7 =	simm.s32 $0x38;
	s0 =	smax.u32 s28, $0x1;
	[dreg:$0x3] =	wrdreg s4  }
0xd: {  	s26 =	simm.s32 $0x1;
	s1 =	simm.s32 $0x0;
	[dreg:$0x4] =	wrdreg s0  }
.LBB2_1:
0xe: {  	[dreg:$0x6] =	wrdreg s1  }
0xf: {  	s15 =	rddreg [dreg:$0x3];
	s16 =	simm.s32 $0x80;
	s18 =	simm.s32 $0x4  }
0x10: {  	[tilespmem:s2], [sflag:$0x4] =	stream.strided.gather [hbm4b:s15+s7], $0x7000, s16, s7, $0x38;
	[tilespmem:$0x15000] =	vst v63  }
0x11: {  	p0 =	por $0x1, $0x1;
	_ =	swait.ge [sflag:s18], $0x7000  }
0x12: {  	p0 =	por p0, p0;
	[sflag:s18] =	ssyncset.done $0x0  }
0x13: {  	s15 =	simm.s32 @!p0 $0x2;
	[sflag:s18] =	ssyncadd.s32 $0xFFFF9000  }
0x14: {  	_ =	swait.ge @!p0 [sflag:s15], $0x6400  }
0x15: {  	[sflag:s15] =	ssyncset.done @!p0 $0x0  }
0x16: {  	s19 =	simm.s32 $0x0;
	s16 =	simm.s32 $0x7000;
	[sflag:s15] =	ssyncadd.s32 @!p0 $0xFFFF9C00  }
0x17: {  	[tilespmem:s16], [sflag:$0x1] =	stream.indirect.gather [hbm4b:s3+s7], $0x20, s19, s7, $0xb8;
	[tilespmem:$0x15000] =	vst v63  }
0x18: {  	s20 =	simm.s32 $0x38;
	s17 =	simm.s32 $0x7700  }
0x19: {  	[tilespmem:s17], [sflag:$0x1] =	stream.indirect.gather [hbm4b:s3+s7], $0x20, s20, s7, $0xb8;
	[tilespmem:$0x15000] =	vst v63  }
0x1a: {  	s21 =	simm.s32 $0x70;
	s18 =	simm.s32 $0x7E00  }
0x1b: {  	[tilespmem:s18], [sflag:$0x1] =	stream.indirect.gather [hbm4b:s3+s7], $0x20, s21, s7, $0xb8;
	[tilespmem:$0x15000] =	vst v63  }
0x1c: {  	s22 =	simm.s32 $0xA8;
	s20 =	simm.s32 $0x8500  }
0x1d: {  	[tilespmem:s20], [sflag:$0x1] =	stream.indirect.gather [hbm4b:s3+s7], $0x20, s22, s7, $0xb8;
	[tilespmem:$0x15000] =	vst v63  }
0x1e: {  	s23 =	simm.s32 $0xE0;
	s21 =	simm.s32 $0x8C00  }
0x1f: {  	[tilespmem:s21], [sflag:$0x1] =	stream.indirect.gather [hbm4b:s3+s7], $0x20, s23, s7, $0xb8;
	[tilespmem:$0x15000] =	vst v63  }
0x20: {  	s24 =	simm.s32 $0x118;
	s22 =	simm.s32 $0x9300  }
0x21: {  	[tilespmem:s22], [sflag:$0x1] =	stream.indirect.gather [hbm4b:s3+s7], $0x20, s24, s7, $0xb8;
	[tilespmem:$0x15000] =	vst v63  }
0x22: {  	s25 =	simm.s32 $0x150;
	s23 =	simm.s32 $0x9A00  }
0x23: {  	[tilespmem:s23], [sflag:$0x1] =	stream.indirect.gather [hbm4b:s3+s7], $0x20, s25, s7, $0xb8;
	[tilespmem:$0x15000] =	vst v63  }
0x24: {  	s28 =	simm.s32 $0x188;
	s24 =	simm.s32 $0xA100  }
0x25: {  	[tilespmem:s24], [sflag:$0x1] =	stream.indirect.gather [hbm4b:s3+s7], $0x20, s28, s7, $0xb8;
	[tilespmem:$0x15000] =	vst v63  }
0x26: {  	s29 =	simm.s32 $0x1C0;
	s25 =	simm.s32 $0xA800  }
0x27: {  	[tilespmem:s25], [sflag:$0x1] =	stream.indirect.gather [hbm4b:s3+s7], $0x20, s29, s7, $0xb8;
	[tilespmem:$0x15000] =	vst v63  }
0x28: {  	s0 =	simm.s32 $0x1F8;
	s28 =	simm.s32 $0xAF00  }
0x29: {  	[tilespmem:s28], [sflag:$0x1] =	stream.indirect.gather [hbm4b:s3+s7], $0x20, s0, s7, $0xb8;
	[tilespmem:$0x15000] =	vst v63  }
0x2a: {  	s1 =	simm.s32 $0x230;
	s0 =	simm.s32 $0xB600  }
0x2b: {  	[tilespmem:s0], [sflag:$0x1] =	stream.indirect.gather [hbm4b:s3+s7], $0x20, s1, s7, $0xb8;
	[tilespmem:$0x15000] =	vst v63  }
0x2c: {  	s4 =	simm.s32 $0x268;
	s1 =	simm.s32 $0xBD00  }
0x2d: {  	[tilespmem:s1], [sflag:$0x1] =	stream.indirect.gather [hbm4b:s3+s7], $0x20, s4, s7, $0xb8;
	[tilespmem:$0x15000] =	vst v63  }
0x2e: {  	s5 =	simm.s32 $0x2A0;
	s8 =	simm.s32 $0xC400  }
0x2f: {  	[tilespmem:s8], [sflag:$0x1] =	stream.indirect.gather [hbm4b:s3+s7], $0x20, s5, s7, $0xb8;
	[tilespmem:$0x15000] =	vst v63  }
0x30: {  	s9 =	simm.s32 $0x2D8;
	s4 =	simm.s32 $0xCB00  }
0x31: {  	[tilespmem:s4], [sflag:$0x1] =	stream.indirect.gather [hbm4b:s3+s7], $0x20, s9, s7, $0xb8;
	[tilespmem:$0x15000] =	vst v63  }
0x32: {  	s19 =	simm.s32 $0x310;
	s5 =	simm.s32 $0xD200  }
0x33: {  	[tilespmem:s5], [sflag:$0x1] =	stream.indirect.gather [hbm4b:s3+s7], $0x20, s19, s7, $0xb8;
	[tilespmem:$0x15000] =	vst v63  }
0x34: {  	s29 =	simm.s32 $0x348;
	s9 =	simm.s32 $0xD900  }
0x35: {  	[tilespmem:s9], [sflag:$0x1] =	stream.indirect.gather [hbm4b:s3+s7], $0x20, s29, s7, $0xb8;
	[tilespmem:$0x15000] =	vst v63  }
0x36: {  	_ =	swait.ge [sflag:s26], $0x700  }
0x37: {  	[sflag:s26] =	ssyncset.done $0x0  }
0x38: {  	[sflag:s26] =	ssyncadd.s32 $0xFFFFF900  }
0x39: {  	_ =	swait.ge [sflag:s26], $0x700  }
0x3a: {  	[sflag:s26] =	ssyncset.done $0x0  }
0x3b: {  	[sflag:s26] =	ssyncadd.s32 $0xFFFFF900  }
0x3c: {  	_ =	swait.ge [sflag:s26], $0x700  }
0x3d: {  	[sflag:s26] =	ssyncset.done $0x0  }
0x3e: {  	[sflag:s26] =	ssyncadd.s32 $0xFFFFF900  }
0x3f: {  	_ =	swait.ge [sflag:s26], $0x700  }
0x40: {  	[sflag:s26] =	ssyncset.done $0x0  }
0x41: {  	[sflag:s26] =	ssyncadd.s32 $0xFFFFF900  }
0x42: {  	_ =	swait.ge [sflag:s26], $0x700  }
0x43: {  	[sflag:s26] =	ssyncset.done $0x0  }
0x44: {  	[sflag:s26] =	ssyncadd.s32 $0xFFFFF900  }
0x45: {  	_ =	swait.ge [sflag:s26], $0x700  }
0x46: {  	[sflag:s26] =	ssyncset.done $0x0  }
0x47: {  	[sflag:s26] =	ssyncadd.s32 $0xFFFFF900  }
0x48: {  	_ =	swait.ge [sflag:s26], $0x700  }
0x49: {  	[sflag:s26] =	ssyncset.done $0x0  }
0x4a: {  	[sflag:s26] =	ssyncadd.s32 $0xFFFFF900  }
0x4b: {  	_ =	swait.ge [sflag:s26], $0x700  }
0x4c: {  	[sflag:s26] =	ssyncset.done $0x0  }
0x4d: {  	[sflag:s26] =	ssyncadd.s32 $0xFFFFF900  }
0x4e: {  	_ =	swait.ge [sflag:s26], $0x700  }
0x4f: {  	[sflag:s26] =	ssyncset.done $0x0  }
0x50: {  	[sflag:s26] =	ssyncadd.s32 $0xFFFFF900  }
0x51: {  	_ =	swait.ge [sflag:s26], $0x700  }
0x52: {  	[sflag:s26] =	ssyncset.done $0x0  }
0x53: {  	[sflag:s26] =	ssyncadd.s32 $0xFFFFF900  }
0x54: {  	_ =	swait.ge [sflag:s26], $0x700  }
0x55: {  	[sflag:s26] =	ssyncset.done $0x0  }
0x56: {  	[sflag:s26] =	ssyncadd.s32 $0xFFFFF900  }
0x57: {  	_ =	swait.ge [sflag:s26], $0x700  }
0x58: {  	[sflag:s26] =	ssyncset.done $0x0  }
0x59: {  	[sflag:s26] =	ssyncadd.s32 $0xFFFFF900  }
0x5a: {  	_ =	swait.ge [sflag:s26], $0x700  }
0x5b: {  	[sflag:s26] =	ssyncset.done $0x0  }
0x5c: {  	[sflag:s26] =	ssyncadd.s32 $0xFFFFF900  }
0x5d: {  	_ =	swait.ge [sflag:s26], $0x700  }
0x5e: {  	[sflag:s26] =	ssyncset.done $0x0  }
0x5f: {  	[sflag:s26] =	ssyncadd.s32 $0xFFFFF900  }
0x60: {  	_ =	swait.ge [sflag:s26], $0x700  }
0x61: {  	[sflag:s26] =	ssyncset.done $0x0  }
0x62: {  	[sflag:s26] =	ssyncadd.s32 $0xFFFFF900  }
0x63: {  	_ =	swait.ge [sflag:s26], $0x700  }
0x64: {  	[sflag:s26] =	ssyncset.done $0x0  }
0x65: {  	s19 =	rddreg [dreg:$0x5];
	[sflag:s26] =	ssyncadd.s32 $0xFFFFF900  }
0x66: {  	[hbm4b:s19+s2] =	stream.linear.scatter [tilespmem:s16], [sflag:$0x2], $0x640, $0x38;
	[tilespmem:$0x15000] =	vst v63  }
0x67: {  	s16 =	sadd.s32 $0xC8, s19  }
0x68: {  	[hbm4b:s16+s2] =	stream.linear.scatter [tilespmem:s17], [sflag:$0x2], $0x640, $0x38;
	[tilespmem:$0x15000] =	vst v63  }
0x69: {  	s17 =	sadd.s32 $0x190, s19  }
0x6a: {  	[hbm4b:s17+s2] =	stream.linear.scatter [tilespmem:s18], [sflag:$0x2], $0x640, $0x38;
	[tilespmem:$0x15000] =	vst v63  }
0x6b: {  	s18 =	sadd.s32 $0x258, s19  }
0x6c: {  	[hbm4b:s18+s2] =	stream.linear.scatter [tilespmem:s20], [sflag:$0x2], $0x640, $0x38;
	[tilespmem:$0x15000] =	vst v63  }
0x6d: {  	s20 =	sadd.s32 $0x320, s19  }
0x6e: {  	[hbm4b:s20+s2] =	stream.linear.scatter [tilespmem:s21], [sflag:$0x2], $0x640, $0x38;
	[tilespmem:$0x15000] =	vst v63  }
0x6f: {  	s21 =	sadd.s32 $0x3E8, s19  }
0x70: {  	[hbm4b:s21+s2] =	stream.linear.scatter [tilespmem:s22], [sflag:$0x2], $0x640, $0x38;
	[tilespmem:$0x15000] =	vst v63  }
0x71: {  	s22 =	sadd.s32 $0x4B0, s19  }
0x72: {  	[hbm4b:s22+s2] =	stream.linear.scatter [tilespmem:s23], [sflag:$0x2], $0x640, $0x38;
	[tilespmem:$0x15000] =	vst v63  }
0x73: {  	s23 =	sadd.s32 $0x578, s19  }
0x74: {  	[hbm4b:s23+s2] =	stream.linear.scatter [tilespmem:s24], [sflag:$0x2], $0x640, $0x38;
	[tilespmem:$0x15000] =	vst v63  }
0x75: {  	s24 =	sadd.s32 $0x640, s19  }
0x76: {  	[hbm4b:s24+s2] =	stream.linear.scatter [tilespmem:s25], [sflag:$0x2], $0x640, $0x38;
	[tilespmem:$0x15000] =	vst v63  }
0x77: {  	s25 =	sadd.s32 $0x708, s19  }
0x78: {  	[hbm4b:s25+s2] =	stream.linear.scatter [tilespmem:s28], [sflag:$0x2], $0x640, $0x38;
	[tilespmem:$0x15000] =	vst v63  }
0x79: {  	s28 =	sadd.s32 $0x7D0, s19  }
0x7a: {  	[hbm4b:s28+s2] =	stream.linear.scatter [tilespmem:s0], [sflag:$0x2], $0x640, $0x38;
	[tilespmem:$0x15000] =	vst v63  }
0x7b: {  	s29 =	sadd.s32 $0x898, s19  }
0x7c: {  	[hbm4b:s29+s2] =	stream.linear.scatter [tilespmem:s1], [sflag:$0x2], $0x640, $0x38;
	[tilespmem:$0x15000] =	vst v63  }
0x7d: {  	s0 =	sadd.s32 $0x960, s19  }
0x7e: {  	[hbm4b:s0+s2] =	stream.linear.scatter [tilespmem:s8], [sflag:$0x2], $0x640, $0x38;
	[tilespmem:$0x15000] =	vst v63  }
0x7f: {  	s1 =	sadd.s32 $0xA28, s19  }
0x80: {  	[hbm4b:s1+s2] =	stream.linear.scatter [tilespmem:s4], [sflag:$0x2], $0x640, $0x38;
	[tilespmem:$0x15000] =	vst v63  }
0x81: {  	s4 =	sadd.s32 $0xAF0, s19  }
0x82: {  	[hbm4b:s4+s2] =	stream.linear.scatter [tilespmem:s5], [sflag:$0x2], $0x640, $0x38;
	[tilespmem:$0x15000] =	vst v63  }
0x83: {  	s16 =	simm.s32 @!p0 $0x3;
	s8 =	sadd.s32 $0xBB8, s19  }
0x84: {  	[hbm4b:s8+s2] =	stream.linear.scatter [tilespmem:s9], [sflag:$0x2], $0x640, $0x38;
	[tilespmem:$0x15000] =	vst v63  }
0x85: {  	_ =	swait.ge @!p0 [sflag:s16], $0x6400  }
0x86: {  	[sflag:s16] =	ssyncset.done @!p0 $0x0  }
0x87: {  	s17 =	simm.s32 $0x380;
	s0 =	simm.s32 $0xE000;
	[sflag:s16] =	ssyncadd.s32 @!p0 $0xFFFF9C00  }
0x88: {  	[tilespmem:s0], [sflag:$0x1] =	stream.indirect.gather [hbm4b:s3+s7], $0x20, s17, s7, $0xb8;
	[tilespmem:$0x15000] =	vst v63  }
0x89: {  	s18 =	simm.s32 $0x3B8;
	s1 =	simm.s32 $0xE700  }
0x8a: {  	[tilespmem:s1], [sflag:$0x1] =	stream.indirect.gather [hbm4b:s3+s7], $0x20, s18, s7, $0xb8;
	[tilespmem:$0x15000] =	vst v63  }
0x8b: {  	s20 =	simm.s32 $0x3F0;
	s4 =	simm.s32 $0xEE00  }
0x8c: {  	[tilespmem:s4], [sflag:$0x1] =	stream.indirect.gather [hbm4b:s3+s7], $0x20, s20, s7, $0xb8;
	[tilespmem:$0x15000] =	vst v63  }
0x8d: {  	s21 =	simm.s32 $0x428;
	s5 =	simm.s32 $0xF500  }
0x8e: {  	[tilespmem:s5], [sflag:$0x1] =	stream.indirect.gather [hbm4b:s3+s7], $0x20, s21, s7, $0xb8;
	[tilespmem:$0x15000] =	vst v63  }
0x8f: {  	s22 =	simm.s32 $0x460;
	s8 =	simm.s32 $0xFC00  }
0x90: {  	[tilespmem:s8], [sflag:$0x1] =	stream.indirect.gather [hbm4b:s3+s7], $0x20, s22, s7, $0xb8;
	[tilespmem:$0x15000] =	vst v63  }
0x91: {  	s23 =	simm.s32 $0x498;
	s9 =	simm.s32 $0x10300  }
0x92: {  	[tilespmem:s9], [sflag:$0x1] =	stream.indirect.gather [hbm4b:s3+s7], $0x20, s23, s7, $0xb8;
	[tilespmem:$0x15000] =	vst v63  }
0x93: {  	s24 =	simm.s32 $0x4D0;
	s16 =	simm.s32 $0x10A00  }
0x94: {  	[tilespmem:s16], [sflag:$0x1] =	stream.indirect.gather [hbm4b:s3+s7], $0x20, s24, s7, $0xb8;
	[tilespmem:$0x15000] =	vst v63  }
0x95: {  	s25 =	simm.s32 $0x508;
	s17 =	simm.s32 $0x11100  }
0x96: {  	[tilespmem:s17], [sflag:$0x1] =	stream.indirect.gather [hbm4b:s3+s7], $0x20, s25, s7, $0xb8;
	[tilespmem:$0x15000] =	vst v63  }
0x97: {  	s28 =	simm.s32 $0x540;
	s18 =	simm.s32 $0x11800  }
0x98: {  	[tilespmem:s18], [sflag:$0x1] =	stream.indirect.gather [hbm4b:s3+s7], $0x20, s28, s7, $0xb8;
	[tilespmem:$0x15000] =	vst v63  }
0x99: {  	s29 =	simm.s32 $0x578;
	s20 =	simm.s32 $0x11F00  }
0x9a: {  	[tilespmem:s20], [sflag:$0x1] =	stream.indirect.gather [hbm4b:s3+s7], $0x20, s29, s7, $0xb8;
	[tilespmem:$0x15000] =	vst v63  }
0x9b: {  	s21 =	simm.s32 $0x5B0  }
0x9c: {  	[tilespmem:s6], [sflag:$0x1] =	stream.indirect.gather [hbm4b:s3+s7], $0x20, s21, s7, $0xb8;
	[tilespmem:$0x15000] =	vst v63  }
0x9d: {  	s22 =	simm.s32 $0x5E8  }
0x9e: {  	[tilespmem:s10], [sflag:$0x1] =	stream.indirect.gather [hbm4b:s3+s7], $0x20, s22, s7, $0xb8;
	[tilespmem:$0x15000] =	vst v63  }
0x9f: {  	s23 =	simm.s32 $0x620  }
0xa0: {  	[tilespmem:s11], [sflag:$0x1] =	stream.indirect.gather [hbm4b:s3+s7], $0x20, s23, s7, $0xb8;
	[tilespmem:$0x15000] =	vst v63  }
0xa1: {  	s24 =	simm.s32 $0x658  }
0xa2: {  	[tilespmem:s12], [sflag:$0x1] =	stream.indirect.gather [hbm4b:s3+s7], $0x20, s24, s7, $0xb8;
	[tilespmem:$0x15000] =	vst v63  }
0xa3: {  	s25 =	simm.s32 $0x690  }
0xa4: {  	[tilespmem:s13], [sflag:$0x1] =	stream.indirect.gather [hbm4b:s3+s7], $0x20, s25, s7, $0xb8;
	[tilespmem:$0x15000] =	vst v63  }
0xa5: {  	s28 =	simm.s32 $0x6C8  }
0xa6: {  	[tilespmem:s14], [sflag:$0x1] =	stream.indirect.gather [hbm4b:s3+s7], $0x20, s28, s7, $0xb8;
	[tilespmem:$0x15000] =	vst v63  }
0xa7: {  	_ =	swait.ge [sflag:s26], $0x700  }
0xa8: {  	[sflag:s26] =	ssyncset.done $0x0  }
0xa9: {  	[sflag:s26] =	ssyncadd.s32 $0xFFFFF900  }
0xaa: {  	_ =	swait.ge [sflag:s26], $0x700  }
0xab: {  	[sflag:s26] =	ssyncset.done $0x0  }
0xac: {  	[sflag:s26] =	ssyncadd.s32 $0xFFFFF900  }
0xad: {  	_ =	swait.ge [sflag:s26], $0x700  }
0xae: {  	[sflag:s26] =	ssyncset.done $0x0  }
0xaf: {  	[sflag:s26] =	ssyncadd.s32 $0xFFFFF900  }
0xb0: {  	_ =	swait.ge [sflag:s26], $0x700  }
0xb1: {  	[sflag:s26] =	ssyncset.done $0x0  }
0xb2: {  	[sflag:s26] =	ssyncadd.s32 $0xFFFFF900  }
0xb3: {  	_ =	swait.ge [sflag:s26], $0x700  }
0xb4: {  	[sflag:s26] =	ssyncset.done $0x0  }
0xb5: {  	[sflag:s26] =	ssyncadd.s32 $0xFFFFF900  }
0xb6: {  	_ =	swait.ge [sflag:s26], $0x700  }
0xb7: {  	[sflag:s26] =	ssyncset.done $0x0  }
0xb8: {  	[sflag:s26] =	ssyncadd.s32 $0xFFFFF900  }
0xb9: {  	_ =	swait.ge [sflag:s26], $0x700  }
0xba: {  	[sflag:s26] =	ssyncset.done $0x0  }
0xbb: {  	[sflag:s26] =	ssyncadd.s32 $0xFFFFF900  }
0xbc: {  	_ =	swait.ge [sflag:s26], $0x700  }
0xbd: {  	[sflag:s26] =	ssyncset.done $0x0  }
0xbe: {  	[sflag:s26] =	ssyncadd.s32 $0xFFFFF900  }
0xbf: {  	_ =	swait.ge [sflag:s26], $0x700  }
0xc0: {  	[sflag:s26] =	ssyncset.done $0x0  }
0xc1: {  	[sflag:s26] =	ssyncadd.s32 $0xFFFFF900  }
0xc2: {  	_ =	swait.ge [sflag:s26], $0x700  }
0xc3: {  	[sflag:s26] =	ssyncset.done $0x0  }
0xc4: {  	[sflag:s26] =	ssyncadd.s32 $0xFFFFF900  }
0xc5: {  	_ =	swait.ge [sflag:s26], $0x700  }
0xc6: {  	[sflag:s26] =	ssyncset.done $0x0  }
0xc7: {  	[sflag:s26] =	ssyncadd.s32 $0xFFFFF900  }
0xc8: {  	_ =	swait.ge [sflag:s26], $0x700  }
0xc9: {  	[sflag:s26] =	ssyncset.done $0x0  }
0xca: {  	[sflag:s26] =	ssyncadd.s32 $0xFFFFF900  }
0xcb: {  	_ =	swait.ge [sflag:s26], $0x700  }
0xcc: {  	[sflag:s26] =	ssyncset.done $0x0  }
0xcd: {  	[sflag:s26] =	ssyncadd.s32 $0xFFFFF900  }
0xce: {  	_ =	swait.ge [sflag:s26], $0x700  }
0xcf: {  	[sflag:s26] =	ssyncset.done $0x0  }
0xd0: {  	[sflag:s26] =	ssyncadd.s32 $0xFFFFF900  }
0xd1: {  	_ =	swait.ge [sflag:s26], $0x700  }
0xd2: {  	[sflag:s26] =	ssyncset.done $0x0  }
0xd3: {  	[sflag:s26] =	ssyncadd.s32 $0xFFFFF900  }
0xd4: {  	_ =	swait.ge [sflag:s26], $0x700  }
0xd5: {  	[sflag:s26] =	ssyncset.done $0x0  }
0xd6: {  	s29 =	sadd.s32 $0xC80, s19;
	[sflag:s26] =	ssyncadd.s32 $0xFFFFF900  }
0xd7: {  	[hbm4b:s29+s2] =	stream.linear.scatter [tilespmem:s0], [sflag:$0x3], $0x640, $0x38;
	[tilespmem:$0x15000] =	vst v63  }
0xd8: {  	s0 =	sadd.s32 $0xD48, s19  }
0xd9: {  	[hbm4b:s0+s2] =	stream.linear.scatter [tilespmem:s1], [sflag:$0x3], $0x640, $0x38;
	[tilespmem:$0x15000] =	vst v63  }
0xda: {  	s1 =	sadd.s32 $0xE10, s19  }
0xdb: {  	[hbm4b:s1+s2] =	stream.linear.scatter [tilespmem:s4], [sflag:$0x3], $0x640, $0x38;
	[tilespmem:$0x15000] =	vst v63  }
0xdc: {  	s4 =	sadd.s32 $0xED8, s19  }
0xdd: {  	[hbm4b:s4+s2] =	stream.linear.scatter [tilespmem:s5], [sflag:$0x3], $0x640, $0x38;
	[tilespmem:$0x15000] =	vst v63  }
0xde: {  	s5 =	sadd.s32 $0xFA0, s19  }
0xdf: {  	[hbm4b:s5+s2] =	stream.linear.scatter [tilespmem:s8], [sflag:$0x3], $0x640, $0x38;
	[tilespmem:$0x15000] =	vst v63  }
0xe0: {  	s8 =	sadd.s32 $0x1068, s19  }
0xe1: {  	[hbm4b:s8+s2] =	stream.linear.scatter [tilespmem:s9], [sflag:$0x3], $0x640, $0x38;
	[tilespmem:$0x15000] =	vst v63  }
0xe2: {  	s9 =	sadd.s32 $0x1130, s19  }
0xe3: {  	[hbm4b:s9+s2] =	stream.linear.scatter [tilespmem:s16], [sflag:$0x3], $0x640, $0x38;
	[tilespmem:$0x15000] =	vst v63  }
0xe4: {  	s16 =	sadd.s32 $0x11F8, s19  }
0xe5: {  	[hbm4b:s16+s2] =	stream.linear.scatter [tilespmem:s17], [sflag:$0x3], $0x640, $0x38;
	[tilespmem:$0x15000] =	vst v63  }
0xe6: {  	s21 =	sadd.s32 $0x12C0, s19  }
0xe7: {  	[hbm4b:s21+s2] =	stream.linear.scatter [tilespmem:s18], [sflag:$0x3], $0x640, $0x38;
	[tilespmem:$0x15000] =	vst v63  }
0xe8: {  	s22 =	sadd.s32 $0x1388, s19  }
0xe9: {  	[hbm4b:s22+s2] =	stream.linear.scatter [tilespmem:s20], [sflag:$0x3], $0x640, $0x38;
	[tilespmem:$0x15000] =	vst v63  }
0xea: {  	s23 =	sadd.s32 $0x1450, s19  }
0xeb: {  	[hbm4b:s23+s2] =	stream.linear.scatter [tilespmem:s6], [sflag:$0x3], $0x640, $0x38;
	[tilespmem:$0x15000] =	vst v63  }
0xec: {  	s24 =	sadd.s32 $0x1518, s19  }
0xed: {  	[hbm4b:s24+s2] =	stream.linear.scatter [tilespmem:s10], [sflag:$0x3], $0x640, $0x38;
	[tilespmem:$0x15000] =	vst v63  }
0xee: {  	p6 =	por $0x0, $0x0;
	s15 =	sadd.s32 $0x1900, s19;
	s25 =	sadd.s32 $0x15E0, s19  }
0xef: {  	[hbm4b:s25+s2] =	stream.linear.scatter [tilespmem:s11], [sflag:$0x3], $0x640, $0x38;
	[tilespmem:$0x15000] =	vst v63  }
0xf0: {  	p0 =	por p6, p6;
	s28 =	sadd.s32 $0x16A8, s19;
	s29 =	sadd.s32 $0x1770, s19  }
0xf1: {  	[hbm4b:s28+s2] =	stream.linear.scatter [tilespmem:s12], [sflag:$0x3], $0x640, $0x38;
	[tilespmem:$0x15000] =	vst v63  }
0xf2: {  	s16 =	simm.s32 $0x1C00;
	s17 =	simm.s32 $0x3800;
	s18 =	sadd.s32 $0x1838, s19  }
0xf3: {  	[hbm4b:s29+s2] =	stream.linear.scatter [tilespmem:s13], [sflag:$0x3], $0x640, $0x38;
	[tilespmem:$0x15000] =	vst v63  }
.LBB2_2:
0xf4: {  	[hbm4b:s18+s2] =	stream.linear.scatter [tilespmem:s14], [sflag:$0x3], $0x640, $0x38;
	[tilespmem:$0x15000] =	vst v63  }
0xf5: {  	s19 =	smov.u32 s17  }
0xf6: {  	s17 =	sadd.s32 $0x1C00, s17;
	s18 =	simm.s32 @!p0 $0x2;
	p2 =	seq.s32 s19, $0x0  }
0xf7: {  	p1 =	sne.s32 s17, $0x1C000;
	_ =	swait.ge @!p0 [sflag:s18], $0x6400  }
0xf8: {  	s20 =	simm.s32 $0x7000;
	[sflag:s18] =	ssyncset.done @!p0 $0x0  }
0xf9: {  	[sflag:s18] =	ssyncadd.s32 @!p0 $0xFFFF9C00;
	s18 =	sshra.s32 s16, $0x2;
	s16 =	smov.u32 s19  }
0xfa: {  	[tilespmem:s20], [sflag:$0x1] =	stream.indirect.gather [hbm4b:s3+s7], $0x20, s18, s7, $0xb8;
	[tilespmem:$0x15000] =	vst v63  }
0xfb: {  	s21 =	simm.s32 $0x7700;
	s19 =	sadd.s32 $0x38, s18  }
0xfc: {  	[tilespmem:s21], [sflag:$0x1] =	stream.indirect.gather [hbm4b:s3+s7], $0x20, s19, s7, $0xb8;
	[tilespmem:$0x15000] =	vst v63  }
0xfd: {  	s22 =	simm.s32 $0x7E00;
	s19 =	sadd.s32 $0x70, s18  }
0xfe: {  	[tilespmem:s22], [sflag:$0x1] =	stream.indirect.gather [hbm4b:s3+s7], $0x20, s19, s7, $0xb8;
	[tilespmem:$0x15000] =	vst v63  }
0xff: {  	s23 =	simm.s32 $0x8500;
	s19 =	sadd.s32 $0xA8, s18  }
0x100: {  	[tilespmem:s23], [sflag:$0x1] =	stream.indirect.gather [hbm4b:s3+s7], $0x20, s19, s7, $0xb8;
	[tilespmem:$0x15000] =	vst v63  }
0x101: {  	s24 =	simm.s32 $0x8C00;
	s19 =	sadd.s32 $0xE0, s18  }
0x102: {  	[tilespmem:s24], [sflag:$0x1] =	stream.indirect.gather [hbm4b:s3+s7], $0x20, s19, s7, $0xb8;
	[tilespmem:$0x15000] =	vst v63  }
0x103: {  	s25 =	simm.s32 $0x9300;
	s19 =	sadd.s32 $0x118, s18  }
0x104: {  	[tilespmem:s25], [sflag:$0x1] =	stream.indirect.gather [hbm4b:s3+s7], $0x20, s19, s7, $0xb8;
	[tilespmem:$0x15000] =	vst v63  }
0x105: {  	s28 =	simm.s32 $0x9A00;
	s19 =	sadd.s32 $0x150, s18  }
0x106: {  	[tilespmem:s28], [sflag:$0x1] =	stream.indirect.gather [hbm4b:s3+s7], $0x20, s19, s7, $0xb8;
	[tilespmem:$0x15000] =	vst v63  }
0x107: {  	s29 =	simm.s32 $0xA100;
	s19 =	sadd.s32 $0x188, s18  }
0x108: {  	[tilespmem:s29], [sflag:$0x1] =	stream.indirect.gather [hbm4b:s3+s7], $0x20, s19, s7, $0xb8;
	[tilespmem:$0x15000] =	vst v63  }
0x109: {  	s19 =	sadd.s32 $0x1C0, s18  }
0x10a: {  	[tilespmem:s30], [sflag:$0x1] =	stream.indirect.gather [hbm4b:s3+s7], $0x20, s19, s7, $0xb8;
	[tilespmem:$0x15000] =	vst v63  }
0x10b: {  	s19 =	sadd.s32 $0x1F8, s18  }
0x10c: {  	[tilespmem:s31], [sflag:$0x1] =	stream.indirect.gather [hbm4b:s3+s7], $0x20, s19, s7, $0xb8;
	[tilespmem:$0x15000] =	vst v63  }
0x10d: {  	s0 =	simm.s32 $0xB600;
	s19 =	sadd.s32 $0x230, s18  }
0x10e: {  	[tilespmem:s0], [sflag:$0x1] =	stream.indirect.gather [hbm4b:s3+s7], $0x20, s19, s7, $0xb8;
	[tilespmem:$0x15000] =	vst v63  }
0x10f: {  	s1 =	simm.s32 $0xBD00;
	s19 =	sadd.s32 $0x268, s18  }
0x110: {  	[tilespmem:s1], [sflag:$0x1] =	stream.indirect.gather [hbm4b:s3+s7], $0x20, s19, s7, $0xb8;
	[tilespmem:$0x15000] =	vst v63  }
0x111: {  	s8 =	simm.s32 $0xC400;
	s19 =	sadd.s32 $0x2A0, s18  }
0x112: {  	[tilespmem:s8], [sflag:$0x1] =	stream.indirect.gather [hbm4b:s3+s7], $0x20, s19, s7, $0xb8;
	[tilespmem:$0x15000] =	vst v63  }
0x113: {  	s4 =	simm.s32 $0xCB00;
	s19 =	sadd.s32 $0x2D8, s18  }
0x114: {  	[tilespmem:s4], [sflag:$0x1] =	stream.indirect.gather [hbm4b:s3+s7], $0x20, s19, s7, $0xb8;
	[tilespmem:$0x15000] =	vst v63  }
0x115: {  	s5 =	simm.s32 $0xD200;
	s19 =	sadd.s32 $0x310, s18  }
0x116: {  	[tilespmem:s5], [sflag:$0x1] =	stream.indirect.gather [hbm4b:s3+s7], $0x20, s19, s7, $0xb8;
	[tilespmem:$0x15000] =	vst v63  }
0x117: {  	s9 =	simm.s32 $0xD900;
	s19 =	sadd.s32 $0x348, s18  }
0x118: {  	[tilespmem:s9], [sflag:$0x1] =	stream.indirect.gather [hbm4b:s3+s7], $0x20, s19, s7, $0xb8;
	[tilespmem:$0x15000] =	vst v63  }
0x119: {  	_ =	swait.ge [sflag:s26], $0x700  }
0x11a: {  	[sflag:s26] =	ssyncset.done $0x0  }
0x11b: {  	[sflag:s26] =	ssyncadd.s32 $0xFFFFF900  }
0x11c: {  	_ =	swait.ge [sflag:s26], $0x700  }
0x11d: {  	[sflag:s26] =	ssyncset.done $0x0  }
0x11e: {  	[sflag:s26] =	ssyncadd.s32 $0xFFFFF900  }
0x11f: {  	_ =	swait.ge [sflag:s26], $0x700  }
0x120: {  	[sflag:s26] =	ssyncset.done $0x0  }
0x121: {  	[sflag:s26] =	ssyncadd.s32 $0xFFFFF900  }
0x122: {  	_ =	swait.ge [sflag:s26], $0x700  }
0x123: {  	[sflag:s26] =	ssyncset.done $0x0  }
0x124: {  	[sflag:s26] =	ssyncadd.s32 $0xFFFFF900  }
0x125: {  	_ =	swait.ge [sflag:s26], $0x700  }
0x126: {  	[sflag:s26] =	ssyncset.done $0x0  }
0x127: {  	[sflag:s26] =	ssyncadd.s32 $0xFFFFF900  }
0x128: {  	_ =	swait.ge [sflag:s26], $0x700  }
0x129: {  	[sflag:s26] =	ssyncset.done $0x0  }
0x12a: {  	[sflag:s26] =	ssyncadd.s32 $0xFFFFF900  }
0x12b: {  	_ =	swait.ge [sflag:s26], $0x700  }
0x12c: {  	[sflag:s26] =	ssyncset.done $0x0  }
0x12d: {  	[sflag:s26] =	ssyncadd.s32 $0xFFFFF900  }
0x12e: {  	_ =	swait.ge [sflag:s26], $0x700  }
0x12f: {  	[sflag:s26] =	ssyncset.done $0x0  }
0x130: {  	[sflag:s26] =	ssyncadd.s32 $0xFFFFF900  }
0x131: {  	_ =	swait.ge [sflag:s26], $0x700  }
0x132: {  	[sflag:s26] =	ssyncset.done $0x0  }
0x133: {  	[sflag:s26] =	ssyncadd.s32 $0xFFFFF900  }
0x134: {  	_ =	swait.ge [sflag:s26], $0x700  }
0x135: {  	[sflag:s26] =	ssyncset.done $0x0  }
0x136: {  	[sflag:s26] =	ssyncadd.s32 $0xFFFFF900  }
0x137: {  	_ =	swait.ge [sflag:s26], $0x700  }
0x138: {  	[sflag:s26] =	ssyncset.done $0x0  }
0x139: {  	[sflag:s26] =	ssyncadd.s32 $0xFFFFF900  }
0x13a: {  	_ =	swait.ge [sflag:s26], $0x700  }
0x13b: {  	[sflag:s26] =	ssyncset.done $0x0  }
0x13c: {  	[sflag:s26] =	ssyncadd.s32 $0xFFFFF900  }
0x13d: {  	_ =	swait.ge [sflag:s26], $0x700  }
0x13e: {  	[sflag:s26] =	ssyncset.done $0x0  }
0x13f: {  	[sflag:s26] =	ssyncadd.s32 $0xFFFFF900  }
0x140: {  	_ =	swait.ge [sflag:s26], $0x700  }
0x141: {  	[sflag:s26] =	ssyncset.done $0x0  }
0x142: {  	[sflag:s26] =	ssyncadd.s32 $0xFFFFF900  }
0x143: {  	_ =	swait.ge [sflag:s26], $0x700  }
0x144: {  	[sflag:s26] =	ssyncset.done $0x0  }
0x145: {  	[sflag:s26] =	ssyncadd.s32 $0xFFFFF900  }
0x146: {  	_ =	swait.ge [sflag:s26], $0x700  }
0x147: {  	[sflag:s26] =	ssyncset.done $0x0  }
0x148: {  	[sflag:s26] =	ssyncadd.s32 $0xFFFFF900  }
0x149: {  	[hbm4b:s15+s2] =	stream.linear.scatter [tilespmem:s20], [sflag:$0x2], $0x640, $0x38;
	[tilespmem:$0x15000] =	vst v63  }
0x14a: {  	s19 =	sadd.s32 $0xC8, s15  }
0x14b: {  	[hbm4b:s19+s2] =	stream.linear.scatter [tilespmem:s21], [sflag:$0x2], $0x640, $0x38;
	[tilespmem:$0x15000] =	vst v63  }
0x14c: {  	s19 =	sadd.s32 $0x190, s15  }
0x14d: {  	[hbm4b:s19+s2] =	stream.linear.scatter [tilespmem:s22], [sflag:$0x2], $0x640, $0x38;
	[tilespmem:$0x15000] =	vst v63  }
0x14e: {  	s19 =	sadd.s32 $0x258, s15  }
0x14f: {  	[hbm4b:s19+s2] =	stream.linear.scatter [tilespmem:s23], [sflag:$0x2], $0x640, $0x38;
	[tilespmem:$0x15000] =	vst v63  }
0x150: {  	s19 =	sadd.s32 $0x320, s15  }
0x151: {  	[hbm4b:s19+s2] =	stream.linear.scatter [tilespmem:s24], [sflag:$0x2], $0x640, $0x38;
	[tilespmem:$0x15000] =	vst v63  }
0x152: {  	s19 =	sadd.s32 $0x3E8, s15  }
0x153: {  	[hbm4b:s19+s2] =	stream.linear.scatter [tilespmem:s25], [sflag:$0x2], $0x640, $0x38;
	[tilespmem:$0x15000] =	vst v63  }
0x154: {  	s19 =	sadd.s32 $0x4B0, s15  }
0x155: {  	[hbm4b:s19+s2] =	stream.linear.scatter [tilespmem:s28], [sflag:$0x2], $0x640, $0x38;
	[tilespmem:$0x15000] =	vst v63  }
0x156: {  	s19 =	sadd.s32 $0x578, s15  }
0x157: {  	[hbm4b:s19+s2] =	stream.linear.scatter [tilespmem:s29], [sflag:$0x2], $0x640, $0x38;
	[tilespmem:$0x15000] =	vst v63  }
0x158: {  	s19 =	sadd.s32 $0x640, s15  }
0x159: {  	[hbm4b:s19+s2] =	stream.linear.scatter [tilespmem:s30], [sflag:$0x2], $0x640, $0x38;
	[tilespmem:$0x15000] =	vst v63  }
0x15a: {  	s19 =	sadd.s32 $0x708, s15  }
0x15b: {  	[hbm4b:s19+s2] =	stream.linear.scatter [tilespmem:s31], [sflag:$0x2], $0x640, $0x38;
	[tilespmem:$0x15000] =	vst v63  }
0x15c: {  	s19 =	sadd.s32 $0x7D0, s15  }
0x15d: {  	[hbm4b:s19+s2] =	stream.linear.scatter [tilespmem:s0], [sflag:$0x2], $0x640, $0x38;
	[tilespmem:$0x15000] =	vst v63  }
0x15e: {  	s19 =	sadd.s32 $0x898, s15  }
0x15f: {  	[hbm4b:s19+s2] =	stream.linear.scatter [tilespmem:s1], [sflag:$0x2], $0x640, $0x38;
	[tilespmem:$0x15000] =	vst v63  }
0x160: {  	s19 =	sadd.s32 $0x960, s15  }
0x161: {  	[hbm4b:s19+s2] =	stream.linear.scatter [tilespmem:s8], [sflag:$0x2], $0x640, $0x38;
	[tilespmem:$0x15000] =	vst v63  }
0x162: {  	s19 =	sadd.s32 $0xA28, s15  }
0x163: {  	[hbm4b:s19+s2] =	stream.linear.scatter [tilespmem:s4], [sflag:$0x2], $0x640, $0x38;
	[tilespmem:$0x15000] =	vst v63  }
0x164: {  	s19 =	sadd.s32 $0xAF0, s15  }
0x165: {  	[hbm4b:s19+s2] =	stream.linear.scatter [tilespmem:s5], [sflag:$0x2], $0x640, $0x38;
	[tilespmem:$0x15000] =	vst v63  }
0x166: {  	s20 =	simm.s32 @!p0 $0x3;
	s19 =	sadd.s32 $0xBB8, s15  }
0x167: {  	[hbm4b:s19+s2] =	stream.linear.scatter [tilespmem:s9], [sflag:$0x2], $0x640, $0x38;
	[tilespmem:$0x15000] =	vst v63  }
0x168: {  	_ =	swait.ge @!p0 [sflag:s20], $0x6400  }
0x169: {  	s0 =	simm.s32 $0xE000;
	[sflag:s20] =	ssyncset.done @!p0 $0x0  }
0x16a: {  	s19 =	sadd.s32 $0x380, s18;
	[sflag:s20] =	ssyncadd.s32 @!p0 $0xFFFF9C00;
	p0 =	por p2, p2  }
0x16b: {  	[tilespmem:s0], [sflag:$0x1] =	stream.indirect.gather [hbm4b:s3+s7], $0x20, s19, s7, $0xb8;
	[tilespmem:$0x15000] =	vst v63  }
0x16c: {  	s1 =	simm.s32 $0xE700;
	s19 =	sadd.s32 $0x3B8, s18  }
0x16d: {  	[tilespmem:s1], [sflag:$0x1] =	stream.indirect.gather [hbm4b:s3+s7], $0x20, s19, s7, $0xb8;
	[tilespmem:$0x15000] =	vst v63  }
0x16e: {  	s4 =	simm.s32 $0xEE00;
	s19 =	sadd.s32 $0x3F0, s18  }
0x16f: {  	[tilespmem:s4], [sflag:$0x1] =	stream.indirect.gather [hbm4b:s3+s7], $0x20, s19, s7, $0xb8;
	[tilespmem:$0x15000] =	vst v63  }
0x170: {  	s5 =	simm.s32 $0xF500;
	s19 =	sadd.s32 $0x428, s18  }
0x171: {  	[tilespmem:s5], [sflag:$0x1] =	stream.indirect.gather [hbm4b:s3+s7], $0x20, s19, s7, $0xb8;
	[tilespmem:$0x15000] =	vst v63  }
0x172: {  	s8 =	simm.s32 $0xFC00;
	s19 =	sadd.s32 $0x460, s18  }
0x173: {  	[tilespmem:s8], [sflag:$0x1] =	stream.indirect.gather [hbm4b:s3+s7], $0x20, s19, s7, $0xb8;
	[tilespmem:$0x15000] =	vst v63  }
0x174: {  	s9 =	simm.s32 $0x10300;
	s19 =	sadd.s32 $0x498, s18  }
0x175: {  	[tilespmem:s9], [sflag:$0x1] =	stream.indirect.gather [hbm4b:s3+s7], $0x20, s19, s7, $0xb8;
	[tilespmem:$0x15000] =	vst v63  }
0x176: {  	s20 =	simm.s32 $0x10A00;
	s19 =	sadd.s32 $0x4D0, s18  }
0x177: {  	[tilespmem:s20], [sflag:$0x1] =	stream.indirect.gather [hbm4b:s3+s7], $0x20, s19, s7, $0xb8;
	[tilespmem:$0x15000] =	vst v63  }
0x178: {  	s21 =	simm.s32 $0x11100;
	s19 =	sadd.s32 $0x508, s18  }
0x179: {  	[tilespmem:s21], [sflag:$0x1] =	stream.indirect.gather [hbm4b:s3+s7], $0x20, s19, s7, $0xb8;
	[tilespmem:$0x15000] =	vst v63  }
0x17a: {  	s22 =	simm.s32 $0x11800;
	s19 =	sadd.s32 $0x540, s18  }
0x17b: {  	[tilespmem:s22], [sflag:$0x1] =	stream.indirect.gather [hbm4b:s3+s7], $0x20, s19, s7, $0xb8;
	[tilespmem:$0x15000] =	vst v63  }
0x17c: {  	s23 =	simm.s32 $0x11F00;
	s19 =	sadd.s32 $0x578, s18  }
0x17d: {  	[tilespmem:s23], [sflag:$0x1] =	stream.indirect.gather [hbm4b:s3+s7], $0x20, s19, s7, $0xb8;
	[tilespmem:$0x15000] =	vst v63  }
0x17e: {  	s19 =	sadd.s32 $0x5B0, s18  }
0x17f: {  	[tilespmem:s6], [sflag:$0x1] =	stream.indirect.gather [hbm4b:s3+s7], $0x20, s19, s7, $0xb8;
	[tilespmem:$0x15000] =	vst v63  }
0x180: {  	s19 =	sadd.s32 $0x5E8, s18  }
0x181: {  	[tilespmem:s10], [sflag:$0x1] =	stream.indirect.gather [hbm4b:s3+s7], $0x20, s19, s7, $0xb8;
	[tilespmem:$0x15000] =	vst v63  }
0x182: {  	s19 =	sadd.s32 $0x620, s18  }
0x183: {  	[tilespmem:s11], [sflag:$0x1] =	stream.indirect.gather [hbm4b:s3+s7], $0x20, s19, s7, $0xb8;
	[tilespmem:$0x15000] =	vst v63  }
0x184: {  	s19 =	sadd.s32 $0x658, s18  }
0x185: {  	[tilespmem:s12], [sflag:$0x1] =	stream.indirect.gather [hbm4b:s3+s7], $0x20, s19, s7, $0xb8;
	[tilespmem:$0x15000] =	vst v63  }
0x186: {  	s19 =	sadd.s32 $0x690, s18  }
0x187: {  	[tilespmem:s13], [sflag:$0x1] =	stream.indirect.gather [hbm4b:s3+s7], $0x20, s19, s7, $0xb8;
	[tilespmem:$0x15000] =	vst v63  }
0x188: {  	s18 =	sadd.s32 $0x6C8, s18  }
0x189: {  	[tilespmem:s14], [sflag:$0x1] =	stream.indirect.gather [hbm4b:s3+s7], $0x20, s18, s7, $0xb8;
	[tilespmem:$0x15000] =	vst v63  }
0x18a: {  	_ =	swait.ge [sflag:s26], $0x700  }
0x18b: {  	[sflag:s26] =	ssyncset.done $0x0  }
0x18c: {  	[sflag:s26] =	ssyncadd.s32 $0xFFFFF900  }
0x18d: {  	_ =	swait.ge [sflag:s26], $0x700  }
0x18e: {  	[sflag:s26] =	ssyncset.done $0x0  }
0x18f: {  	[sflag:s26] =	ssyncadd.s32 $0xFFFFF900  }
0x190: {  	_ =	swait.ge [sflag:s26], $0x700  }
0x191: {  	[sflag:s26] =	ssyncset.done $0x0  }
0x192: {  	[sflag:s26] =	ssyncadd.s32 $0xFFFFF900  }
0x193: {  	_ =	swait.ge [sflag:s26], $0x700  }
0x194: {  	[sflag:s26] =	ssyncset.done $0x0  }
0x195: {  	[sflag:s26] =	ssyncadd.s32 $0xFFFFF900  }
0x196: {  	_ =	swait.ge [sflag:s26], $0x700  }
0x197: {  	[sflag:s26] =	ssyncset.done $0x0  }
0x198: {  	[sflag:s26] =	ssyncadd.s32 $0xFFFFF900  }
0x199: {  	_ =	swait.ge [sflag:s26], $0x700  }
0x19a: {  	[sflag:s26] =	ssyncset.done $0x0  }
0x19b: {  	[sflag:s26] =	ssyncadd.s32 $0xFFFFF900  }
0x19c: {  	_ =	swait.ge [sflag:s26], $0x700  }
0x19d: {  	[sflag:s26] =	ssyncset.done $0x0  }
0x19e: {  	[sflag:s26] =	ssyncadd.s32 $0xFFFFF900  }
0x19f: {  	_ =	swait.ge [sflag:s26], $0x700  }
0x1a0: {  	[sflag:s26] =	ssyncset.done $0x0  }
0x1a1: {  	[sflag:s26] =	ssyncadd.s32 $0xFFFFF900  }
0x1a2: {  	_ =	swait.ge [sflag:s26], $0x700  }
0x1a3: {  	[sflag:s26] =	ssyncset.done $0x0  }
0x1a4: {  	[sflag:s26] =	ssyncadd.s32 $0xFFFFF900  }
0x1a5: {  	_ =	swait.ge [sflag:s26], $0x700  }
0x1a6: {  	[sflag:s26] =	ssyncset.done $0x0  }
0x1a7: {  	[sflag:s26] =	ssyncadd.s32 $0xFFFFF900  }
0x1a8: {  	_ =	swait.ge [sflag:s26], $0x700  }
0x1a9: {  	[sflag:s26] =	ssyncset.done $0x0  }
0x1aa: {  	[sflag:s26] =	ssyncadd.s32 $0xFFFFF900  }
0x1ab: {  	_ =	swait.ge [sflag:s26], $0x700  }
0x1ac: {  	[sflag:s26] =	ssyncset.done $0x0  }
0x1ad: {  	[sflag:s26] =	ssyncadd.s32 $0xFFFFF900  }
0x1ae: {  	_ =	swait.ge [sflag:s26], $0x700  }
0x1af: {  	[sflag:s26] =	ssyncset.done $0x0  }
0x1b0: {  	[sflag:s26] =	ssyncadd.s32 $0xFFFFF900  }
0x1b1: {  	_ =	swait.ge [sflag:s26], $0x700  }
0x1b2: {  	[sflag:s26] =	ssyncset.done $0x0  }
0x1b3: {  	[sflag:s26] =	ssyncadd.s32 $0xFFFFF900  }
0x1b4: {  	_ =	swait.ge [sflag:s26], $0x700  }
0x1b5: {  	[sflag:s26] =	ssyncset.done $0x0  }
0x1b6: {  	[sflag:s26] =	ssyncadd.s32 $0xFFFFF900  }
0x1b7: {  	_ =	swait.ge [sflag:s26], $0x700  }
0x1b8: {  	[sflag:s26] =	ssyncset.done $0x0  }
0x1b9: {  	s18 =	sadd.s32 $0xC80, s15;
	[sflag:s26] =	ssyncadd.s32 $0xFFFFF900  }
0x1ba: {  	[hbm4b:s18+s2] =	stream.linear.scatter [tilespmem:s0], [sflag:$0x3], $0x640, $0x38;
	[tilespmem:$0x15000] =	vst v63  }
0x1bb: {  	s18 =	sadd.s32 $0xD48, s15  }
0x1bc: {  	[hbm4b:s18+s2] =	stream.linear.scatter [tilespmem:s1], [sflag:$0x3], $0x640, $0x38;
	[tilespmem:$0x15000] =	vst v63  }
0x1bd: {  	s18 =	sadd.s32 $0xE10, s15  }
0x1be: {  	[hbm4b:s18+s2] =	stream.linear.scatter [tilespmem:s4], [sflag:$0x3], $0x640, $0x38;
	[tilespmem:$0x15000] =	vst v63  }
0x1bf: {  	s18 =	sadd.s32 $0xED8, s15  }
0x1c0: {  	[hbm4b:s18+s2] =	stream.linear.scatter [tilespmem:s5], [sflag:$0x3], $0x640, $0x38;
	[tilespmem:$0x15000] =	vst v63  }
0x1c1: {  	s18 =	sadd.s32 $0xFA0, s15  }
0x1c2: {  	[hbm4b:s18+s2] =	stream.linear.scatter [tilespmem:s8], [sflag:$0x3], $0x640, $0x38;
	[tilespmem:$0x15000] =	vst v63  }
0x1c3: {  	s18 =	sadd.s32 $0x1068, s15  }
0x1c4: {  	[hbm4b:s18+s2] =	stream.linear.scatter [tilespmem:s9], [sflag:$0x3], $0x640, $0x38;
	[tilespmem:$0x15000] =	vst v63  }
0x1c5: {  	s18 =	sadd.s32 $0x1130, s15  }
0x1c6: {  	[hbm4b:s18+s2] =	stream.linear.scatter [tilespmem:s20], [sflag:$0x3], $0x640, $0x38;
	[tilespmem:$0x15000] =	vst v63  }
0x1c7: {  	s18 =	sadd.s32 $0x11F8, s15  }
0x1c8: {  	[hbm4b:s18+s2] =	stream.linear.scatter [tilespmem:s21], [sflag:$0x3], $0x640, $0x38;
	[tilespmem:$0x15000] =	vst v63  }
0x1c9: {  	s18 =	sadd.s32 $0x12C0, s15  }
0x1ca: {  	[hbm4b:s18+s2] =	stream.linear.scatter [tilespmem:s22], [sflag:$0x3], $0x640, $0x38;
	[tilespmem:$0x15000] =	vst v63  }
0x1cb: {  	s18 =	sadd.s32 $0x1388, s15  }
0x1cc: {  	[hbm4b:s18+s2] =	stream.linear.scatter [tilespmem:s23], [sflag:$0x3], $0x640, $0x38;
	[tilespmem:$0x15000] =	vst v63  }
0x1cd: {  	s18 =	sadd.s32 $0x1450, s15  }
0x1ce: {  	[hbm4b:s18+s2] =	stream.linear.scatter [tilespmem:s6], [sflag:$0x3], $0x640, $0x38;
	[tilespmem:$0x15000] =	vst v63  }
0x1cf: {  	s18 =	sadd.s32 $0x1518, s15  }
0x1d0: {  	[hbm4b:s18+s2] =	stream.linear.scatter [tilespmem:s10], [sflag:$0x3], $0x640, $0x38;
	[tilespmem:$0x15000] =	vst v63  }
0x1d1: {  	s18 =	sadd.s32 $0x15E0, s15  }
0x1d2: {  	[hbm4b:s18+s2] =	stream.linear.scatter [tilespmem:s11], [sflag:$0x3], $0x640, $0x38;
	[tilespmem:$0x15000] =	vst v63  }
.Ltmp0:
0x1d3: {  	s18 =	sadd.s32 $0x16A8, s15;
	(pc) =	sbr.rel @p1 .LBB2_2-.Ltmp0, $4  }
0x1d4: {  	[hbm4b:s18+s2] =	stream.linear.scatter [tilespmem:s12], [sflag:$0x3], $0x640, $0x38;
	[tilespmem:$0x15000] =	vst v63  }
0x1d5: {  	s18 =	sadd.s32 $0x1770, s15  }
0x1d6: {  	[hbm4b:s18+s2] =	stream.linear.scatter [tilespmem:s13], [sflag:$0x3], $0x640, $0x38;
	[tilespmem:$0x15000] =	vst v63  }
0x1d7: {  	s18 =	sadd.s32 $0x1838, s15;
	s15 =	sadd.s32 $0x1900, s15  }
0x1d8: {  	[hbm4b:s18+s2] =	stream.linear.scatter [tilespmem:s14], [sflag:$0x3], $0x640, $0x38;
	[tilespmem:$0x15000] =	vst v63  }
0x1d9: {  	s17 =	simm.s32 @!p0 $0x2  }
0x1da: {  	_ =	swait.ge @!p0 [sflag:s17], $0x6400  }
0x1db: {  	[sflag:s17] =	ssyncset.done @!p0 $0x0  }
0x1dc: {  	s16 =	sshra.s32 s16, $0x2;
	s18 =	simm.s32 $0x7000;
	[sflag:s17] =	ssyncadd.s32 @!p0 $0xFFFF9C00  }
0x1dd: {  	[tilespmem:s18], [sflag:$0x1] =	stream.indirect.gather [hbm4b:s3+s7], $0x20, s16, s7, $0xb8;
	[tilespmem:$0x15000] =	vst v63  }
0x1de: {  	s19 =	simm.s32 $0x7700;
	s23 =	sadd.s32 $0x38, s16  }
0x1df: {  	[tilespmem:s19], [sflag:$0x1] =	stream.indirect.gather [hbm4b:s3+s7], $0x20, s23, s7, $0xb8;
	[tilespmem:$0x15000] =	vst v63  }
0x1e0: {  	s20 =	simm.s32 $0x7E00;
	s24 =	sadd.s32 $0x70, s16  }
0x1e1: {  	[tilespmem:s20], [sflag:$0x1] =	stream.indirect.gather [hbm4b:s3+s7], $0x20, s24, s7, $0xb8;
	[tilespmem:$0x15000] =	vst v63  }
0x1e2: {  	s21 =	simm.s32 $0x8500;
	s25 =	sadd.s32 $0xA8, s16  }
0x1e3: {  	[tilespmem:s21], [sflag:$0x1] =	stream.indirect.gather [hbm4b:s3+s7], $0x20, s25, s7, $0xb8;
	[tilespmem:$0x15000] =	vst v63  }
0x1e4: {  	s22 =	simm.s32 $0x8C00;
	s28 =	sadd.s32 $0xE0, s16  }
0x1e5: {  	[tilespmem:s22], [sflag:$0x1] =	stream.indirect.gather [hbm4b:s3+s7], $0x20, s28, s7, $0xb8;
	[tilespmem:$0x15000] =	vst v63  }
0x1e6: {  	s29 =	sadd.s32 $0x118, s16;
	s23 =	simm.s32 $0x9300  }
0x1e7: {  	[tilespmem:s23], [sflag:$0x1] =	stream.indirect.gather [hbm4b:s3+s7], $0x20, s29, s7, $0xb8;
	[tilespmem:$0x15000] =	vst v63  }
0x1e8: {  	s0 =	sadd.s32 $0x150, s16;
	s24 =	simm.s32 $0x9A00  }
0x1e9: {  	[tilespmem:s24], [sflag:$0x1] =	stream.indirect.gather [hbm4b:s3+s7], $0x20, s0, s7, $0xb8;
	[tilespmem:$0x15000] =	vst v63  }
0x1ea: {  	s1 =	sadd.s32 $0x188, s16;
	s25 =	simm.s32 $0xA100  }
0x1eb: {  	[tilespmem:s25], [sflag:$0x1] =	stream.indirect.gather [hbm4b:s3+s7], $0x20, s1, s7, $0xb8;
	[tilespmem:$0x15000] =	vst v63  }
0x1ec: {  	s4 =	sadd.s32 $0x1C0, s16;
	s28 =	simm.s32 $0xA800  }
0x1ed: {  	[tilespmem:s28], [sflag:$0x1] =	stream.indirect.gather [hbm4b:s3+s7], $0x20, s4, s7, $0xb8;
	[tilespmem:$0x15000] =	vst v63  }
0x1ee: {  	s5 =	sadd.s32 $0x1F8, s16;
	s29 =	simm.s32 $0xAF00  }
0x1ef: {  	[tilespmem:s29], [sflag:$0x1] =	stream.indirect.gather [hbm4b:s3+s7], $0x20, s5, s7, $0xb8;
	[tilespmem:$0x15000] =	vst v63  }
0x1f0: {  	s8 =	sadd.s32 $0x230, s16;
	s0 =	simm.s32 $0xB600  }
0x1f1: {  	[tilespmem:s0], [sflag:$0x1] =	stream.indirect.gather [hbm4b:s3+s7], $0x20, s8, s7, $0xb8;
	[tilespmem:$0x15000] =	vst v63  }
0x1f2: {  	s9 =	sadd.s32 $0x268, s16;
	s1 =	simm.s32 $0xBD00  }
0x1f3: {  	[tilespmem:s1], [sflag:$0x1] =	stream.indirect.gather [hbm4b:s3+s7], $0x20, s9, s7, $0xb8;
	[tilespmem:$0x15000] =	vst v63  }
0x1f4: {  	s4 =	sadd.s32 $0x2A0, s16;
	s8 =	simm.s32 $0xC400  }
0x1f5: {  	[tilespmem:s8], [sflag:$0x1] =	stream.indirect.gather [hbm4b:s3+s7], $0x20, s4, s7, $0xb8;
	[tilespmem:$0x15000] =	vst v63  }
0x1f6: {  	s5 =	sadd.s32 $0x2D8, s16;
	s4 =	simm.s32 $0xCB00  }
0x1f7: {  	[tilespmem:s4], [sflag:$0x1] =	stream.indirect.gather [hbm4b:s3+s7], $0x20, s5, s7, $0xb8;
	[tilespmem:$0x15000] =	vst v63  }
0x1f8: {  	s9 =	sadd.s32 $0x310, s16;
	s5 =	simm.s32 $0xD200  }
0x1f9: {  	[tilespmem:s5], [sflag:$0x1] =	stream.indirect.gather [hbm4b:s3+s7], $0x20, s9, s7, $0xb8;
	[tilespmem:$0x15000] =	vst v63  }
0x1fa: {  	s17 =	sadd.s32 $0x348, s16;
	s9 =	simm.s32 $0xD900  }
0x1fb: {  	[tilespmem:s9], [sflag:$0x1] =	stream.indirect.gather [hbm4b:s3+s7], $0x20, s17, s7, $0xb8;
	[tilespmem:$0x15000] =	vst v63  }
0x1fc: {  	_ =	swait.ge [sflag:s26], $0x700  }
0x1fd: {  	[sflag:s26] =	ssyncset.done $0x0  }
0x1fe: {  	[sflag:s26] =	ssyncadd.s32 $0xFFFFF900  }
0x1ff: {  	_ =	swait.ge [sflag:s26], $0x700  }
0x200: {  	[sflag:s26] =	ssyncset.done $0x0  }
0x201: {  	[sflag:s26] =	ssyncadd.s32 $0xFFFFF900  }
0x202: {  	_ =	swait.ge [sflag:s26], $0x700  }
0x203: {  	[sflag:s26] =	ssyncset.done $0x0  }
0x204: {  	[sflag:s26] =	ssyncadd.s32 $0xFFFFF900  }
0x205: {  	_ =	swait.ge [sflag:s26], $0x700  }
0x206: {  	[sflag:s26] =	ssyncset.done $0x0  }
0x207: {  	[sflag:s26] =	ssyncadd.s32 $0xFFFFF900  }
0x208: {  	_ =	swait.ge [sflag:s26], $0x700  }
0x209: {  	[sflag:s26] =	ssyncset.done $0x0  }
0x20a: {  	[sflag:s26] =	ssyncadd.s32 $0xFFFFF900  }
0x20b: {  	_ =	swait.ge [sflag:s26], $0x700  }
0x20c: {  	[sflag:s26] =	ssyncset.done $0x0  }
0x20d: {  	[sflag:s26] =	ssyncadd.s32 $0xFFFFF900  }
0x20e: {  	_ =	swait.ge [sflag:s26], $0x700  }
0x20f: {  	[sflag:s26] =	ssyncset.done $0x0  }
0x210: {  	[sflag:s26] =	ssyncadd.s32 $0xFFFFF900  }
0x211: {  	_ =	swait.ge [sflag:s26], $0x700  }
0x212: {  	[sflag:s26] =	ssyncset.done $0x0  }
0x213: {  	[sflag:s26] =	ssyncadd.s32 $0xFFFFF900  }
0x214: {  	_ =	swait.ge [sflag:s26], $0x700  }
0x215: {  	[sflag:s26] =	ssyncset.done $0x0  }
0x216: {  	[sflag:s26] =	ssyncadd.s32 $0xFFFFF900  }
0x217: {  	_ =	swait.ge [sflag:s26], $0x700  }
0x218: {  	[sflag:s26] =	ssyncset.done $0x0  }
0x219: {  	[sflag:s26] =	ssyncadd.s32 $0xFFFFF900  }
0x21a: {  	_ =	swait.ge [sflag:s26], $0x700  }
0x21b: {  	[sflag:s26] =	ssyncset.done $0x0  }
0x21c: {  	[sflag:s26] =	ssyncadd.s32 $0xFFFFF900  }
0x21d: {  	_ =	swait.ge [sflag:s26], $0x700  }
0x21e: {  	[sflag:s26] =	ssyncset.done $0x0  }
0x21f: {  	[sflag:s26] =	ssyncadd.s32 $0xFFFFF900  }
0x220: {  	_ =	swait.ge [sflag:s26], $0x700  }
0x221: {  	[sflag:s26] =	ssyncset.done $0x0  }
0x222: {  	[sflag:s26] =	ssyncadd.s32 $0xFFFFF900  }
0x223: {  	_ =	swait.ge [sflag:s26], $0x700  }
0x224: {  	[sflag:s26] =	ssyncset.done $0x0  }
0x225: {  	[sflag:s26] =	ssyncadd.s32 $0xFFFFF900  }
0x226: {  	_ =	swait.ge [sflag:s26], $0x700  }
0x227: {  	[sflag:s26] =	ssyncset.done $0x0  }
0x228: {  	[sflag:s26] =	ssyncadd.s32 $0xFFFFF900  }
0x229: {  	_ =	swait.ge [sflag:s26], $0x700  }
0x22a: {  	[sflag:s26] =	ssyncset.done $0x0  }
0x22b: {  	[sflag:s26] =	ssyncadd.s32 $0xFFFFF900  }
0x22c: {  	[hbm4b:s15+s2] =	stream.linear.scatter [tilespmem:s18], [sflag:$0x2], $0x640, $0x38;
	[tilespmem:$0x15000] =	vst v63  }
0x22d: {  	s18 =	sadd.s32 $0xC8, s15  }
0x22e: {  	[hbm4b:s18+s2] =	stream.linear.scatter [tilespmem:s19], [sflag:$0x2], $0x640, $0x38;
	[tilespmem:$0x15000] =	vst v63  }
0x22f: {  	s18 =	sadd.s32 $0x190, s15  }
0x230: {  	[hbm4b:s18+s2] =	stream.linear.scatter [tilespmem:s20], [sflag:$0x2], $0x640, $0x38;
	[tilespmem:$0x15000] =	vst v63  }
0x231: {  	s19 =	sadd.s32 $0x258, s15  }
0x232: {  	[hbm4b:s19+s2] =	stream.linear.scatter [tilespmem:s21], [sflag:$0x2], $0x640, $0x38;
	[tilespmem:$0x15000] =	vst v63  }
0x233: {  	s20 =	sadd.s32 $0x320, s15  }
0x234: {  	[hbm4b:s20+s2] =	stream.linear.scatter [tilespmem:s22], [sflag:$0x2], $0x640, $0x38;
	[tilespmem:$0x15000] =	vst v63  }
0x235: {  	s21 =	sadd.s32 $0x3E8, s15  }
0x236: {  	[hbm4b:s21+s2] =	stream.linear.scatter [tilespmem:s23], [sflag:$0x2], $0x640, $0x38;
	[tilespmem:$0x15000] =	vst v63  }
0x237: {  	s22 =	sadd.s32 $0x4B0, s15  }
0x238: {  	[hbm4b:s22+s2] =	stream.linear.scatter [tilespmem:s24], [sflag:$0x2], $0x640, $0x38;
	[tilespmem:$0x15000] =	vst v63  }
0x239: {  	s23 =	sadd.s32 $0x578, s15  }
0x23a: {  	[hbm4b:s23+s2] =	stream.linear.scatter [tilespmem:s25], [sflag:$0x2], $0x640, $0x38;
	[tilespmem:$0x15000] =	vst v63  }
0x23b: {  	s24 =	sadd.s32 $0x640, s15  }
0x23c: {  	[hbm4b:s24+s2] =	stream.linear.scatter [tilespmem:s28], [sflag:$0x2], $0x640, $0x38;
	[tilespmem:$0x15000] =	vst v63  }
0x23d: {  	s25 =	sadd.s32 $0x708, s15  }
0x23e: {  	[hbm4b:s25+s2] =	stream.linear.scatter [tilespmem:s29], [sflag:$0x2], $0x640, $0x38;
	[tilespmem:$0x15000] =	vst v63  }
0x23f: {  	s28 =	sadd.s32 $0x7D0, s15  }
0x240: {  	[hbm4b:s28+s2] =	stream.linear.scatter [tilespmem:s0], [sflag:$0x2], $0x640, $0x38;
	[tilespmem:$0x15000] =	vst v63  }
0x241: {  	s29 =	sadd.s32 $0x898, s15  }
0x242: {  	[hbm4b:s29+s2] =	stream.linear.scatter [tilespmem:s1], [sflag:$0x2], $0x640, $0x38;
	[tilespmem:$0x15000] =	vst v63  }
0x243: {  	s0 =	sadd.s32 $0x960, s15  }
0x244: {  	[hbm4b:s0+s2] =	stream.linear.scatter [tilespmem:s8], [sflag:$0x2], $0x640, $0x38;
	[tilespmem:$0x15000] =	vst v63  }
0x245: {  	s1 =	sadd.s32 $0xA28, s15  }
0x246: {  	[hbm4b:s1+s2] =	stream.linear.scatter [tilespmem:s4], [sflag:$0x2], $0x640, $0x38;
	[tilespmem:$0x15000] =	vst v63  }
0x247: {  	s4 =	sadd.s32 $0xAF0, s15  }
0x248: {  	[hbm4b:s4+s2] =	stream.linear.scatter [tilespmem:s5], [sflag:$0x2], $0x640, $0x38;
	[tilespmem:$0x15000] =	vst v63  }
0x249: {  	s17 =	simm.s32 @!p0 $0x3;
	s5 =	sadd.s32 $0xBB8, s15  }
0x24a: {  	[hbm4b:s5+s2] =	stream.linear.scatter [tilespmem:s9], [sflag:$0x2], $0x640, $0x38;
	[tilespmem:$0x15000] =	vst v63  }
0x24b: {  	_ =	swait.ge @!p0 [sflag:s17], $0x6400  }
0x24c: {  	[sflag:s17] =	ssyncset.done @!p0 $0x0  }
0x24d: {  	s8 =	sadd.s32 $0x380, s16;
	s0 =	simm.s32 $0xE000;
	[sflag:s17] =	ssyncadd.s32 @!p0 $0xFFFF9C00  }
0x24e: {  	[tilespmem:s0], [sflag:$0x1] =	stream.indirect.gather [hbm4b:s3+s7], $0x20, s8, s7, $0xb8;
	[tilespmem:$0x15000] =	vst v63  }
0x24f: {  	s1 =	simm.s32 $0xE700;
	s9 =	sadd.s32 $0x3B8, s16  }
0x250: {  	[tilespmem:s1], [sflag:$0x1] =	stream.indirect.gather [hbm4b:s3+s7], $0x20, s9, s7, $0xb8;
	[tilespmem:$0x15000] =	vst v63  }
0x251: {  	s18 =	sadd.s32 $0x3F0, s16;
	s4 =	simm.s32 $0xEE00  }
0x252: {  	[tilespmem:s4], [sflag:$0x1] =	stream.indirect.gather [hbm4b:s3+s7], $0x20, s18, s7, $0xb8;
	[tilespmem:$0x15000] =	vst v63  }
0x253: {  	s19 =	sadd.s32 $0x428, s16;
	s5 =	simm.s32 $0xF500  }
0x254: {  	[tilespmem:s5], [sflag:$0x1] =	stream.indirect.gather [hbm4b:s3+s7], $0x20, s19, s7, $0xb8;
	[tilespmem:$0x15000] =	vst v63  }
0x255: {  	s20 =	sadd.s32 $0x460, s16;
	s8 =	simm.s32 $0xFC00  }
0x256: {  	[tilespmem:s8], [sflag:$0x1] =	stream.indirect.gather [hbm4b:s3+s7], $0x20, s20, s7, $0xb8;
	[tilespmem:$0x15000] =	vst v63  }
0x257: {  	s21 =	sadd.s32 $0x498, s16;
	s9 =	simm.s32 $0x10300  }
0x258: {  	[tilespmem:s9], [sflag:$0x1] =	stream.indirect.gather [hbm4b:s3+s7], $0x20, s21, s7, $0xb8;
	[tilespmem:$0x15000] =	vst v63  }
0x259: {  	s22 =	sadd.s32 $0x4D0, s16;
	s18 =	simm.s32 $0x10A00  }
0x25a: {  	[tilespmem:s18], [sflag:$0x1] =	stream.indirect.gather [hbm4b:s3+s7], $0x20, s22, s7, $0xb8;
	[tilespmem:$0x15000] =	vst v63  }
0x25b: {  	s23 =	sadd.s32 $0x508, s16;
	s19 =	simm.s32 $0x11100  }
0x25c: {  	[tilespmem:s19], [sflag:$0x1] =	stream.indirect.gather [hbm4b:s3+s7], $0x20, s23, s7, $0xb8;
	[tilespmem:$0x15000] =	vst v63  }
0x25d: {  	s24 =	sadd.s32 $0x540, s16;
	s20 =	simm.s32 $0x11800  }
0x25e: {  	[tilespmem:s20], [sflag:$0x1] =	stream.indirect.gather [hbm4b:s3+s7], $0x20, s24, s7, $0xb8;
	[tilespmem:$0x15000] =	vst v63  }
0x25f: {  	s25 =	sadd.s32 $0x578, s16;
	s21 =	simm.s32 $0x11F00  }
0x260: {  	[tilespmem:s21], [sflag:$0x1] =	stream.indirect.gather [hbm4b:s3+s7], $0x20, s25, s7, $0xb8;
	[tilespmem:$0x15000] =	vst v63  }
0x261: {  	s28 =	sadd.s32 $0x5B0, s16  }
0x262: {  	[tilespmem:s6], [sflag:$0x1] =	stream.indirect.gather [hbm4b:s3+s7], $0x20, s28, s7, $0xb8;
	[tilespmem:$0x15000] =	vst v63  }
0x263: {  	s29 =	sadd.s32 $0x5E8, s16  }
0x264: {  	[tilespmem:s10], [sflag:$0x1] =	stream.indirect.gather [hbm4b:s3+s7], $0x20, s29, s7, $0xb8;
	[tilespmem:$0x15000] =	vst v63  }
0x265: {  	s22 =	sadd.s32 $0x620, s16  }
0x266: {  	[tilespmem:s11], [sflag:$0x1] =	stream.indirect.gather [hbm4b:s3+s7], $0x20, s22, s7, $0xb8;
	[tilespmem:$0x15000] =	vst v63  }
0x267: {  	s23 =	sadd.s32 $0x658, s16  }
0x268: {  	[tilespmem:s12], [sflag:$0x1] =	stream.indirect.gather [hbm4b:s3+s7], $0x20, s23, s7, $0xb8;
	[tilespmem:$0x15000] =	vst v63  }
0x269: {  	s24 =	sadd.s32 $0x690, s16  }
0x26a: {  	[tilespmem:s13], [sflag:$0x1] =	stream.indirect.gather [hbm4b:s3+s7], $0x20, s24, s7, $0xb8;
	[tilespmem:$0x15000] =	vst v63  }
0x26b: {  	s16 =	sadd.s32 $0x6C8, s16  }
0x26c: {  	[tilespmem:s14], [sflag:$0x1] =	stream.indirect.gather [hbm4b:s3+s7], $0x20, s16, s7, $0xb8;
	[tilespmem:$0x15000] =	vst v63  }
0x26d: {  	_ =	swait.ge [sflag:s26], $0x700  }
0x26e: {  	[sflag:s26] =	ssyncset.done $0x0  }
0x26f: {  	[sflag:s26] =	ssyncadd.s32 $0xFFFFF900  }
0x270: {  	_ =	swait.ge [sflag:s26], $0x700  }
0x271: {  	[sflag:s26] =	ssyncset.done $0x0  }
0x272: {  	[sflag:s26] =	ssyncadd.s32 $0xFFFFF900  }
0x273: {  	_ =	swait.ge [sflag:s26], $0x700  }
0x274: {  	[sflag:s26] =	ssyncset.done $0x0  }
0x275: {  	[sflag:s26] =	ssyncadd.s32 $0xFFFFF900  }
0x276: {  	_ =	swait.ge [sflag:s26], $0x700  }
0x277: {  	[sflag:s26] =	ssyncset.done $0x0  }
0x278: {  	[sflag:s26] =	ssyncadd.s32 $0xFFFFF900  }
0x279: {  	_ =	swait.ge [sflag:s26], $0x700  }
0x27a: {  	[sflag:s26] =	ssyncset.done $0x0  }
0x27b: {  	[sflag:s26] =	ssyncadd.s32 $0xFFFFF900  }
0x27c: {  	_ =	swait.ge [sflag:s26], $0x700  }
0x27d: {  	[sflag:s26] =	ssyncset.done $0x0  }
0x27e: {  	[sflag:s26] =	ssyncadd.s32 $0xFFFFF900  }
0x27f: {  	_ =	swait.ge [sflag:s26], $0x700  }
0x280: {  	[sflag:s26] =	ssyncset.done $0x0  }
0x281: {  	[sflag:s26] =	ssyncadd.s32 $0xFFFFF900  }
0x282: {  	_ =	swait.ge [sflag:s26], $0x700  }
0x283: {  	[sflag:s26] =	ssyncset.done $0x0  }
0x284: {  	[sflag:s26] =	ssyncadd.s32 $0xFFFFF900  }
0x285: {  	_ =	swait.ge [sflag:s26], $0x700  }
0x286: {  	[sflag:s26] =	ssyncset.done $0x0  }
0x287: {  	[sflag:s26] =	ssyncadd.s32 $0xFFFFF900  }
0x288: {  	_ =	swait.ge [sflag:s26], $0x700  }
0x289: {  	[sflag:s26] =	ssyncset.done $0x0  }
0x28a: {  	[sflag:s26] =	ssyncadd.s32 $0xFFFFF900  }
0x28b: {  	_ =	swait.ge [sflag:s26], $0x700  }
0x28c: {  	[sflag:s26] =	ssyncset.done $0x0  }
0x28d: {  	[sflag:s26] =	ssyncadd.s32 $0xFFFFF900  }
0x28e: {  	_ =	swait.ge [sflag:s26], $0x700  }
0x28f: {  	[sflag:s26] =	ssyncset.done $0x0  }
0x290: {  	[sflag:s26] =	ssyncadd.s32 $0xFFFFF900  }
0x291: {  	_ =	swait.ge [sflag:s26], $0x700  }
0x292: {  	[sflag:s26] =	ssyncset.done $0x0  }
0x293: {  	[sflag:s26] =	ssyncadd.s32 $0xFFFFF900  }
0x294: {  	_ =	swait.ge [sflag:s26], $0x700  }
0x295: {  	[sflag:s26] =	ssyncset.done $0x0  }
0x296: {  	[sflag:s26] =	ssyncadd.s32 $0xFFFFF900  }
0x297: {  	_ =	swait.ge [sflag:s26], $0x700  }
0x298: {  	[sflag:s26] =	ssyncset.done $0x0  }
0x299: {  	[sflag:s26] =	ssyncadd.s32 $0xFFFFF900  }
0x29a: {  	_ =	swait.ge [sflag:s26], $0x700  }
0x29b: {  	[sflag:s26] =	ssyncset.done $0x0  }
0x29c: {  	s25 =	sadd.s32 $0xC80, s15;
	[sflag:s26] =	ssyncadd.s32 $0xFFFFF900  }
0x29d: {  	[hbm4b:s25+s2] =	stream.linear.scatter [tilespmem:s0], [sflag:$0x3], $0x640, $0x38;
	[tilespmem:$0x15000] =	vst v63  }
0x29e: {  	s28 =	sadd.s32 $0xD48, s15  }
0x29f: {  	[hbm4b:s28+s2] =	stream.linear.scatter [tilespmem:s1], [sflag:$0x3], $0x640, $0x38;
	[tilespmem:$0x15000] =	vst v63  }
0x2a0: {  	s29 =	sadd.s32 $0xE10, s15  }
0x2a1: {  	[hbm4b:s29+s2] =	stream.linear.scatter [tilespmem:s4], [sflag:$0x3], $0x640, $0x38;
	[tilespmem:$0x15000] =	vst v63  }
0x2a2: {  	s0 =	sadd.s32 $0xED8, s15  }
0x2a3: {  	[hbm4b:s0+s2] =	stream.linear.scatter [tilespmem:s5], [sflag:$0x3], $0x640, $0x38;
	[tilespmem:$0x15000] =	vst v63  }
0x2a4: {  	s1 =	sadd.s32 $0xFA0, s15  }
0x2a5: {  	[hbm4b:s1+s2] =	stream.linear.scatter [tilespmem:s8], [sflag:$0x3], $0x640, $0x38;
	[tilespmem:$0x15000] =	vst v63  }
0x2a6: {  	s4 =	sadd.s32 $0x1068, s15  }
0x2a7: {  	[hbm4b:s4+s2] =	stream.linear.scatter [tilespmem:s9], [sflag:$0x3], $0x640, $0x38;
	[tilespmem:$0x15000] =	vst v63  }
0x2a8: {  	s5 =	sadd.s32 $0x1130, s15  }
0x2a9: {  	[hbm4b:s5+s2] =	stream.linear.scatter [tilespmem:s18], [sflag:$0x3], $0x640, $0x38;
	[tilespmem:$0x15000] =	vst v63  }
0x2aa: {  	s8 =	sadd.s32 $0x11F8, s15  }
0x2ab: {  	[hbm4b:s8+s2] =	stream.linear.scatter [tilespmem:s19], [sflag:$0x3], $0x640, $0x38;
	[tilespmem:$0x15000] =	vst v63  }
0x2ac: {  	s9 =	sadd.s32 $0x12C0, s15  }
0x2ad: {  	[hbm4b:s9+s2] =	stream.linear.scatter [tilespmem:s20], [sflag:$0x3], $0x640, $0x38;
	[tilespmem:$0x15000] =	vst v63  }
0x2ae: {  	s17 =	sadd.s32 $0x1388, s15  }
0x2af: {  	[hbm4b:s17+s2] =	stream.linear.scatter [tilespmem:s21], [sflag:$0x3], $0x640, $0x38;
	[tilespmem:$0x15000] =	vst v63  }
0x2b0: {  	s18 =	sadd.s32 $0x1450, s15  }
0x2b1: {  	[hbm4b:s18+s2] =	stream.linear.scatter [tilespmem:s6], [sflag:$0x3], $0x640, $0x38;
	[tilespmem:$0x15000] =	vst v63  }
0x2b2: {  	s19 =	sadd.s32 $0x1518, s15  }
0x2b3: {  	[hbm4b:s19+s2] =	stream.linear.scatter [tilespmem:s10], [sflag:$0x3], $0x640, $0x38;
	[tilespmem:$0x15000] =	vst v63  }
0x2b4: {  	s20 =	sadd.s32 $0x15E0, s15  }
0x2b5: {  	[hbm4b:s20+s2] =	stream.linear.scatter [tilespmem:s11], [sflag:$0x3], $0x640, $0x38;
	[tilespmem:$0x15000] =	vst v63  }
0x2b6: {  	s21 =	sadd.s32 $0x16A8, s15  }
0x2b7: {  	[hbm4b:s21+s2] =	stream.linear.scatter [tilespmem:s12], [sflag:$0x3], $0x640, $0x38;
	[tilespmem:$0x15000] =	vst v63  }
0x2b8: {  	s22 =	sadd.s32 $0x1770, s15  }
0x2b9: {  	[hbm4b:s22+s2] =	stream.linear.scatter [tilespmem:s13], [sflag:$0x3], $0x640, $0x38;
	[tilespmem:$0x15000] =	vst v63  }
0x2ba: {  	s23 =	sadd.s32 $0x1838, s15;
	s24 =	simm.s32 $0x2  }
0x2bb: {  	[hbm4b:s23+s2] =	stream.linear.scatter [tilespmem:s14], [sflag:$0x3], $0x640, $0x38;
	[tilespmem:$0x15000] =	vst v63  }
0x2bc: {  	_ =	swait.ge [sflag:s24], $0x6400  }
0x2bd: {  	[sflag:s24] =	ssyncset.done $0x0  }
0x2be: {  	s25 =	simm.s32 $0x3;
	[sflag:s24] =	ssyncadd.s32 $0xFFFF9C00  }
0x2bf: {  	_ =	swait.ge [sflag:s25], $0x6400  }
0x2c0: {  	s28 =	rddreg [dreg:$0x6]  }
0x2c1: {  	s29 =	rddreg [dreg:$0x4];
	s1 =	sadd.s32 $0x1, s28  }
0x2c2: {  	p0 =	sne.s32 s1, s29  }
.Ltmp1:
0x2c3: {  	_ = 	snop;
	(pc) =	sbr.rel @p0 .LBB2_1-.Ltmp1, $3  }
0x2c4: {  	_ =	sdelay $0x1  }
0x2c5: {  	[sflag:s25] =	ssyncset.done $0x0  }
0x2c6: {  	[sflag:s25] =	ssyncadd.s32 $0xFFFF9C00  }
0x2c7: {  	_ =	sfence.sel $0x180000  }
0x2c8: {  	[bflag:$0x0] =	sbarrier.arrive $0xFFFF  }
0x2c9: {  	_ =	strace $0x90000047  }
0x2ca: {  	s0 =	stileid.u32;
	[bflag:$0x2] =	sbarrier.arrive $0xFFFF  }
0x2cb: {  	p0 =	sne.s32 s0, $0x0;
	s0 =	rddreg [dreg:$0x2]  }
0x2cc: {  	s0 =	sadd.s32 @!p0 $0x100000, s0  }
0x2cd: {  	[sflag:s0] =	ssyncadd.tile.s32 @!p0 $0x1;
	_ =	shalt  }
.Lfunc_end2:
_tile_overlayer_lowered:
.L_overlay_start_2:
0x2ce: {  	(tag) =	ssettag $0x2  }
0x2cf: {  	s0 =	rddreg [dreg:$0x0];
	s2 =	stileid.u32  }
0x2d0: {  	s1 =	rddreg [dreg:$0x1];
	p0 =	sne.s32 s2, $0x0  }
0x2d1: {  	s3 =	rddreg [dreg:$0x2];
	[bflag:$0x3] =	sbarrier.arrive $0xFFFF;
	s2 =	simm.s32 @!p0 $0x1C04  }
0x2d2: {  	[timem:s3], [sflag:s2] =	dma.local @!p0 [hbm:s0], s1  }
0x2d3: {  	s0 =	simm.s32 @!p0 $0x4  }
0x2d4: {  	_ =	swait.ge @!p0 [sflag:s0], s1  }
0x2d5: {  	s1 =	ssub.s32 @!p0 $0x0, s1;
	[sflag:s0] =	ssyncset.done @!p0 $0x0  }
0x2d6: {  	[sflag:s0] =	ssyncadd.s32 @!p0 s1  }
0x2d7: {  	[bflag:$0x3] =	sbarrier.arrive $0xFFFF  }
0x2d8: {  	_ =	shalt  }

// kernel: sparse-core-data-format-call.cloned.1.call-start
scs
called_computation_lowered:
.L_overlay_start_0:
0x0: {  	s2 =	sld [smem:$0x3FD9]  }
0x1: {  	s3 =	sld [smem:$0x3FFE];
	_ =	sdelay $0x1  }
0x2: {  	s1 =	srdreg.scid  }
0x3: {  	s0 =	sand.u32 $0x1, s1  }
0x4: {  	s18 =	sshll.u32 s0, $0xA;
	s2 =	sadd.s32 s3, s2  }
0x5: {  	s2 =	sadd.s32 s2, s18  }
0x6: {  	[smem:$0x3FC6] =	sst s2  }
0x7: {  	_ = 	snop  }
0x8: {  	s2 =	sld [smem:$0x3FD0];
	(tm) =	ssettm $0x1  }
0x9: {  	s19 =	sld [smem:$0x3FFB];
	_ =	sdelay $0x3  }
0xa: {  	_ =	strace s19  }
0xb: {  	s3 =	sld [smem:$0x3FFC];
	_ =	sdelay $0x3  }
0xc: {  	_ =	strace s3  }
0xd: {  	s3 =	sld [smem:$0x3FFD];
	_ =	sdelay $0x3  }
0xe: {  	_ =	strace s3  }
0xf: {  	_ =	strace $0x8FFFFFFF  }
0x10: {  	s20 =	sld [smem:$0x3FDB];
	_ =	sdelay $0x1  }
0x11: {  	s4 =	simm.s32 $_scs_section_size  }
0x12: {  	s5 =	simm.s32 $_size__tile_overlayer_lowered;
	s6 =	simm.s32 $_tile_overlayer_lowered  }
0x13: {  	s23 =	simm.s32 $0x1BFF;
	s22 =	sshll.u32 s6, $0x1;
	s3 =	sadd.s32 s4, s20  }
0x14: {  	s7 =	simm.s32 $0x0;
	s21 =	sshll.u32 s5, $0x1;
	s5 =	sadd.s32 s22, s3  }
0x15: {  	[timem:s7], [sflag:s23] =	dma.local [hbm:s5], s21  }
0x16: {  	_ =	swait.ge [sflag:s23], s21  }
0x17: {  	s4 =	ssub.s32 $0x0, s21;
	[sflag:s23] =	ssyncset.done $0x0  }
0x18: {  	[sflag:s23] =	ssyncadd.s32 s4;
	_ =	sdelay $0x1  }
0x19: {  	s24 =	simm.s32 $0x1B8B  }
0x1a: {  	_ =	swait.ge [sflag:s24], $0x1  }
0x1b: {  	[sflag:s24] =	ssyncset.done $0x0  }
0x1c: {  	s26 =	simm.s32 $0x1B8E;
	s25 =	sld [smem:$0x3FFE];
	[sflag:s24] =	ssyncadd.s32 $0xFFFFFFFF  }
0x1d: {  	s27 =	simm.s32 $execute0_lowered;
	[smem:$0x3FD2] =	sst s26  }
0x1e: {  	s5 =	sshll.u32 s27, $0x1;
	_ =	strace $0x80000049;
	[dreg:$0x1] =	wrdreg $0xFFFFFFFF  }
0x1f: {  	s28 =	simm.s32 $_size_execute0_lowered;
	s3 =	sadd.s32 s3, s5;
	[dreg:$0x0] =	wrdreg $0x0  }
0x20: {  	s5 =	sshll.u32 s28, $0x1;
	[dreg:$0x2] =	wrdreg s3  }
0x21: {  	[dreg:$0x3] =	wrdreg s5  }
0x22: {  	[dreg:$0x4] =	wrdreg $0xC0  }
0x23: {  	_ =	task [dreg:s7], $0x5FFFF  }
0x24: {  	[dreg:$0x1] =	wrdreg $0xFFFFFFFF  }
0x25: {  	[dreg:$0x0] =	wrdreg $0x60  }
0x26: {  	[dreg:$0x2] =	wrdreg s25  }
0x27: {  	[dreg:$0x3] =	wrdreg s2  }
0x28: {  	[dreg:$0x4] =	wrdreg $0x9  }
0x29: {  	_ =	task.clear_ibuf [dreg:s7], $0x5FFFF;
	_ =	strace $0x90000049  }
0x2a: {  	s29 =	simm.s32 $0x9;
	_ =	strace $0x8000004B  }
0x2b: {  	_ =	swait.ge [sflag:s29], $0x1  }
0x2c: {  	[sflag:s29] =	ssyncadd.s32 $0xFFFFFFFF  }
0x2d: {  	_ =	strace $0x9000004B  }
0x2e: {  	_ =	sfence  }
0x2f: {  	s30 =	sld [smem:$0x0];
	_ =	sdelay $0x2  }
0x30: {  	s31 =	sshll.u32 s1, $0xD;
	s1 =	sshrl.u32 s1, $0x2  }
0x31: {  	s3 =	sand.u32 $0x4000, s31;
	s1 =	sadd.s32 s1, s30  }
0x32: {  	s0 =	sor.u32 s3, s0;
	s1 =	sshll.u32 s1, $0x11  }
0x33: {  	s0 =	sor.u32 s1, s0  }
0x34: {  	s0 =	sadd.s32 $0x8F2B, s0  }
0x35: {  	[sflag:s0] =	ssyncadd.remote.s32 $0x1  }
0x36: {  	_ =	sfence.sel $0xFFFF  }
0x37: {  	[dreg:$0x0] =	wrdreg $0xFFFFFFFF;
	(pc) =	sbr.abs _section_cstart, $3  }
0x38: {  	[dreg:$0x1] =	wrdreg $0xFFFFFFFF  }
0x39: {  	_ =	task.clear_ibuf [dreg:s7], $0x2FFFF;
	_ =	strace $0x9FFFFFFF  }
0x3a: {  	(tm) =	ssettm $0x7FFFFFFF  }
0x3b: {  	_ =	shalt  }
tec
execute0_lowered:
.L_overlay_start_1:
0x0: {  	(tag) =	ssettag $0x1  }
0x1: {  	s0 =	srdreg.scid  }
0x2: {  	s1 =	sshll.u32 s0, $0x4  }
0x3: {  	s0 =	stileid.u32;
	s1 =	sand.u32 $0x10, s1  }
0x4: {  	s1 =	sor.u32 s0, s1  }
0x5: {  	s6 =	rddreg [dreg:$0x0];
	s4 =	simm.s32 $0x1;
	s2 =	sshll.u32 s1, $0x7  }
0x6: {  	s7 =	simm.s32 $0x2;
	s12 =	simm.s32 $0x0;
	s1 =	ssub.s32 $0x4000, s2  }
0x7: {  	s8 =	simm.s32 $0x20000;
	s13 =	simm.s32 $0x0;
	s3 =	sand.u32 $0xF80, s1  }
0x8: {  	s9 =	simm.s32 $0x0;
	s5 =	sshrl.u32 s1, $0xC;
	p0 =	sne.s32 s3, $0x0  }
.Ltmp0:
0x9: {  	s1 =	rddreg [dreg:$0x2];
	s4 =	simm.s32 @!p0 $0x0;
	(pc) =	sbr.rel .LBB1_1-.Ltmp0, $4  }
0xa: {  	s11 =	simm.s32 $0x0;
	s3 =	rddreg [dreg:$0x1];
	s5 =	sadd.s32 s4, s5  }
0xb: {  	_ =	strace $0x8000004A;
	s4 =	simm.s32 $0x1;
	s5 =	smul.u32 $0x32, s5  }
0xc: {  	s6 =	sadd.s32 $0xA00, s6;
	s10 =	smov.u32 s2;
	[sflag:s4] =	ssyncpa.u1 $0x0  }
0xd: {  	p0 =	por $0x0, $0x0;
	[sflag:s7] =	ssyncpa.u1 $0x0;
	s7 =	sor.u32 $0x1, s5  }
.LBB1_4:
0xe: {  	s16 =	sshll.u32 s13, $0x3;
	s17 =	sand.u32 $0x78, s13  }
0xf: {  	s30 =	sand.u32 $0xF800, s13;
	s12 =	sshll.u32 s12, $0x10;
	s16 =	sand.u32 $0x3C00, s16  }
0x10: {  	s31 =	sand.u32 $0x7, s13;
	s16 =	sor.u32 s17, s16;
	s17 =	sadd.s32 s3, s30  }
0x11: {  	s13 =	sshll.u32 s31, $0x12;
	s16 =	sshrl.u32 s16, $0x3;
	s12 =	sadd.s32 s12, s17  }
0x12: {  	[tilespmem:s15+$0x0 ss:$0x81] =	vst.msk $0xffff, v0;
	s13 =	sor.u32 $0x400, s13;
	s12 =	sadd.s32 s16, s12  }
0x13: {  	[hbm4b:s12+s13] =	stream.strided.scatter [tilespmem:s14], [sflag:$0x2], $0x1000, s8, s13, $0x20;
	[tilespmem:$0x4040] =	vst v63  }
.LBB1_5:
0x14: {  	s14 =	sadd.s32 $0x1, s9  }
0x15: {  	s12 =	sadd.s32 $0x1000, s10;
	s16 =	smov.u32 s10;
	p2 =	sgt.s32 s14, $0x31  }
0x16: {  	s16 =	smov.u32 @p2 s12  }
0x17: {  	s14 =	simm.s32 @p2 $0x0;
	p2 =	sgt.s32 s16, $0x3FFF  }
0x18: {  	s16 =	smov.u32 @p2 s2;
	p2 =	sne.s32 s11, s7  }
.Ltmp1:
0x19: {  	p1 =	slt.u32 s11, $0x2;
	(pc) =	sbr.rel @!p2 .LBB1_6-.Ltmp1, $4  }
0x1a: {  	s15 =	simm.s32 @!p1 $0x2  }
0x1b: {  	s13 =	smov.u32 s10;
	p0 =	por !p0, !p0;
	_ =	swait.ge @!p1 [sflag:s15], $0x1000  }
0x1c: {  	s12 =	smov.u32 s9;
	[sflag:s15] =	ssyncset.done @!p1 $0x0;
	s9 =	smov.u32 s14  }
0x1d: {  	s11 =	sadd.s32 $0x1, s11;
	[sflag:s15] =	ssyncadd.s32 @!p1 $0xFFFFF000;
	s10 =	smov.u32 s16  }
.LBB1_1:
0x1e: {  	p1 =	sge.u32 s11, s5  }
0x1f: {  	s14 =	sand.u32 @!p1 $0x1FFFFFF, s9  }
0x20: {  	s15 =	smulhi.u32 @!p1 $0x4924925, s14;
	_ =	sdelay $0x1  }
0x21: {  	s15 =	smul.u32 @!p1 $0x38, s15  }
0x22: {  	s16 =	sxor.u32 @!p1 $0xFFFFFFFF, s11;
	s17 =	smul.u32 @!p1 $0x380, s10  }
0x23: {  	s31 =	sadd.s32 $0xFFFFFFFF, s11;
	s16 =	sshll.u32 @!p1 s16, $0xC;
	s14 =	ssub.s32 @!p1 s14, s15  }
0x24: {  	s15 =	sand.u32 @!p1 $0x1000, s16;
	s16 =	sadd.s32 @!p1 s6, s17;
	s14 =	sshll.u32 @!p1 s14, $0x4  }
0x25: {  	s17 =	simm.s32 @!p1 $0x1C00;
	s14 =	sadd.s32 @!p1 s14, s16;
	s16 =	simm.s32 @!p1 $0x20  }
0x26: {  	[tilespmem:s15], [sflag:$0x1] =	stream.strided.gather @!p1 [hbm4b:s14+s16], $0x1000, s17, s16, $0x38;
	[tilespmem:$0x4040] =	vst v63  }
0x27: {  	p1 =	sge.u32 s31, s5  }
.Ltmp2:
0x28: {  	_ = 	snop;
	(pc) =	sbr.rel @p1 .LBB1_5-.Ltmp2, $1  }
0x29: {  	_ =	sdelay $0x3  }
0x2a: {  	s14 =	simm.s32 $0x1  }
0x2b: {  	_ =	swait.ge [sflag:s4], $0x1000;
	s14 =	simm.s32 @!p0 $0x0  }
0x2c: {  	[sflag:s4] =	ssyncset.done $0x0;
	s15 =	sshll.u32 s14, $0xC  }
0x2d: {  	[sflag:s4] =	ssyncadd.s32 $0xFFFFF000;
	s18 =	sor.u32 $0x10, s15  }
0x2e: {  	s14 =	smul.u32 $0x4080, s14;
	v1 =	vld [tilespmem:s18+$0x0]  }
0x2f: {  	s30 =	sand.u32 $0x1, s11;
	v0 =	vld [tilespmem:s18+$0xFFFFFFF0]  }
0x30: {  	s15 =	smul.u32 $0x4080, s30;
	s14 =	sshrl.u32 s14, $0x2  }
0x31: {  	s16 =	sor.u32 $0x2000, s14  }
0x32: {  	s31 =	sshrl.u32 s15, $0x2;
	s15 =	sadd.s32 $0x0, s16  }
0x33: {  	s17 =	simm.s32 $0x4;
	s18 =	sadd.s32 $0x20, s18;
	s14 =	sor.u32 $0x2000, s31;
	[tilespmem:s15+$0x810 ss:$0x81] =	vst.msk $0xffff, v1  }
.LBB1_3:
0x34: {  	v1 =	vld [tilespmem:s18+$0x0];
	p1 =	sne.s32 s17, $0x1FC;
	[tilespmem:s15+$0x0 ss:$0x81] =	vst.msk $0xffff, v0;
	s15 =	smov.u32 s17;
	s17 =	sadd.s32 $0x4, s17  }
.Ltmp3:
0x35: {  	v0 =	vld [tilespmem:s18+$0xFFFFFFF0];
	(pc) =	sbr.rel @p1 .LBB1_3-.Ltmp3, $4  }
0x36: {  	_ = 	snop  }
0x37: {  	s15 =	sshra.s32 s15, $0x2  }
0x38: {  	s15 =	sadd.s32 s15, s16  }
0x39: {  	s18 =	sadd.s32 $0x20, s18;
	[tilespmem:s15+$0x810 ss:$0x81] =	vst.msk $0xffff, v1  }
.Ltmp4:
0x3a: {  	_ = 	snop;
	(pc) =	sbr.rel .LBB1_4-.Ltmp4, $1  }
0x3b: {  	_ =	sdelay $0x3  }
.LBB1_6:
0x3c: {  	_ =	sfence.sel $0x180000  }
0x3d: {  	s2 =	simm.s32 $0x1;
	[bflag:$0x0] =	sbarrier.arrive $0xFFFF  }
0x3e: {  	s31 =	simm.s32 $0x2;
	[sflag:s2] =	ssyncpa.u1 $0x1  }
0x3f: {  	[sflag:s31] =	ssyncpa.u1 $0x1  }
0x40: {  	p0 =	sne.s32 s0, $0x0;
	_ =	strace $0x9000004A  }
0x41: {  	s0 =	sadd.s32 @!p0 $0x100000, s1;
	[bflag:$0x2] =	sbarrier.arrive $0xFFFF  }
0x42: {  	[sflag:s0] =	ssyncadd.tile.s32 @!p0 $0x1;
	_ =	shalt  }
.Lfunc_end1:
_tile_overlayer_lowered:
.L_overlay_start_2:
0x43: {  	(tag) =	ssettag $0x2  }
0x44: {  	s0 =	rddreg [dreg:$0x0];
	s2 =	stileid.u32  }
0x45: {  	s1 =	rddreg [dreg:$0x1];
	p0 =	sne.s32 s2, $0x0  }
0x46: {  	s3 =	rddreg [dreg:$0x2];
	[bflag:$0x3] =	sbarrier.arrive $0xFFFF;
	s2 =	simm.s32 @!p0 $0x1C01  }
0x47: {  	[timem:s3], [sflag:s2] =	dma.local @!p0 [hbm:s0], s1  }
0x48: {  	s0 =	simm.s32 @!p0 $0x1  }
0x49: {  	_ =	swait.ge @!p0 [sflag:s0], s1  }
0x4a: {  	s1 =	ssub.s32 @!p0 $0x0, s1;
	[sflag:s0] =	ssyncset.done @!p0 $0x0  }
0x4b: {  	[sflag:s0] =	ssyncadd.s32 @!p0 s1  }
0x4c: {  	[bflag:$0x3] =	sbarrier.arrive $0xFFFF  }
0x4d: {  	_ =	shalt  }

</sc_bundles>
